<compile_context>
chip_gen: v7x
topology: tpu7x:2x2x1
jax: 0.10.2.dev20260603
libtpu: 0.0.44.dev20260713+nightly
codegen_flags: <defaults>
</compile_context>

<pallas_src>
import functools

import jax
import jax.numpy as jnp
from jax import lax
from jax.experimental import pallas as pl
from jax.experimental.pallas import tpu as pltpu

EPS = 1e-5
R = 0.2
K = 20

N = 10000
ROW_TILE = 1000


def _fps_kernel(xr_ref, x3_ref, q_ref, dist_ref, *, n, q_count, lanes):
    dim = xr_ref.shape[1]
    s_iota = lax.broadcasted_iota(jnp.int32, (8, lanes), 0)
    l_iota = lax.broadcasted_iota(jnp.int32, (8, lanes), 1)
    j_iota = s_iota * lanes + l_iota
    in_range = j_iota < n

    def new_dist(c_row):
        cb = c_row.reshape(dim, 1, 1)
        diff = x3_ref[...] - cb
        return jnp.sum(diff * diff, axis=0)

    c0 = xr_ref[0:1, :]
    q_ref[0:1, :] = c0
    dist_ref[...] = jnp.where(in_range, new_dist(c0), -jnp.inf)

    def body(t, _):
        dist = dist_ref[...]
        m = jnp.max(dist)
        nxt = jnp.min(jnp.where(dist == m, j_iota, jnp.int32(2**30)))
        c = xr_ref[pl.ds(nxt, 1), :]
        q_ref[pl.ds(t, 1), :] = c
        dist_ref[...] = jnp.minimum(dist, new_dist(c))
        return 0

    lax.fori_loop(1, q_count, body, 0)


def _fps_q(x, q_count):
    n, dim = x.shape
    lanes = ((n + 8 * 128 - 1) // (8 * 128)) * 128
    npad = 8 * lanes
    x_pad = jnp.zeros((npad, dim), x.dtype).at[:n].set(x)
    x3 = x_pad.T.reshape(dim, 8, lanes)
    return pl.pallas_call(
        functools.partial(_fps_kernel, n=n, q_count=q_count, lanes=lanes),
        in_specs=[
            pl.BlockSpec((npad, dim), lambda: (0, 0)),
            pl.BlockSpec((dim, 8, lanes), lambda: (0, 0, 0)),
        ],
        out_specs=pl.BlockSpec((q_count, dim), lambda: (0, 0)),
        out_shape=jax.ShapeDtypeStruct((q_count, dim), jnp.float32),
        scratch_shapes=[pltpu.VMEM((8, lanes), jnp.float32)],
    )(x_pad, x3)


def _topk_kernel(q_ref, xt_ref, col_ref, val_ref, *, n):
    dim, npad = xt_ref.shape
    xt = xt_ref[...]
    sq = jnp.sum(xt * xt, axis=0, keepdims=True)
    qv = q_ref[...]
    qq = jnp.sum(qv * qv, axis=1, keepdims=True)
    dot = jnp.dot(qv, xt, preferred_element_type=jnp.float32,
                  precision=lax.Precision.DEFAULT)
    d2 = qq - 2.0 * dot + sq
    col_iota = lax.broadcasted_iota(jnp.int32, d2.shape, 1)
    d2m = jnp.where((d2 <= R * R) & (col_iota < n), d2, jnp.inf)
    for r in range(K):
        m = jnp.min(d2m, axis=1, keepdims=True)
        sel = jnp.min(jnp.where(d2m == m, col_iota, jnp.int32(2**30)),
                      axis=1, keepdims=True)
        col_ref[:, r:r + 1] = sel
        val_ref[:, r:r + 1] = jnp.where(jnp.isfinite(m), 1.0, 0.0)
        if r < K - 1:
            d2m = jnp.where(col_iota == sel, jnp.inf, d2m)


def _radius_topk(qpts, x):
    qn, dim = qpts.shape
    n = x.shape[0]
    tq = 128
    qpad = ((qn + tq - 1) // tq) * tq
    npad = ((n + 127) // 128) * 128
    q_p = jnp.zeros((qpad, dim), qpts.dtype).at[:qn].set(qpts)
    xt = jnp.zeros((dim, npad), x.dtype).at[:, :n].set(x.T)
    col, val = pl.pallas_call(
        functools.partial(_topk_kernel, n=n),
        grid=(qpad // tq,),
        in_specs=[
            pl.BlockSpec((tq, dim), lambda i: (i, 0)),
            pl.BlockSpec((dim, npad), lambda i: (0, 0)),
        ],
        out_specs=[
            pl.BlockSpec((tq, K), lambda i: (i, 0)),
            pl.BlockSpec((tq, K), lambda i: (i, 0)),
        ],
        out_shape=[
            jax.ShapeDtypeStruct((qpad, K), jnp.int32),
            jax.ShapeDtypeStruct((qpad, K), jnp.float32),
        ],
    )(q_p, xt)
    return col[:qn], val[:qn]


def _edge_kernel(*refs, n_layers):
    f_ref, out_ref = refs[0], refs[-1]
    h = f_ref[...]
    for li in range(n_layers):
        w = refs[1 + 2 * li][...]
        p = refs[2 + 2 * li]
        z = jnp.dot(h, w, preferred_element_type=jnp.float32)
        b, g, be, rm, rv = (p[0:1, :], p[1:2, :], p[2:3, :], p[3:4, :],
                            p[4:5, :])
        h = (jax.nn.relu(z + b) - rm) / jnp.sqrt(rv + EPS) * g + be
    out_ref[...] = h


def _edge_mlp(feat, layers):
    e, din = feat.shape
    t = 2000
    epad = ((e + t - 1) // t) * t
    f = jnp.zeros((epad, din), feat.dtype).at[:e].set(feat)
    args = [f]
    in_specs = [pl.BlockSpec((t, din), lambda i: (i, 0))]
    for L in layers:
        dout, dk = L["W"].shape
        args += [L["W"].T, _pack_bn(L)]
        in_specs += [
            pl.BlockSpec((dk, dout), lambda i: (0, 0)),
            pl.BlockSpec((5, dout), lambda i: (0, 0)),
        ]
    dlast = layers[-1]["W"].shape[0]
    out = pl.pallas_call(
        functools.partial(_edge_kernel, n_layers=len(layers)),
        grid=(epad // t,),
        in_specs=in_specs,
        out_specs=pl.BlockSpec((t, dlast), lambda i: (i, 0)),
        out_shape=jax.ShapeDtypeStruct((epad, dlast), jnp.float32),
    )(*args)
    return out[:e]


def _dock_module(x, layers):
    n = x.shape[0]
    q = (n + 1) // 2
    xs = lax.stop_gradient(x)
    qpts = _fps_q(xs, q)
    col, valid = _radius_topk(qpts, xs)
    row = jnp.broadcast_to(jnp.arange(q)[:, None], (q, K))
    col_f = jnp.minimum(col.reshape(-1), n - 1)
    row_f = row.reshape(-1)
    valid_f = valid.reshape(-1) > 0.5
    x_i = x[col_f]
    x_j = x[row_f]
    msg = _edge_mlp(jnp.concatenate([x_i, x_j - x_i], axis=-1), layers)
    out = jnp.full((n, msg.shape[1]), -jnp.inf, dtype=msg.dtype)
    out = out.at[col_f].max(jnp.where(valid_f[:, None], msg, -jnp.inf))
    return jnp.where(jnp.isneginf(out), 0.0, out)



def _head_kernel(x_ref, w1_ref, p1_ref, w2_ref, p2_ref, w3_ref, p3_ref,
                 wf_ref, bf_ref, out_ref, gmax_ref):
    i = pl.program_id(0)
    nsteps = pl.num_programs(0)

    z = jnp.dot(x_ref[...], w1_ref[...], preferred_element_type=jnp.float32)
    b, g, be, rm, rv = (p1_ref[0:1, :], p1_ref[1:2, :], p1_ref[2:3, :],
                        p1_ref[3:4, :], p1_ref[4:5, :])
    h = (jax.nn.relu(z + b) - rm) / jnp.sqrt(rv + EPS) * g + be
    tile_max = jnp.max(h, axis=0, keepdims=True)

    @pl.when(i == 0)
    def _():
        gmax_ref[...] = tile_max

    @pl.when(i > 0)
    def _():
        gmax_ref[...] = jnp.maximum(gmax_ref[...], tile_max)

    @pl.when(i == nsteps - 1)
    def _():
        gv = gmax_ref[...]
        z2 = jnp.dot(gv, w2_ref[...], preferred_element_type=jnp.float32)
        b2, g2, be2, rm2, rv2 = (p2_ref[0:1, :], p2_ref[1:2, :], p2_ref[2:3, :],
                                 p2_ref[3:4, :], p2_ref[4:5, :])
        y = (jax.nn.relu(z2 + b2) - rm2) / jnp.sqrt(rv2 + EPS) * g2 + be2
        z3 = jnp.dot(y, w3_ref[...], preferred_element_type=jnp.float32)
        b3, g3, be3, rm3, rv3 = (p3_ref[0:1, :], p3_ref[1:2, :], p3_ref[2:3, :],
                                 p3_ref[3:4, :], p3_ref[4:5, :])
        y = (jax.nn.relu(z3 + b3) - rm3) / jnp.sqrt(rv3 + EPS) * g3 + be3
        logits = jnp.dot(y, wf_ref[...], preferred_element_type=jnp.float32)
        logits = logits + bf_ref[0:1, :]
        m = jnp.max(logits, axis=1, keepdims=True)
        lse = jnp.log(jnp.sum(jnp.exp(logits - m), axis=1, keepdims=True)) + m
        out_ref[...] = logits - lse


def _pack_bn(L):
    return jnp.stack([L["b"], L["g"], L["be"], L["rm"], L["rv"]], axis=0)


def _head(x, params):
    l1 = params["lin1"][0]
    m1, m2 = params["mlp"]
    n = x.shape[0]
    grid = n // ROW_TILE
    out = pl.pallas_call(
        _head_kernel,
        grid=(grid,),
        in_specs=[
            pl.BlockSpec((ROW_TILE, 192), lambda i: (i, 0)),
            pl.BlockSpec((192, 1024), lambda i: (0, 0)),
            pl.BlockSpec((5, 1024), lambda i: (0, 0)),
            pl.BlockSpec((1024, 512), lambda i: (0, 0)),
            pl.BlockSpec((5, 512), lambda i: (0, 0)),
            pl.BlockSpec((512, 256), lambda i: (0, 0)),
            pl.BlockSpec((5, 256), lambda i: (0, 0)),
            pl.BlockSpec((256, 40), lambda i: (0, 0)),
            pl.BlockSpec((1, 40), lambda i: (0, 0)),
        ],
        out_specs=pl.BlockSpec((1, 40), lambda i: (0, 0)),
        out_shape=jax.ShapeDtypeStruct((1, 40), jnp.float32),
        scratch_shapes=[pltpu.VMEM((1, 1024), jnp.float32)],
    )(x, l1["W"].T, _pack_bn(l1), m1["W"].T, _pack_bn(m1), m2["W"].T,
      _pack_bn(m2), params["final_W"].T, params["final_b"][None, :])
    return out


def kernel(pos, batch, params):
    x1 = _dock_module(pos, params["conv1"])
    x2 = _dock_module(x1, params["conv2"])
    x = jnp.concatenate([x1, x2], axis=1)
    return _head(x, params)

# --- scband reference (transcript-rebuilt; emitter-appended) ---
"""Pipeline reference for scband-dock-point-net-72413148610698 (READ-ONLY COPY).

The authoritative reference and input builder live on the scoring server;
editing this copy changes nothing except your own understanding.
"""

import jax
import jax.numpy as jnp
import numpy as np
from jax import lax

EPS = 1e-5
R = 0.2
K = 20
OUT_CHANNELS = 40


def mlp_layer(x, L):
    x = x @ L["W"].T + L["b"]
    x = jax.nn.relu(x)
    return (x - L["rm"]) / jnp.sqrt(L["rv"] + EPS) * L["g"] + L["be"]


def run_mlp(x, layers):
    for L in layers:
        x = mlp_layer(x, L)
    return x


def fps(x, n_samples):
    # farthest point sampling, deterministic start at index 0 (single graph)
    d0 = jnp.sum((x - x[0]) ** 2, axis=1)

    def step(dist, _):
        nxt = jnp.argmax(dist)
        nd = jnp.sum((x - x[nxt]) ** 2, axis=1)
        return jnp.minimum(dist, nd), nxt

    _, idxs = lax.scan(step, d0, None, length=n_samples - 1)
    return jnp.concatenate([jnp.zeros((1,), dtype=idxs.dtype), idxs])


def dock_module(x, layers):
    # DockPointNet_Module: fps -> radius graph -> EdgeConv-style message -> scatter-max
    N = x.shape[0]
    Q = (N + 1) // 2  # ratio = 0.5
    xs = lax.stop_gradient(x)  # fps/radius are index-producing (non-differentiable) ops
    idx = fps(xs, Q)
    q = xs[idx]
    d2 = jnp.sum(q * q, axis=1, keepdims=True) - 2.0 * (q @ xs.T) + jnp.sum(xs * xs, axis=1)[None, :]
    d2m = jnp.where(d2 <= R * R, d2, jnp.inf)
    vals, col = lax.top_k(-d2m, K)  # up to K neighbors within radius per query
    valid = jnp.isfinite(vals)
    row = jnp.broadcast_to(jnp.arange(Q)[:, None], (Q, K))
    col_f = col.reshape(-1)
    row_f = row.reshape(-1)
    valid_f = valid.reshape(-1)
    # flow='target_to_source': edge_index = [col, row]; x_i = x[col], x_j = x[row]
    x_i = x[col_f]
    x_j = x[row_f]
    msg = run_mlp(jnp.concatenate([x_i, x_j - x_i], axis=-1), layers)
    out = jnp.full((N, msg.shape[1]), -jnp.inf, dtype=msg.dtype)
    out = out.at[col_f].max(jnp.where(valid_f[:, None], msg, -jnp.inf))
    return jnp.where(jnp.isneginf(out), 0.0, out)


def forward(pos, batch, params):
    x1 = dock_module(pos, params["conv1"])
    x2 = dock_module(x1, params["conv2"])
    h = run_mlp(jnp.concatenate([x1, x2], axis=1), params["lin1"])
    g = jax.ops.segment_max(h, batch, num_segments=1)  # global_max_pool (single graph)
    g = run_mlp(g, params["mlp"])  # Dropout is identity in eval mode
    out = g @ params["final_W"].T + params["final_b"]
    return jax.nn.log_softmax(out, axis=1)


def make_layer(key, din, dout):
    k1, _ = jax.random.split(key)
    return {"W": jax.random.normal(k1, (dout, din), dtype=jnp.float32) * (2.0 / din) ** 0.5,
            "b": jnp.zeros((dout,), jnp.float32),
            "g": jnp.ones((dout,), jnp.float32),
            "be": jnp.zeros((dout,), jnp.float32),
            "rm": jnp.zeros((dout,), jnp.float32),
            "rv": jnp.ones((dout,), jnp.float32)}


def setup_inputs(seed: int = 0):
    key = jax.random.key(seed)
    ks = jax.random.split(key, 10)
    N = 10000
    pos = jax.random.normal(ks[0], (N, 3), dtype=jnp.float32)
    batch = jnp.zeros((N,), dtype=jnp.int32)
    params = {
        "conv1": [make_layer(ks[1], 6, 64), make_layer(ks[2], 64, 64), make_layer(ks[3], 64, 64)],
        "conv2": [make_layer(ks[4], 128, 128)],
        "lin1": [make_layer(ks[5], 192, 1024)],
        "mlp": [make_layer(ks[6], 1024, 512), make_layer(ks[7], 512, 256)],
        "final_W": jax.random.normal(ks[8], (OUT_CHANNELS, 256), dtype=jnp.float32) * (1.0 / 256) ** 0.5,
        "final_b": jnp.zeros((OUT_CHANNELS,), jnp.float32),
    }
    return {"pos": pos, "batch": batch, "params": params}


def reference(pos, batch, params):
    return forward(pos, batch, params)

if __name__ == "__main__":
    import jax
    _d = setup_inputs()
    print(jax.jit(kernel)(*tuple(_d.values())))

</pallas_src>

<mosaic_0001>
module attributes {stable_mosaic.version = 14 : i64} {
  func.func @_fps_kernel(%arg0: memref<10240x3xf32, #tpu.memory_space<vmem>>, %arg1: memref<3x8x1280xf32, #tpu.memory_space<vmem>>, %arg2: memref<5000x3xf32, #tpu.memory_space<vmem>>, %arg3: memref<8x1280xf32, #tpu.memory_space<vmem>>) attributes {dimension_semantics = [], scalar_prefetch = 0 : i64, scratch_operands = 1 : i64, tpu.core_type = #tpu.core_type<tc>} {
    %iota3A = tpu.iota {dimensions = array<i32: 0>} : vector<8x1280xi32>
    %iota3A_0 = tpu.iota {dimensions = array<i32: 1>} : vector<8x1280xi32>
    %mul3A = arith.constant 1280 : i32
    %mul3A_1 = vector.broadcast %mul3A : i32 to vector<8x1280xi32>
    %mul3A_2 = arith.muli %iota3A, %mul3A_1 : vector<8x1280xi32>
    %add3A = arith.addi %mul3A_2, %iota3A_0 : vector<8x1280xi32>
    %lt3A = arith.constant 10000 : i32
    %lt3A_3 = vector.broadcast %lt3A : i32 to vector<8x1280xi32>
    %lt3A_4 = arith.cmpi slt, %add3A, %lt3A_3 : vector<8x1280xi32>
    %get3A = arith.constant 0 : index
    %get3A_5 = arith.constant 0 : index
    %get3A_6 = vector.load %arg0[%get3A, %get3A_5] : memref<10240x3xf32, #tpu.memory_space<vmem>>, vector<1x3xf32>
    %swap3A = arith.constant 0 : index
    %swap3A_7 = arith.constant 0 : index
    %swap3A_8 = vector.load %arg2[%swap3A, %swap3A_7] : memref<5000x3xf32, #tpu.memory_space<vmem>>, vector<1x3xf32>
    tpu.vector_store %arg2[%swap3A, %swap3A_7], %get3A_6 {strides = array<i32>} : memref<5000x3xf32, #tpu.memory_space<vmem>>, vector<1x3xf32>,
    %reshape3A = vector.shape_cast %get3A_6 : vector<1x3xf32> to vector<3x1x1xf32>
    %get3A_9 = arith.constant 0 : index
    %get3A_10 = arith.constant 0 : index
    %get3A_11 = arith.constant 0 : index
    %get3A_12 = vector.load %arg1[%get3A_9, %get3A_10, %get3A_11] : memref<3x8x1280xf32, #tpu.memory_space<vmem>>, vector<3x8x1280xf32>
    %sub3A = vector.broadcast %reshape3A : vector<3x1x1xf32> to vector<3x8x1280xf32>
    %sub3A_13 = arith.subf %get3A_12, %sub3A : vector<3x8x1280xf32>
    %mul3A_14 = arith.mulf %sub3A_13, %sub3A_13 : vector<3x8x1280xf32>
    %reduce_sum3A = arith.constant dense<0.000000e+00> : vector<8x1280xf32>
    %reduce_sum3A_15 = vector.multi_reduction <add>, %mul3A_14, %reduce_sum3A [0] : vector<3x8x1280xf32> to vector<8x1280xf32>
    %jit3A = arith.constant 0xFF800000 : f32
    %broadcast_in_dim3A = vector.broadcast %jit3A : f32 to vector<8x1280xf32>
    %select_n3A = arith.select %lt3A_4, %reduce_sum3A_15, %broadcast_in_dim3A : vector<8x1280xi1>, vector<8x1280xf32>
    %swap3A_16 = arith.constant 0 : index
    %swap3A_17 = arith.constant 0 : index
    %swap3A_18 = vector.load %arg3[%swap3A_16, %swap3A_17] : memref<8x1280xf32, #tpu.memory_space<vmem>>, vector<8x1280xf32>
    tpu.vector_store %arg3[%swap3A_16, %swap3A_17], %select_n3A {strides = array<i32>} : memref<8x1280xf32, #tpu.memory_space<vmem>>, vector<8x1280xf32>,
    %scan3A = arith.constant 1 : i32
    %scan3A_19 = arith.constant 4999 : i32
    %scan3A_20 = arith.addi %scan3A, %scan3A_19 : i32
    %scan3A_21 = arith.constant 1 : i32
    scf.for %scan3A_23 = %scan3A to %scan3A_20 step %scan3A_21  : i32 {
      %get3A_24 = arith.constant 0 : index
      %get3A_25 = arith.constant 0 : index
      %get3A_26 = vector.load %arg3[%get3A_24, %get3A_25] : memref<8x1280xf32, #tpu.memory_space<vmem>>, vector<8x1280xf32>
      %reduce_max3A = vector.shape_cast %get3A_26 : vector<8x1280xf32> to vector<1x8x1280xf32>
      %reduce_max3A_27 = arith.constant dense<0xFF800000> : vector<1xf32>
      %reduce_max3A_28 = vector.multi_reduction <maximumf>, %reduce_max3A, %reduce_max3A_27 [1, 2] : vector<1x8x1280xf32> to vector<1xf32>
      %reduce_max3A_29 = vector.shape_cast %reduce_max3A_28 : vector<1xf32> to vector<1x1x1xf32>
      %reduce_max3A_30 = vector.extract %reduce_max3A_29[0, 0, 0] : f32 from vector<1x1x1xf32>
      %eq3A = vector.broadcast %reduce_max3A_30 : f32 to vector<8x1280xf32>
      %eq3A_31 = arith.cmpf oeq, %get3A_26, %eq3A : vector<8x1280xf32>
      %jit3A_32 = arith.constant 1073741824 : i32
      %broadcast_in_dim3A_33 = vector.broadcast %jit3A_32 : i32 to vector<8x1280xi32>
      %select_n3A_34 = arith.select %eq3A_31, %add3A, %broadcast_in_dim3A_33 : vector<8x1280xi1>, vector<8x1280xi32>
      %reduce_min3A = vector.shape_cast %select_n3A_34 : vector<8x1280xi32> to vector<1x8x1280xi32>
      %reduce_min3A_35 = arith.constant dense<2147483647> : vector<1xi32>
      %reduce_min3A_36 = vector.multi_reduction <minsi>, %reduce_min3A, %reduce_min3A_35 [1, 2] : vector<1x8x1280xi32> to vector<1xi32>
      %reduce_min3A_37 = vector.shape_cast %reduce_min3A_36 : vector<1xi32> to vector<1x1x1xi32>
      %reduce_min3A_38 = vector.extract %reduce_min3A_37[0, 0, 0] : i32 from vector<1x1x1xi32>
      %get3A_39 = arith.index_cast %reduce_min3A_38 : i32 to index
      %get3A_40 = arith.constant 0 : index
      %get3A_41 = vector.load %arg0[%get3A_39, %get3A_40] : memref<10240x3xf32, #tpu.memory_space<vmem>>, vector<1x3xf32>
      %swap3A_42 = arith.index_cast %scan3A_23 : i32 to index
      %swap3A_43 = arith.constant 0 : index
      %swap3A_44 = vector.load %arg2[%swap3A_42, %swap3A_43] : memref<5000x3xf32, #tpu.memory_space<vmem>>, vector<1x3xf32>
      tpu.vector_store %arg2[%swap3A_42, %swap3A_43], %get3A_41 {strides = array<i32>} : memref<5000x3xf32, #tpu.memory_space<vmem>>, vector<1x3xf32>,
      %reshape3A_45 = vector.shape_cast %get3A_41 : vector<1x3xf32> to vector<3x1x1xf32>
      %get3A_46 = arith.constant 0 : index
      %get3A_47 = arith.constant 0 : index
      %get3A_48 = arith.constant 0 : index
      %get3A_49 = vector.load %arg1[%get3A_46, %get3A_47, %get3A_48] : memref<3x8x1280xf32, #tpu.memory_space<vmem>>, vector<3x8x1280xf32>
      %sub3A_50 = vector.broadcast %reshape3A_45 : vector<3x1x1xf32> to vector<3x8x1280xf32>
      %sub3A_51 = arith.subf %get3A_49, %sub3A_50 : vector<3x8x1280xf32>
      %mul3A_52 = arith.mulf %sub3A_51, %sub3A_51 : vector<3x8x1280xf32>
      %reduce_sum3A_53 = arith.constant dense<0.000000e+00> : vector<8x1280xf32>
      %reduce_sum3A_54 = vector.multi_reduction <add>, %mul3A_52, %reduce_sum3A_53 [0] : vector<3x8x1280xf32> to vector<8x1280xf32>
      %min3A = arith.minimumf %get3A_26, %reduce_sum3A_54 : vector<8x1280xf32>
      %swap3A_55 = arith.constant 0 : index
      %swap3A_56 = arith.constant 0 : index
      %swap3A_57 = vector.load %arg3[%swap3A_55, %swap3A_56] : memref<8x1280xf32, #tpu.memory_space<vmem>>, vector<8x1280xf32>
      tpu.vector_store %arg3[%swap3A_55, %swap3A_56], %min3A {strides = array<i32>} : memref<8x1280xf32, #tpu.memory_space<vmem>>, vector<8x1280xf32>,
    }
    %scan3A_22 = arith.constant 4999 : i32
    return
  }
}

module attributes {stable_mosaic.version = 14 : i64} {
  func.func @_topk_kernel(%arg0: i32, %arg1: memref<128x3xf32, #tpu.memory_space<vmem>>, %arg2: memref<3x10112xf32, #tpu.memory_space<vmem>>, %arg3: memref<128x20xi32, #tpu.memory_space<vmem>>, %arg4: memref<128x20xf32, #tpu.memory_space<vmem>>) attributes {dimension_semantics = [#tpu.dimension_semantics<arbitrary>], iteration_bounds = array<i64: 40>, scalar_prefetch = 0 : i64, scratch_operands = 0 : i64, tpu.core_type = #tpu.core_type<tc>, window_params = [{transform_indices = @transform_0, window_bounds = array<i64: 128, 3>}, {pipeline_mode = #tpu.pipeline_mode<synchronous>, transform_indices = @transform_1, window_bounds = array<i64: 3, 10112>}, {transform_indices = @transform_2, window_bounds = array<i64: 128, 20>}, {transform_indices = @transform_3, window_bounds = array<i64: 128, 20>}]} {
    %get3A = arith.constant 0 : index
    %get3A_0 = arith.constant 0 : index
    %get3A_1 = vector.load %arg2[%get3A, %get3A_0] : memref<3x10112xf32, #tpu.memory_space<vmem>>, vector<3x10112xf32>
    %mul3A = arith.mulf %get3A_1, %get3A_1 : vector<3x10112xf32>
    %reduce_sum3A = arith.constant dense<0.000000e+00> : vector<10112xf32>
    %reduce_sum3A_2 = vector.multi_reduction <add>, %mul3A, %reduce_sum3A [0] : vector<3x10112xf32> to vector<10112xf32>
    %broadcast_in_dim3A = vector.shape_cast %reduce_sum3A_2 : vector<10112xf32> to vector<1x10112xf32>
    %get3A_3 = arith.constant 0 : index
    %get3A_4 = arith.constant 0 : index
    %get3A_5 = vector.load %arg1[%get3A_3, %get3A_4] : memref<128x3xf32, #tpu.memory_space<vmem>>, vector<128x3xf32>
    %mul3A_6 = arith.mulf %get3A_5, %get3A_5 : vector<128x3xf32>
    %reduce_sum3A_7 = arith.constant dense<0.000000e+00> : vector<128xf32>
    %reduce_sum3A_8 = vector.multi_reduction <add>, %mul3A_6, %reduce_sum3A_7 [1] : vector<128x3xf32> to vector<128xf32>
    %broadcast_in_dim3A_9 = vector.shape_cast %reduce_sum3A_8 : vector<128xf32> to vector<128x1xf32>
    %dot_general3A = arith.constant dense<0.000000e+00> : vector<128x10112xf32>
    %dot_general3A_10 = tpu.matmul %get3A_5, %get3A_1, %dot_general3A {dimension_numbers = #tpu.dot_dimension_numbers<[1], [0], [0], [1], [0, 0, 1, 1], [], []>, transpose_lhs_hint = false} : vector<128x3xf32>, vector<3x10112xf32>, vector<128x10112xf32> -> vector<128x10112xf32>
    %mul3A_11 = arith.constant 2.000000e+00 : f32
    %mul3A_12 = vector.broadcast %mul3A_11 : f32 to vector<128x10112xf32>
    %mul3A_13 = arith.mulf %mul3A_12, %dot_general3A_10 : vector<128x10112xf32>
    %sub3A = vector.broadcast %broadcast_in_dim3A_9 : vector<128x1xf32> to vector<128x10112xf32>
    %sub3A_14 = arith.subf %sub3A, %mul3A_13 : vector<128x10112xf32>
    %add3A = vector.broadcast %broadcast_in_dim3A : vector<1x10112xf32> to vector<128x10112xf32>
    %add3A_15 = arith.addf %sub3A_14, %add3A : vector<128x10112xf32>
    %iota3A = tpu.iota {dimensions = array<i32: 1>} : vector<128x10112xi32>
    %le3A = arith.constant 4.000000e-02 : f32
    %le3A_16 = vector.broadcast %le3A : f32 to vector<128x10112xf32>
    %le3A_17 = arith.cmpf ole, %add3A_15, %le3A_16 : vector<128x10112xf32>
    %lt3A = arith.constant 10000 : i32
    %lt3A_18 = vector.broadcast %lt3A : i32 to vector<128x10112xi32>
    %lt3A_19 = arith.cmpi slt, %iota3A, %lt3A_18 : vector<128x10112xi32>
    %and3A = arith.andi %le3A_17, %lt3A_19 : vector<128x10112xi1>
    %jit3A = arith.constant 0x7F800000 : f32
    %broadcast_in_dim3A_20 = vector.broadcast %jit3A : f32 to vector<128x10112xf32>
    %select_n3A = arith.select %and3A, %add3A_15, %broadcast_in_dim3A_20 : vector<128x10112xi1>, vector<128x10112xf32>
    %reduce_min3A = arith.constant dense<0x7F800000> : vector<128xf32>
    %reduce_min3A_21 = vector.multi_reduction <minimumf>, %select_n3A, %reduce_min3A [1] : vector<128x10112xf32> to vector<128xf32>
    %broadcast_in_dim3A_22 = vector.shape_cast %reduce_min3A_21 : vector<128xf32> to vector<128x1xf32>
    %eq3A = vector.broadcast %broadcast_in_dim3A_22 : vector<128x1xf32> to vector<128x10112xf32>
    %eq3A_23 = arith.cmpf oeq, %select_n3A, %eq3A : vector<128x10112xf32>
    %jit3A_24 = arith.constant 1073741824 : i32
    %broadcast_in_dim3A_25 = vector.broadcast %jit3A_24 : i32 to vector<128x10112xi32>
    %select_n3A_26 = arith.select %eq3A_23, %iota3A, %broadcast_in_dim3A_25 : vector<128x10112xi1>, vector<128x10112xi32>
    %reduce_min3A_27 = arith.constant dense<2147483647> : vector<128xi32>
    %reduce_min3A_28 = vector.multi_reduction <minsi>, %select_n3A_26, %reduce_min3A_27 [1] : vector<128x10112xi32> to vector<128xi32>
    %broadcast_in_dim3A_29 = vector.shape_cast %reduce_min3A_28 : vector<128xi32> to vector<128x1xi32>
    %swap3A = arith.constant 0 : index
    %swap3A_30 = arith.constant 0 : index
    %swap3A_31 = vector.load %arg3[%swap3A, %swap3A_30] : memref<128x20xi32, #tpu.memory_space<vmem>>, vector<128x1xi32>
    tpu.vector_store %arg3[%swap3A, %swap3A_30], %broadcast_in_dim3A_29 {strides = array<i32>} : memref<128x20xi32, #tpu.memory_space<vmem>>, vector<128x1xi32>,
    %is_finite3A = tpu.weird %broadcast_in_dim3A_22 : vector<128x1xf32> -> vector<128x1xi1>
    %is_finite3A_32 = arith.constant dense<true> : vector<128x1xi1>
    %is_finite3A_33 = arith.xori %is_finite3A, %is_finite3A_32 : vector<128x1xi1>
    %jit3A_34 = arith.constant 1.000000e+00 : f32
    %jit3A_35 = arith.constant 0.000000e+00 : f32
    %broadcast_in_dim3A_36 = vector.broadcast %jit3A_34 : f32 to vector<128x1xf32>
    %broadcast_in_dim3A_37 = vector.broadcast %jit3A_35 : f32 to vector<128x1xf32>
    %select_n3A_38 = arith.select %is_finite3A_33, %broadcast_in_dim3A_36, %broadcast_in_dim3A_37 : vector<128x1xi1>, vector<128x1xf32>
    %swap3A_39 = arith.constant 0 : index
    %swap3A_40 = arith.constant 0 : index
    %swap3A_41 = vector.load %arg4[%swap3A_39, %swap3A_40] : memref<128x20xf32, #tpu.memory_space<vmem>>, vector<128x1xf32>
    tpu.vector_store %arg4[%swap3A_39, %swap3A_40], %select_n3A_38 {strides = array<i32>} : memref<128x20xf32, #tpu.memory_space<vmem>>, vector<128x1xf32>,
    %eq3A_42 = vector.broadcast %broadcast_in_dim3A_29 : vector<128x1xi32> to vector<128x10112xi32>
    %eq3A_43 = arith.cmpi eq, %iota3A, %eq3A_42 : vector<128x10112xi32>
    %jit3A_44 = arith.constant 0x7F800000 : f32
    %broadcast_in_dim3A_45 = vector.broadcast %jit3A_44 : f32 to vector<128x10112xf32>
    %select_n3A_46 = arith.select %eq3A_43, %broadcast_in_dim3A_45, %select_n3A : vector<128x10112xi1>, vector<128x10112xf32>
    %reduce_min3A_47 = arith.constant dense<0x7F800000> : vector<128xf32>
    %reduce_min3A_48 = vector.multi_reduction <minimumf>, %select_n3A_46, %reduce_min3A_47 [1] : vector<128x10112xf32> to vector<128xf32>
    %broadcast_in_dim3A_49 = vector.shape_cast %reduce_min3A_48 : vector<128xf32> to vector<128x1xf32>
    %eq3A_50 = vector.broadcast %broadcast_in_dim3A_49 : vector<128x1xf32> to vector<128x10112xf32>
    %eq3A_51 = arith.cmpf oeq, %select_n3A_46, %eq3A_50 : vector<128x10112xf32>
    %jit3A_52 = arith.constant 1073741824 : i32
    %broadcast_in_dim3A_53 = vector.broadcast %jit3A_52 : i32 to vector<128x10112xi32>
    %select_n3A_54 = arith.select %eq3A_51, %iota3A, %broadcast_in_dim3A_53 : vector<128x10112xi1>, vector<128x10112xi32>
    %reduce_min3A_55 = arith.constant dense<2147483647> : vector<128xi32>
    %reduce_min3A_56 = vector.multi_reduction <minsi>, %select_n3A_54, %reduce_min3A_55 [1] : vector<128x10112xi32> to vector<128xi32>
    %broadcast_in_dim3A_57 = vector.shape_cast %reduce_min3A_56 : vector<128xi32> to vector<128x1xi32>
    %swap3A_58 = arith.constant 0 : index
    %swap3A_59 = arith.constant 1 : index
    %swap3A_60 = vector.load %arg3[%swap3A_58, %swap3A_59] : memref<128x20xi32, #tpu.memory_space<vmem>>, vector<128x1xi32>
    tpu.vector_store %arg3[%swap3A_58, %swap3A_59], %broadcast_in_dim3A_57 {strides = array<i32>} : memref<128x20xi32, #tpu.memory_space<vmem>>, vector<128x1xi32>,
    %is_finite3A_61 = tpu.weird %broadcast_in_dim3A_49 : vector<128x1xf32> -> vector<128x1xi1>
    %is_finite3A_62 = arith.constant dense<true> : vector<128x1xi1>
    %is_finite3A_63 = arith.xori %is_finite3A_61, %is_finite3A_62 : vector<128x1xi1>
    %jit3A_64 = arith.constant 1.000000e+00 : f32
    %jit3A_65 = arith.constant 0.000000e+00 : f32
    %broadcast_in_dim3A_66 = vector.broadcast %jit3A_64 : f32 to vector<128x1xf32>
    %broadcast_in_dim3A_67 = vector.broadcast %jit3A_65 : f32 to vector<128x1xf32>
    %select_n3A_68 = arith.select %is_finite3A_63, %broadcast_in_dim3A_66, %broadcast_in_dim3A_67 : vector<128x1xi1>, vector<128x1xf32>
    %swap3A_69 = arith.constant 0 : index
    %swap3A_70 = arith.constant 1 : index
    %swap3A_71 = vector.load %arg4[%swap3A_69, %swap3A_70] : memref<128x20xf32, #tpu.memory_space<vmem>>, vector<128x1xf32>
    tpu.vector_store %arg4[%swap3A_69, %swap3A_70], %select_n3A_68 {strides = array<i32>} : memref<128x20xf32, #tpu.memory_space<vmem>>, vector<128x1xf32>,
    %eq3A_72 = vector.broadcast %broadcast_in_dim3A_57 : vector<128x1xi32> to vector<128x10112xi32>
    %eq3A_73 = arith.cmpi eq, %iota3A, %eq3A_72 : vector<128x10112xi32>
    %jit3A_74 = arith.constant 0x7F800000 : f32
    %broadcast_in_dim3A_75 = vector.broadcast %jit3A_74 : f32 to vector<128x10112xf32>
    %select_n3A_76 = arith.select %eq3A_73, %broadcast_in_dim3A_75, %select_n3A_46 : vector<128x10112xi1>, vector<128x10112xf32>
    %reduce_min3A_77 = arith.constant dense<0x7F800000> : vector<128xf32>
    %reduce_min3A_78 = vector.multi_reduction <minimumf>, %select_n3A_76, %reduce_min3A_77 [1] : vector<128x10112xf32> to vector<128xf32>
    %broadcast_in_dim3A_79 = vector.shape_cast %reduce_min3A_78 : vector<128xf32> to vector<128x1xf32>
    %eq3A_80 = vector.broadcast %broadcast_in_dim3A_79 : vector<128x1xf32> to vector<128x10112xf32>
    %eq3A_81 = arith.cmpf oeq, %select_n3A_76, %eq3A_80 : vector<128x10112xf32>
    %jit3A_82 = arith.constant 1073741824 : i32
    %broadcast_in_dim3A_83 = vector.broadcast %jit3A_82 : i32 to vector<128x10112xi32>
    %select_n3A_84 = arith.select %eq3A_81, %iota3A, %broadcast_in_dim3A_83 : vector<128x10112xi1>, vector<128x10112xi32>
    %reduce_min3A_85 = arith.constant dense<2147483647> : vector<128xi32>
    %reduce_min3A_86 = vector.multi_reduction <minsi>, %select_n3A_84, %reduce_min3A_85 [1] : vector<128x10112xi32> to vector<128xi32>
    %broadcast_in_dim3A_87 = vector.shape_cast %reduce_min3A_86 : vector<128xi32> to vector<128x1xi32>
    %swap3A_88 = arith.constant 0 : index
    %swap3A_89 = arith.constant 2 : index
    %swap3A_90 = vector.load %arg3[%swap3A_88, %swap3A_89] : memref<128x20xi32, #tpu.memory_space<vmem>>, vector<128x1xi32>
    tpu.vector_store %arg3[%swap3A_88, %swap3A_89], %broadcast_in_dim3A_87 {strides = array<i32>} : memref<128x20xi32, #tpu.memory_space<vmem>>, vector<128x1xi32>,
    %is_finite3A_91 = tpu.weird %broadcast_in_dim3A_79 : vector<128x1xf32> -> vector<128x1xi1>
    %is_finite3A_92 = arith.constant dense<true> : vector<128x1xi1>
    %is_finite3A_93 = arith.xori %is_finite3A_91, %is_finite3A_92 : vector<128x1xi1>
    %jit3A_94 = arith.constant 1.000000e+00 : f32
    %jit3A_95 = arith.constant 0.000000e+00 : f32
    %broadcast_in_dim3A_96 = vector.broadcast %jit3A_94 : f32 to vector<128x1xf32>
    %broadcast_in_dim3A_97 = vector.broadcast %jit3A_95 : f32 to vector<128x1xf32>
    %select_n3A_98 = arith.select %is_finite3A_93, %broadcast_in_dim3A_96, %broadcast_in_dim3A_97 : vector<128x1xi1>, vector<128x1xf32>
    %swap3A_99 = arith.constant 0 : index
    %swap3A_100 = arith.constant 2 : index
    %swap3A_101 = vector.load %arg4[%swap3A_99, %swap3A_100] : memref<128x20xf32, #tpu.memory_space<vmem>>, vector<128x1xf32>
    tpu.vector_store %arg4[%swap3A_99, %swap3A_100], %select_n3A_98 {strides = array<i32>} : memref<128x20xf32, #tpu.memory_space<vmem>>, vector<128x1xf32>,
    %eq3A_102 = vector.broadcast %broadcast_in_dim3A_87 : vector<128x1xi32> to vector<128x10112xi32>
    %eq3A_103 = arith.cmpi eq, %iota3A, %eq3A_102 : vector<128x10112xi32>
    %jit3A_104 = arith.constant 0x7F800000 : f32
    %broadcast_in_dim3A_105 = vector.broadcast %jit3A_104 : f32 to vector<128x10112xf32>
    %select_n3A_106 = arith.select %eq3A_103, %broadcast_in_dim3A_105, %select_n3A_76 : vector<128x10112xi1>, vector<128x10112xf32>
    %reduce_min3A_107 = arith.constant dense<0x7F800000> : vector<128xf32>
    %reduce_min3A_108 = vector.multi_reduction <minimumf>, %select_n3A_106, %reduce_min3A_107 [1] : vector<128x10112xf32> to vector<128xf32>
    %broadcast_in_dim3A_109 = vector.shape_cast %reduce_min3A_108 : vector<128xf32> to vector<128x1xf32>
    %eq3A_110 = vector.broadcast %broadcast_in_dim3A_109 : vector<128x1xf32> to vector<128x10112xf32>
    %eq3A_111 = arith.cmpf oeq, %select_n3A_106, %eq3A_110 : vector<128x10112xf32>
    %jit3A_112 = arith.constant 1073741824 : i32
    %broadcast_in_dim3A_113 = vector.broadcast %jit3A_112 : i32 to vector<128x10112xi32>
    %select_n3A_114 = arith.select %eq3A_111, %iota3A, %broadcast_in_dim3A_113 : vector<128x10112xi1>, vector<128x10112xi32>
    %reduce_min3A_115 = arith.constant dense<2147483647> : vector<128xi32>
    %reduce_min3A_116 = vector.multi_reduction <minsi>, %select_n3A_114, %reduce_min3A_115 [1] : vector<128x10112xi32> to vector<128xi32>
    %broadcast_in_dim3A_117 = vector.shape_cast %reduce_min3A_116 : vector<128xi32> to vector<128x1xi32>
    %swap3A_118 = arith.constant 0 : index
    %swap3A_119 = arith.constant 3 : index
    %swap3A_120 = vector.load %arg3[%swap3A_118, %swap3A_119] : memref<128x20xi32, #tpu.memory_space<vmem>>, vector<128x1xi32>
    tpu.vector_store %arg3[%swap3A_118, %swap3A_119], %broadcast_in_dim3A_117 {strides = array<i32>} : memref<128x20xi32, #tpu.memory_space<vmem>>, vector<128x1xi32>,
    %is_finite3A_121 = tpu.weird %broadcast_in_dim3A_109 : vector<128x1xf32> -> vector<128x1xi1>
    %is_finite3A_122 = arith.constant dense<true> : vector<128x1xi1>
    %is_finite3A_123 = arith.xori %is_finite3A_121, %is_finite3A_122 : vector<128x1xi1>
    %jit3A_124 = arith.constant 1.000000e+00 : f32
    %jit3A_125 = arith.constant 0.000000e+00 : f32
    %broadcast_in_dim3A_126 = vector.broadcast %jit3A_124 : f32 to vector<128x1xf32>
    %broadcast_in_dim3A_127 = vector.broadcast %jit3A_125 : f32 to vector<128x1xf32>
    %select_n3A_128 = arith.select %is_finite3A_123, %broadcast_in_dim3A_126, %broadcast_in_dim3A_127 : vector<128x1xi1>, vector<128x1xf32>
    %swap3A_129 = arith.constant 0 : index
    %swap3A_130 = arith.constant 3 : index
    %swap3A_131 = vector.load %arg4[%swap3A_129, %swap3A_130] : memref<128x20xf32, #tpu.memory_space<vmem>>, vector<128x1xf32>
    tpu.vector_store %arg4[%swap3A_129, %swap3A_130], %select_n3A_128 {strides = array<i32>} : memref<128x20xf32, #tpu.memory_space<vmem>>, vector<128x1xf32>,
    %eq3A_132 = vector.broadcast %broadcast_in_dim3A_117 : vector<128x1xi32> to vector<128x10112xi32>
    %eq3A_133 = arith.cmpi eq, %iota3A, %eq3A_132 : vector<128x10112xi32>
    %jit3A_134 = arith.constant 0x7F800000 : f32
    %broadcast_in_dim3A_135 = vector.broadcast %jit3A_134 : f32 to vector<128x10112xf32>
    %select_n3A_136 = arith.select %eq3A_133, %broadcast_in_dim3A_135, %select_n3A_106 : vector<128x10112xi1>, vector<128x10112xf32>
    %reduce_min3A_137 = arith.constant dense<0x7F800000> : vector<128xf32>
    %reduce_min3A_138 = vector.multi_reduction <minimumf>, %select_n3A_136, %reduce_min3A_137 [1] : vector<128x10112xf32> to vector<128xf32>
    %broadcast_in_dim3A_139 = vector.shape_cast %reduce_min3A_138 : vector<128xf32> to vector<128x1xf32>
    %eq3A_140 = vector.broadcast %broadcast_in_dim3A_139 : vector<128x1xf32> to vector<128x10112xf32>
    %eq3A_141 = arith.cmpf oeq, %select_n3A_136, %eq3A_140 : vector<128x10112xf32>
    %jit3A_142 = arith.constant 1073741824 : i32
    %broadcast_in_dim3A_143 = vector.broadcast %jit3A_142 : i32 to vector<128x10112xi32>
    %select_n3A_144 = arith.select %eq3A_141, %iota3A, %broadcast_in_dim3A_143 : vector<128x10112xi1>, vector<128x10112xi32>
    %reduce_min3A_145 = arith.constant dense<2147483647> : vector<128xi32>
    %reduce_min3A_146 = vector.multi_reduction <minsi>, %select_n3A_144, %reduce_min3A_145 [1] : vector<128x10112xi32> to vector<128xi32>
    %broadcast_in_dim3A_147 = vector.shape_cast %reduce_min3A_146 : vector<128xi32> to vector<128x1xi32>
    %swap3A_148 = arith.constant 0 : index
    %swap3A_149 = arith.constant 4 : index
    %swap3A_150 = vector.load %arg3[%swap3A_148, %swap3A_149] : memref<128x20xi32, #tpu.memory_space<vmem>>, vector<128x1xi32>
    tpu.vector_store %arg3[%swap3A_148, %swap3A_149], %broadcast_in_dim3A_147 {strides = array<i32>} : memref<128x20xi32, #tpu.memory_space<vmem>>, vector<128x1xi32>,
    %is_finite3A_151 = tpu.weird %broadcast_in_dim3A_139 : vector<128x1xf32> -> vector<128x1xi1>
    %is_finite3A_152 = arith.constant dense<true> : vector<128x1xi1>
    %is_finite3A_153 = arith.xori %is_finite3A_151, %is_finite3A_152 : vector<128x1xi1>
    %jit3A_154 = arith.constant 1.000000e+00 : f32
    %jit3A_155 = arith.constant 0.000000e+00 : f32
    %broadcast_in_dim3A_156 = vector.broadcast %jit3A_154 : f32 to vector<128x1xf32>
    %broadcast_in_dim3A_157 = vector.broadcast %jit3A_155 : f32 to vector<128x1xf32>
    %select_n3A_158 = arith.select %is_finite3A_153, %broadcast_in_dim3A_156, %broadcast_in_dim3A_157 : vector<128x1xi1>, vector<128x1xf32>
    %swap3A_159 = arith.constant 0 : index
    %swap3A_160 = arith.constant 4 : index
    %swap3A_161 = vector.load %arg4[%swap3A_159, %swap3A_160] : memref<128x20xf32, #tpu.memory_space<vmem>>, vector<128x1xf32>
    tpu.vector_store %arg4[%swap3A_159, %swap3A_160], %select_n3A_158 {strides = array<i32>} : memref<128x20xf32, #tpu.memory_space<vmem>>, vector<128x1xf32>,
    %eq3A_162 = vector.broadcast %broadcast_in_dim3A_147 : vector<128x1xi32> to vector<128x10112xi32>
    %eq3A_163 = arith.cmpi eq, %iota3A, %eq3A_162 : vector<128x10112xi32>
    %jit3A_164 = arith.constant 0x7F800000 : f32
    %broadcast_in_dim3A_165 = vector.broadcast %jit3A_164 : f32 to vector<128x10112xf32>
    %select_n3A_166 = arith.select %eq3A_163, %broadcast_in_dim3A_165, %select_n3A_136 : vector<128x10112xi1>, vector<128x10112xf32>
    %reduce_min3A_167 = arith.constant dense<0x7F800000> : vector<128xf32>
    %reduce_min3A_168 = vector.multi_reduction <minimumf>, %select_n3A_166, %reduce_min3A_167 [1] : vector<128x10112xf32> to vector<128xf32>
    %broadcast_in_dim3A_169 = vector.shape_cast %reduce_min3A_168 : vector<128xf32> to vector<128x1xf32>
    %eq3A_170 = vector.broadcast %broadcast_in_dim3A_169 : vector<128x1xf32> to vector<128x10112xf32>
    %eq3A_171 = arith.cmpf oeq, %select_n3A_166, %eq3A_170 : vector<128x10112xf32>
    %jit3A_172 = arith.constant 1073741824 : i32
    %broadcast_in_dim3A_173 = vector.broadcast %jit3A_172 : i32 to vector<128x10112xi32>
    %select_n3A_174 = arith.select %eq3A_171, %iota3A, %broadcast_in_dim3A_173 : vector<128x10112xi1>, vector<128x10112xi32>
    %reduce_min3A_175 = arith.constant dense<2147483647> : vector<128xi32>
    %reduce_min3A_176 = vector.multi_reduction <minsi>, %select_n3A_174, %reduce_min3A_175 [1] : vector<128x10112xi32> to vector<128xi32>
    %broadcast_in_dim3A_177 = vector.shape_cast %reduce_min3A_176 : vector<128xi32> to vector<128x1xi32>
    %swap3A_178 = arith.constant 0 : index
    %swap3A_179 = arith.constant 5 : index
    %swap3A_180 = vector.load %arg3[%swap3A_178, %swap3A_179] : memref<128x20xi32, #tpu.memory_space<vmem>>, vector<128x1xi32>
    tpu.vector_store %arg3[%swap3A_178, %swap3A_179], %broadcast_in_dim3A_177 {strides = array<i32>} : memref<128x20xi32, #tpu.memory_space<vmem>>, vector<128x1xi32>,
    %is_finite3A_181 = tpu.weird %broadcast_in_dim3A_169 : vector<128x1xf32> -> vector<128x1xi1>
    %is_finite3A_182 = arith.constant dense<true> : vector<128x1xi1>
    %is_finite3A_183 = arith.xori %is_finite3A_181, %is_finite3A_182 : vector<128x1xi1>
    %jit3A_184 = arith.constant 1.000000e+00 : f32
    %jit3A_185 = arith.constant 0.000000e+00 : f32
    %broadcast_in_dim3A_186 = vector.broadcast %jit3A_184 : f32 to vector<128x1xf32>
    %broadcast_in_dim3A_187 = vector.broadcast %jit3A_185 : f32 to vector<128x1xf32>
    %select_n3A_188 = arith.select %is_finite3A_183, %broadcast_in_dim3A_186, %broadcast_in_dim3A_187 : vector<128x1xi1>, vector<128x1xf32>
    %swap3A_189 = arith.constant 0 : index
    %swap3A_190 = arith.constant 5 : index
    %swap3A_191 = vector.load %arg4[%swap3A_189, %swap3A_190] : memref<128x20xf32, #tpu.memory_space<vmem>>, vector<128x1xf32>
    tpu.vector_store %arg4[%swap3A_189, %swap3A_190], %select_n3A_188 {strides = array<i32>} : memref<128x20xf32, #tpu.memory_space<vmem>>, vector<128x1xf32>,
    %eq3A_192 = vector.broadcast %broadcast_in_dim3A_177 : vector<128x1xi32> to vector<128x10112xi32>
    %eq3A_193 = arith.cmpi eq, %iota3A, %eq3A_192 : vector<128x10112xi32>
    %jit3A_194 = arith.constant 0x7F800000 : f32
    %broadcast_in_dim3A_195 = vector.broadcast %jit3A_194 : f32 to vector<128x10112xf32>
    %select_n3A_196 = arith.select %eq3A_193, %broadcast_in_dim3A_195, %select_n3A_166 : vector<128x10112xi1>, vector<128x10112xf32>
    %reduce_min3A_197 = arith.constant dense<0x7F800000> : vector<128xf32>
    %reduce_min3A_198 = vector.multi_reduction <minimumf>, %select_n3A_196, %reduce_min3A_197 [1] : vector<128x10112xf32> to vector<128xf32>
    %broadcast_in_dim3A_199 = vector.shape_cast %reduce_min3A_198 : vector<128xf32> to vector<128x1xf32>
    %eq3A_200 = vector.broadcast %broadcast_in_dim3A_199 : vector<128x1xf32> to vector<128x10112xf32>
    %eq3A_201 = arith.cmpf oeq, %select_n3A_196, %eq3A_200 : vector<128x10112xf32>
    %jit3A_202 = arith.constant 1073741824 : i32
    %broadcast_in_dim3A_203 = vector.broadcast %jit3A_202 : i32 to vector<128x10112xi32>
    %select_n3A_204 = arith.select %eq3A_201, %iota3A, %broadcast_in_dim3A_203 : vector<128x10112xi1>, vector<128x10112xi32>
    %reduce_min3A_205 = arith.constant dense<2147483647> : vector<128xi32>
    %reduce_min3A_206 = vector.multi_reduction <minsi>, %select_n3A_204, %reduce_min3A_205 [1] : vector<128x10112xi32> to vector<128xi32>
    %broadcast_in_dim3A_207 = vector.shape_cast %reduce_min3A_206 : vector<128xi32> to vector<128x1xi32>
    %swap3A_208 = arith.constant 0 : index
    %swap3A_209 = arith.constant 6 : index
    %swap3A_210 = vector.load %arg3[%swap3A_208, %swap3A_209] : memref<128x20xi32, #tpu.memory_space<vmem>>, vector<128x1xi32>
    tpu.vector_store %arg3[%swap3A_208, %swap3A_209], %broadcast_in_dim3A_207 {strides = array<i32>} : memref<128x20xi32, #tpu.memory_space<vmem>>, vector<128x1xi32>,
    %is_finite3A_211 = tpu.weird %broadcast_in_dim3A_199 : vector<128x1xf32> -> vector<128x1xi1>
    %is_finite3A_212 = arith.constant dense<true> : vector<128x1xi1>
    %is_finite3A_213 = arith.xori %is_finite3A_211, %is_finite3A_212 : vector<128x1xi1>
    %jit3A_214 = arith.constant 1.000000e+00 : f32
    %jit3A_215 = arith.constant 0.000000e+00 : f32
    %broadcast_in_dim3A_216 = vector.broadcast %jit3A_214 : f32 to vector<128x1xf32>
    %broadcast_in_dim3A_217 = vector.broadcast %jit3A_215 : f32 to vector<128x1xf32>
    %select_n3A_218 = arith.select %is_finite3A_213, %broadcast_in_dim3A_216, %broadcast_in_dim3A_217 : vector<128x1xi1>, vector<128x1xf32>
    %swap3A_219 = arith.constant 0 : index
    %swap3A_220 = arith.constant 6 : index
    %swap3A_221 = vector.load %arg4[%swap3A_219, %swap3A_220] : memref<128x20xf32, #tpu.memory_space<vmem>>, vector<128x1xf32>
    tpu.vector_store %arg4[%swap3A_219, %swap3A_220], %select_n3A_218 {strides = array<i32>} : memref<128x20xf32, #tpu.memory_space<vmem>>, vector<128x1xf32>,
    %eq3A_222 = vector.broadcast %broadcast_in_dim3A_207 : vector<128x1xi32> to vector<128x10112xi32>
    %eq3A_223 = arith.cmpi eq, %iota3A, %eq3A_222 : vector<128x10112xi32>
    %jit3A_224 = arith.constant 0x7F800000 : f32
    %broadcast_in_dim3A_225 = vector.broadcast %jit3A_224 : f32 to vector<128x10112xf32>
    %select_n3A_226 = arith.select %eq3A_223, %broadcast_in_dim3A_225, %select_n3A_196 : vector<128x10112xi1>, vector<128x10112xf32>
    %reduce_min3A_227 = arith.constant dense<0x7F800000> : vector<128xf32>
    %reduce_min3A_228 = vector.multi_reduction <minimumf>, %select_n3A_226, %reduce_min3A_227 [1] : vector<128x10112xf32> to vector<128xf32>
    %broadcast_in_dim3A_229 = vector.shape_cast %reduce_min3A_228 : vector<128xf32> to vector<128x1xf32>
    %eq3A_230 = vector.broadcast %broadcast_in_dim3A_229 : vector<128x1xf32> to vector<128x10112xf32>
    %eq3A_231 = arith.cmpf oeq, %select_n3A_226, %eq3A_230 : vector<128x10112xf32>
    %jit3A_232 = arith.constant 1073741824 : i32
    %broadcast_in_dim3A_233 = vector.broadcast %jit3A_232 : i32 to vector<128x10112xi32>
    %select_n3A_234 = arith.select %eq3A_231, %iota3A, %broadcast_in_dim3A_233 : vector<128x10112xi1>, vector<128x10112xi32>
    %reduce_min3A_235 = arith.constant dense<2147483647> : vector<128xi32>
    %reduce_min3A_236 = vector.multi_reduction <minsi>, %select_n3A_234, %reduce_min3A_235 [1] : vector<128x10112xi32> to vector<128xi32>
    %broadcast_in_dim3A_237 = vector.shape_cast %reduce_min3A_236 : vector<128xi32> to vector<128x1xi32>
    %swap3A_238 = arith.constant 0 : index
    %swap3A_239 = arith.constant 7 : index
    %swap3A_240 = vector.load %arg3[%swap3A_238, %swap3A_239] : memref<128x20xi32, #tpu.memory_space<vmem>>, vector<128x1xi32>
    tpu.vector_store %arg3[%swap3A_238, %swap3A_239], %broadcast_in_dim3A_237 {strides = array<i32>} : memref<128x20xi32, #tpu.memory_space<vmem>>, vector<128x1xi32>,
    %is_finite3A_241 = tpu.weird %broadcast_in_dim3A_229 : vector<128x1xf32> -> vector<128x1xi1>
    %is_finite3A_242 = arith.constant dense<true> : vector<128x1xi1>
    %is_finite3A_243 = arith.xori %is_finite3A_241, %is_finite3A_242 : vector<128x1xi1>
    %jit3A_244 = arith.constant 1.000000e+00 : f32
    %jit3A_245 = arith.constant 0.000000e+00 : f32
    %broadcast_in_dim3A_246 = vector.broadcast %jit3A_244 : f32 to vector<128x1xf32>
    %broadcast_in_dim3A_247 = vector.broadcast %jit3A_245 : f32 to vector<128x1xf32>
    %select_n3A_248 = arith.select %is_finite3A_243, %broadcast_in_dim3A_246, %broadcast_in_dim3A_247 : vector<128x1xi1>, vector<128x1xf32>
    %swap3A_249 = arith.constant 0 : index
    %swap3A_250 = arith.constant 7 : index
    %swap3A_251 = vector.load %arg4[%swap3A_249, %swap3A_250] : memref<128x20xf32, #tpu.memory_space<vmem>>, vector<128x1xf32>
    tpu.vector_store %arg4[%swap3A_249, %swap3A_250], %select_n3A_248 {strides = array<i32>} : memref<128x20xf32, #tpu.memory_space<vmem>>, vector<128x1xf32>,
    %eq3A_252 = vector.broadcast %broadcast_in_dim3A_237 : vector<128x1xi32> to vector<128x10112xi32>
    %eq3A_253 = arith.cmpi eq, %iota3A, %eq3A_252 : vector<128x10112xi32>
    %jit3A_254 = arith.constant 0x7F800000 : f32
    %broadcast_in_dim3A_255 = vector.broadcast %jit3A_254 : f32 to vector<128x10112xf32>
    %select_n3A_256 = arith.select %eq3A_253, %broadcast_in_dim3A_255, %select_n3A_226 : vector<128x10112xi1>, vector<128x10112xf32>
    %reduce_min3A_257 = arith.constant dense<0x7F800000> : vector<128xf32>
    %reduce_min3A_258 = vector.multi_reduction <minimumf>, %select_n3A_256, %reduce_min3A_257 [1] : vector<128x10112xf32> to vector<128xf32>
    %broadcast_in_dim3A_259 = vector.shape_cast %reduce_min3A_258 : vector<128xf32> to vector<128x1xf32>
    %eq3A_260 = vector.broadcast %broadcast_in_dim3A_259 : vector<128x1xf32> to vector<128x10112xf32>
    %eq3A_261 = arith.cmpf oeq, %select_n3A_256, %eq3A_260 : vector<128x10112xf32>
    %jit3A_262 = arith.constant 1073741824 : i32
    %broadcast_in_dim3A_263 = vector.broadcast %jit3A_262 : i32 to vector<128x10112xi32>
    %select_n3A_264 = arith.select %eq3A_261, %iota3A, %broadcast_in_dim3A_263 : vector<128x10112xi1>, vector<128x10112xi32>
    %reduce_min3A_265 = arith.constant dense<2147483647> : vector<128xi32>
    %reduce_min3A_266 = vector.multi_reduction <minsi>, %select_n3A_264, %reduce_min3A_265 [1] : vector<128x10112xi32> to vector<128xi32>
    %broadcast_in_dim3A_267 = vector.shape_cast %reduce_min3A_266 : vector<128xi32> to vector<128x1xi32>
    %swap3A_268 = arith.constant 0 : index
    %swap3A_269 = arith.constant 8 : index
    %swap3A_270 = vector.load %arg3[%swap3A_268, %swap3A_269] : memref<128x20xi32, #tpu.memory_space<vmem>>, vector<128x1xi32>
    tpu.vector_store %arg3[%swap3A_268, %swap3A_269], %broadcast_in_dim3A_267 {strides = array<i32>} : memref<128x20xi32, #tpu.memory_space<vmem>>, vector<128x1xi32>,
    %is_finite3A_271 = tpu.weird %broadcast_in_dim3A_259 : vector<128x1xf32> -> vector<128x1xi1>
    %is_finite3A_272 = arith.constant dense<true> : vector<128x1xi1>
    %is_finite3A_273 = arith.xori %is_finite3A_271, %is_finite3A_272 : vector<128x1xi1>
    %jit3A_274 = arith.constant 1.000000e+00 : f32
    %jit3A_275 = arith.constant 0.000000e+00 : f32
    %broadcast_in_dim3A_276 = vector.broadcast %jit3A_274 : f32 to vector<128x1xf32>
    %broadcast_in_dim3A_277 = vector.broadcast %jit3A_275 : f32 to vector<128x1xf32>
    %select_n3A_278 = arith.select %is_finite3A_273, %broadcast_in_dim3A_276, %broadcast_in_dim3A_277 : vector<128x1xi1>, vector<128x1xf32>
    %swap3A_279 = arith.constant 0 : index
    %swap3A_280 = arith.constant 8 : index
    %swap3A_281 = vector.load %arg4[%swap3A_279, %swap3A_280] : memref<128x20xf32, #tpu.memory_space<vmem>>, vector<128x1xf32>
    tpu.vector_store %arg4[%swap3A_279, %swap3A_280], %select_n3A_278 {strides = array<i32>} : memref<128x20xf32, #tpu.memory_space<vmem>>, vector<128x1xf32>,
    %eq3A_282 = vector.broadcast %broadcast_in_dim3A_267 : vector<128x1xi32> to vector<128x10112xi32>
    %eq3A_283 = arith.cmpi eq, %iota3A, %eq3A_282 : vector<128x10112xi32>
    %jit3A_284 = arith.constant 0x7F800000 : f32
    %broadcast_in_dim3A_285 = vector.broadcast %jit3A_284 : f32 to vector<128x10112xf32>
    %select_n3A_286 = arith.select %eq3A_283, %broadcast_in_dim3A_285, %select_n3A_256 : vector<128x10112xi1>, vector<128x10112xf32>
    %reduce_min3A_287 = arith.constant dense<0x7F800000> : vector<128xf32>
    %reduce_min3A_288 = vector.multi_reduction <minimumf>, %select_n3A_286, %reduce_min3A_287 [1] : vector<128x10112xf32> to vector<128xf32>
    %broadcast_in_dim3A_289 = vector.shape_cast %reduce_min3A_288 : vector<128xf32> to vector<128x1xf32>
    %eq3A_290 = vector.broadcast %broadcast_in_dim3A_289 : vector<128x1xf32> to vector<128x10112xf32>
    %eq3A_291 = arith.cmpf oeq, %select_n3A_286, %eq3A_290 : vector<128x10112xf32>
    %jit3A_292 = arith.constant 1073741824 : i32
    %broadcast_in_dim3A_293 = vector.broadcast %jit3A_292 : i32 to vector<128x10112xi32>
    %select_n3A_294 = arith.select %eq3A_291, %iota3A, %broadcast_in_dim3A_293 : vector<128x10112xi1>, vector<128x10112xi32>
    %reduce_min3A_295 = arith.constant dense<2147483647> : vector<128xi32>
    %reduce_min3A_296 = vector.multi_reduction <minsi>, %select_n3A_294, %reduce_min3A_295 [1] : vector<128x10112xi32> to vector<128xi32>
    %broadcast_in_dim3A_297 = vector.shape_cast %reduce_min3A_296 : vector<128xi32> to vector<128x1xi32>
    %swap3A_298 = arith.constant 0 : index
    %swap3A_299 = arith.constant 9 : index
    %swap3A_300 = vector.load %arg3[%swap3A_298, %swap3A_299] : memref<128x20xi32, #tpu.memory_space<vmem>>, vector<128x1xi32>
    tpu.vector_store %arg3[%swap3A_298, %swap3A_299], %broadcast_in_dim3A_297 {strides = array<i32>} : memref<128x20xi32, #tpu.memory_space<vmem>>, vector<128x1xi32>,
    %is_finite3A_301 = tpu.weird %broadcast_in_dim3A_289 : vector<128x1xf32> -> vector<128x1xi1>
    %is_finite3A_302 = arith.constant dense<true> : vector<128x1xi1>
    %is_finite3A_303 = arith.xori %is_finite3A_301, %is_finite3A_302 : vector<128x1xi1>
    %jit3A_304 = arith.constant 1.000000e+00 : f32
    %jit3A_305 = arith.constant 0.000000e+00 : f32
    %broadcast_in_dim3A_306 = vector.broadcast %jit3A_304 : f32 to vector<128x1xf32>
    %broadcast_in_dim3A_307 = vector.broadcast %jit3A_305 : f32 to vector<128x1xf32>
    %select_n3A_308 = arith.select %is_finite3A_303, %broadcast_in_dim3A_306, %broadcast_in_dim3A_307 : vector<128x1xi1>, vector<128x1xf32>
    %swap3A_309 = arith.constant 0 : index
    %swap3A_310 = arith.constant 9 : index
    %swap3A_311 = vector.load %arg4[%swap3A_309, %swap3A_310] : memref<128x20xf32, #tpu.memory_space<vmem>>, vector<128x1xf32>
    tpu.vector_store %arg4[%swap3A_309, %swap3A_310], %select_n3A_308 {strides = array<i32>} : memref<128x20xf32, #tpu.memory_space<vmem>>, vector<128x1xf32>,
    %eq3A_312 = vector.broadcast %broadcast_in_dim3A_297 : vector<128x1xi32> to vector<128x10112xi32>
    %eq3A_313 = arith.cmpi eq, %iota3A, %eq3A_312 : vector<128x10112xi32>
    %jit3A_314 = arith.constant 0x7F800000 : f32
    %broadcast_in_dim3A_315 = vector.broadcast %jit3A_314 : f32 to vector<128x10112xf32>
    %select_n3A_316 = arith.select %eq3A_313, %broadcast_in_dim3A_315, %select_n3A_286 : vector<128x10112xi1>, vector<128x10112xf32>
    %reduce_min3A_317 = arith.constant dense<0x7F800000> : vector<128xf32>
    %reduce_min3A_318 = vector.multi_reduction <minimumf>, %select_n3A_316, %reduce_min3A_317 [1] : vector<128x10112xf32> to vector<128xf32>
    %broadcast_in_dim3A_319 = vector.shape_cast %reduce_min3A_318 : vector<128xf32> to vector<128x1xf32>
    %eq3A_320 = vector.broadcast %broadcast_in_dim3A_319 : vector<128x1xf32> to vector<128x10112xf32>
    %eq3A_321 = arith.cmpf oeq, %select_n3A_316, %eq3A_320 : vector<128x10112xf32>
    %jit3A_322 = arith.constant 1073741824 : i32
    %broadcast_in_dim3A_323 = vector.broadcast %jit3A_322 : i32 to vector<128x10112xi32>
    %select_n3A_324 = arith.select %eq3A_321, %iota3A, %broadcast_in_dim3A_323 : vector<128x10112xi1>, vector<128x10112xi32>
    %reduce_min3A_325 = arith.constant dense<2147483647> : vector<128xi32>
    %reduce_min3A_326 = vector.multi_reduction <minsi>, %select_n3A_324, %reduce_min3A_325 [1] : vector<128x10112xi32> to vector<128xi32>
    %broadcast_in_dim3A_327 = vector.shape_cast %reduce_min3A_326 : vector<128xi32> to vector<128x1xi32>
    %swap3A_328 = arith.constant 0 : index
    %swap3A_329 = arith.constant 10 : index
    %swap3A_330 = vector.load %arg3[%swap3A_328, %swap3A_329] : memref<128x20xi32, #tpu.memory_space<vmem>>, vector<128x1xi32>
    tpu.vector_store %arg3[%swap3A_328, %swap3A_329], %broadcast_in_dim3A_327 {strides = array<i32>} : memref<128x20xi32, #tpu.memory_space<vmem>>, vector<128x1xi32>,
    %is_finite3A_331 = tpu.weird %broadcast_in_dim3A_319 : vector<128x1xf32> -> vector<128x1xi1>
    %is_finite3A_332 = arith.constant dense<true> : vector<128x1xi1>
    %is_finite3A_333 = arith.xori %is_finite3A_331, %is_finite3A_332 : vector<128x1xi1>
    %jit3A_334 = arith.constant 1.000000e+00 : f32
    %jit3A_335 = arith.constant 0.000000e+00 : f32
    %broadcast_in_dim3A_336 = vector.broadcast %jit3A_334 : f32 to vector<128x1xf32>
    %broadcast_in_dim3A_337 = vector.broadcast %jit3A_335 : f32 to vector<128x1xf32>
    %select_n3A_338 = arith.select %is_finite3A_333, %broadcast_in_dim3A_336, %broadcast_in_dim3A_337 : vector<128x1xi1>, vector<128x1xf32>
    %swap3A_339 = arith.constant 0 : index
    %swap3A_340 = arith.constant 10 : index
    %swap3A_341 = vector.load %arg4[%swap3A_339, %swap3A_340] : memref<128x20xf32, #tpu.memory_space<vmem>>, vector<128x1xf32>
    tpu.vector_store %arg4[%swap3A_339, %swap3A_340], %select_n3A_338 {strides = array<i32>} : memref<128x20xf32, #tpu.memory_space<vmem>>, vector<128x1xf32>,
    %eq3A_342 = vector.broadcast %broadcast_in_dim3A_327 : vector<128x1xi32> to vector<128x10112xi32>
    %eq3A_343 = arith.cmpi eq, %iota3A, %eq3A_342 : vector<128x10112xi32>
    %jit3A_344 = arith.constant 0x7F800000 : f32
    %broadcast_in_dim3A_345 = vector.broadcast %jit3A_344 : f32 to vector<128x10112xf32>
    %select_n3A_346 = arith.select %eq3A_343, %broadcast_in_dim3A_345, %select_n3A_316 : vector<128x10112xi1>, vector<128x10112xf32>
    %reduce_min3A_347 = arith.constant dense<0x7F800000> : vector<128xf32>
    %reduce_min3A_348 = vector.multi_reduction <minimumf>, %select_n3A_346, %reduce_min3A_347 [1] : vector<128x10112xf32> to vector<128xf32>
    %broadcast_in_dim3A_349 = vector.shape_cast %reduce_min3A_348 : vector<128xf32> to vector<128x1xf32>
    %eq3A_350 = vector.broadcast %broadcast_in_dim3A_349 : vector<128x1xf32> to vector<128x10112xf32>
    %eq3A_351 = arith.cmpf oeq, %select_n3A_346, %eq3A_350 : vector<128x10112xf32>
    %jit3A_352 = arith.constant 1073741824 : i32
    %broadcast_in_dim3A_353 = vector.broadcast %jit3A_352 : i32 to vector<128x10112xi32>
    %select_n3A_354 = arith.select %eq3A_351, %iota3A, %broadcast_in_dim3A_353 : vector<128x10112xi1>, vector<128x10112xi32>
    %reduce_min3A_355 = arith.constant dense<2147483647> : vector<128xi32>
    %reduce_min3A_356 = vector.multi_reduction <minsi>, %select_n3A_354, %reduce_min3A_355 [1] : vector<128x10112xi32> to vector<128xi32>
    %broadcast_in_dim3A_357 = vector.shape_cast %reduce_min3A_356 : vector<128xi32> to vector<128x1xi32>
    %swap3A_358 = arith.constant 0 : index
    %swap3A_359 = arith.constant 11 : index
    %swap3A_360 = vector.load %arg3[%swap3A_358, %swap3A_359] : memref<128x20xi32, #tpu.memory_space<vmem>>, vector<128x1xi32>
    tpu.vector_store %arg3[%swap3A_358, %swap3A_359], %broadcast_in_dim3A_357 {strides = array<i32>} : memref<128x20xi32, #tpu.memory_space<vmem>>, vector<128x1xi32>,
    %is_finite3A_361 = tpu.weird %broadcast_in_dim3A_349 : vector<128x1xf32> -> vector<128x1xi1>
    %is_finite3A_362 = arith.constant dense<true> : vector<128x1xi1>
    %is_finite3A_363 = arith.xori %is_finite3A_361, %is_finite3A_362 : vector<128x1xi1>
    %jit3A_364 = arith.constant 1.000000e+00 : f32
    %jit3A_365 = arith.constant 0.000000e+00 : f32
    %broadcast_in_dim3A_366 = vector.broadcast %jit3A_364 : f32 to vector<128x1xf32>
    %broadcast_in_dim3A_367 = vector.broadcast %jit3A_365 : f32 to vector<128x1xf32>
    %select_n3A_368 = arith.select %is_finite3A_363, %broadcast_in_dim3A_366, %broadcast_in_dim3A_367 : vector<128x1xi1>, vector<128x1xf32>
    %swap3A_369 = arith.constant 0 : index
    %swap3A_370 = arith.constant 11 : index
    %swap3A_371 = vector.load %arg4[%swap3A_369, %swap3A_370] : memref<128x20xf32, #tpu.memory_space<vmem>>, vector<128x1xf32>
    tpu.vector_store %arg4[%swap3A_369, %swap3A_370], %select_n3A_368 {strides = array<i32>} : memref<128x20xf32, #tpu.memory_space<vmem>>, vector<128x1xf32>,
    %eq3A_372 = vector.broadcast %broadcast_in_dim3A_357 : vector<128x1xi32> to vector<128x10112xi32>
    %eq3A_373 = arith.cmpi eq, %iota3A, %eq3A_372 : vector<128x10112xi32>
    %jit3A_374 = arith.constant 0x7F800000 : f32
    %broadcast_in_dim3A_375 = vector.broadcast %jit3A_374 : f32 to vector<128x10112xf32>
    %select_n3A_376 = arith.select %eq3A_373, %broadcast_in_dim3A_375, %select_n3A_346 : vector<128x10112xi1>, vector<128x10112xf32>
    %reduce_min3A_377 = arith.constant dense<0x7F800000> : vector<128xf32>
    %reduce_min3A_378 = vector.multi_reduction <minimumf>, %select_n3A_376, %reduce_min3A_377 [1] : vector<128x10112xf32> to vector<128xf32>
    %broadcast_in_dim3A_379 = vector.shape_cast %reduce_min3A_378 : vector<128xf32> to vector<128x1xf32>
    %eq3A_380 = vector.broadcast %broadcast_in_dim3A_379 : vector<128x1xf32> to vector<128x10112xf32>
    %eq3A_381 = arith.cmpf oeq, %select_n3A_376, %eq3A_380 : vector<128x10112xf32>
    %jit3A_382 = arith.constant 1073741824 : i32
    %broadcast_in_dim3A_383 = vector.broadcast %jit3A_382 : i32 to vector<128x10112xi32>
    %select_n3A_384 = arith.select %eq3A_381, %iota3A, %broadcast_in_dim3A_383 : vector<128x10112xi1>, vector<128x10112xi32>
    %reduce_min3A_385 = arith.constant dense<2147483647> : vector<128xi32>
    %reduce_min3A_386 = vector.multi_reduction <minsi>, %select_n3A_384, %reduce_min3A_385 [1] : vector<128x10112xi32> to vector<128xi32>
    %broadcast_in_dim3A_387 = vector.shape_cast %reduce_min3A_386 : vector<128xi32> to vector<128x1xi32>
    %swap3A_388 = arith.constant 0 : index
    %swap3A_389 = arith.constant 12 : index
    %swap3A_390 = vector.load %arg3[%swap3A_388, %swap3A_389] : memref<128x20xi32, #tpu.memory_space<vmem>>, vector<128x1xi32>
    tpu.vector_store %arg3[%swap3A_388, %swap3A_389], %broadcast_in_dim3A_387 {strides = array<i32>} : memref<128x20xi32, #tpu.memory_space<vmem>>, vector<128x1xi32>,
    %is_finite3A_391 = tpu.weird %broadcast_in_dim3A_379 : vector<128x1xf32> -> vector<128x1xi1>
    %is_finite3A_392 = arith.constant dense<true> : vector<128x1xi1>
    %is_finite3A_393 = arith.xori %is_finite3A_391, %is_finite3A_392 : vector<128x1xi1>
    %jit3A_394 = arith.constant 1.000000e+00 : f32
    %jit3A_395 = arith.constant 0.000000e+00 : f32
    %broadcast_in_dim3A_396 = vector.broadcast %jit3A_394 : f32 to vector<128x1xf32>
    %broadcast_in_dim3A_397 = vector.broadcast %jit3A_395 : f32 to vector<128x1xf32>
    %select_n3A_398 = arith.select %is_finite3A_393, %broadcast_in_dim3A_396, %broadcast_in_dim3A_397 : vector<128x1xi1>, vector<128x1xf32>
    %swap3A_399 = arith.constant 0 : index
    %swap3A_400 = arith.constant 12 : index
    %swap3A_401 = vector.load %arg4[%swap3A_399, %swap3A_400] : memref<128x20xf32, #tpu.memory_space<vmem>>, vector<128x1xf32>
    tpu.vector_store %arg4[%swap3A_399, %swap3A_400], %select_n3A_398 {strides = array<i32>} : memref<128x20xf32, #tpu.memory_space<vmem>>, vector<128x1xf32>,
    %eq3A_402 = vector.broadcast %broadcast_in_dim3A_387 : vector<128x1xi32> to vector<128x10112xi32>
    %eq3A_403 = arith.cmpi eq, %iota3A, %eq3A_402 : vector<128x10112xi32>
    %jit3A_404 = arith.constant 0x7F800000 : f32
    %broadcast_in_dim3A_405 = vector.broadcast %jit3A_404 : f32 to vector<128x10112xf32>
    %select_n3A_406 = arith.select %eq3A_403, %broadcast_in_dim3A_405, %select_n3A_376 : vector<128x10112xi1>, vector<128x10112xf32>
    %reduce_min3A_407 = arith.constant dense<0x7F800000> : vector<128xf32>
    %reduce_min3A_408 = vector.multi_reduction <minimumf>, %select_n3A_406, %reduce_min3A_407 [1] : vector<128x10112xf32> to vector<128xf32>
    %broadcast_in_dim3A_409 = vector.shape_cast %reduce_min3A_408 : vector<128xf32> to vector<128x1xf32>
    %eq3A_410 = vector.broadcast %broadcast_in_dim3A_409 : vector<128x1xf32> to vector<128x10112xf32>
    %eq3A_411 = arith.cmpf oeq, %select_n3A_406, %eq3A_410 : vector<128x10112xf32>
    %jit3A_412 = arith.constant 1073741824 : i32
    %broadcast_in_dim3A_413 = vector.broadcast %jit3A_412 : i32 to vector<128x10112xi32>
    %select_n3A_414 = arith.select %eq3A_411, %iota3A, %broadcast_in_dim3A_413 : vector<128x10112xi1>, vector<128x10112xi32>
    %reduce_min3A_415 = arith.constant dense<2147483647> : vector<128xi32>
    %reduce_min3A_416 = vector.multi_reduction <minsi>, %select_n3A_414, %reduce_min3A_415 [1] : vector<128x10112xi32> to vector<128xi32>
    %broadcast_in_dim3A_417 = vector.shape_cast %reduce_min3A_416 : vector<128xi32> to vector<128x1xi32>
    %swap3A_418 = arith.constant 0 : index
    %swap3A_419 = arith.constant 13 : index
    %swap3A_420 = vector.load %arg3[%swap3A_418, %swap3A_419] : memref<128x20xi32, #tpu.memory_space<vmem>>, vector<128x1xi32>
    tpu.vector_store %arg3[%swap3A_418, %swap3A_419], %broadcast_in_dim3A_417 {strides = array<i32>} : memref<128x20xi32, #tpu.memory_space<vmem>>, vector<128x1xi32>,
    %is_finite3A_421 = tpu.weird %broadcast_in_dim3A_409 : vector<128x1xf32> -> vector<128x1xi1>
    %is_finite3A_422 = arith.constant dense<true> : vector<128x1xi1>
    %is_finite3A_423 = arith.xori %is_finite3A_421, %is_finite3A_422 : vector<128x1xi1>
    %jit3A_424 = arith.constant 1.000000e+00 : f32
    %jit3A_425 = arith.constant 0.000000e+00 : f32
    %broadcast_in_dim3A_426 = vector.broadcast %jit3A_424 : f32 to vector<128x1xf32>
    %broadcast_in_dim3A_427 = vector.broadcast %jit3A_425 : f32 to vector<128x1xf32>
    %select_n3A_428 = arith.select %is_finite3A_423, %broadcast_in_dim3A_426, %broadcast_in_dim3A_427 : vector<128x1xi1>, vector<128x1xf32>
    %swap3A_429 = arith.constant 0 : index
    %swap3A_430 = arith.constant 13 : index
    %swap3A_431 = vector.load %arg4[%swap3A_429, %swap3A_430] : memref<128x20xf32, #tpu.memory_space<vmem>>, vector<128x1xf32>
    tpu.vector_store %arg4[%swap3A_429, %swap3A_430], %select_n3A_428 {strides = array<i32>} : memref<128x20xf32, #tpu.memory_space<vmem>>, vector<128x1xf32>,
    %eq3A_432 = vector.broadcast %broadcast_in_dim3A_417 : vector<128x1xi32> to vector<128x10112xi32>
    %eq3A_433 = arith.cmpi eq, %iota3A, %eq3A_432 : vector<128x10112xi32>
    %jit3A_434 = arith.constant 0x7F800000 : f32
    %broadcast_in_dim3A_435 = vector.broadcast %jit3A_434 : f32 to vector<128x10112xf32>
    %select_n3A_436 = arith.select %eq3A_433, %broadcast_in_dim3A_435, %select_n3A_406 : vector<128x10112xi1>, vector<128x10112xf32>
    %reduce_min3A_437 = arith.constant dense<0x7F800000> : vector<128xf32>
    %reduce_min3A_438 = vector.multi_reduction <minimumf>, %select_n3A_436, %reduce_min3A_437 [1] : vector<128x10112xf32> to vector<128xf32>
    %broadcast_in_dim3A_439 = vector.shape_cast %reduce_min3A_438 : vector<128xf32> to vector<128x1xf32>
    %eq3A_440 = vector.broadcast %broadcast_in_dim3A_439 : vector<128x1xf32> to vector<128x10112xf32>
    %eq3A_441 = arith.cmpf oeq, %select_n3A_436, %eq3A_440 : vector<128x10112xf32>
    %jit3A_442 = arith.constant 1073741824 : i32
    %broadcast_in_dim3A_443 = vector.broadcast %jit3A_442 : i32 to vector<128x10112xi32>
    %select_n3A_444 = arith.select %eq3A_441, %iota3A, %broadcast_in_dim3A_443 : vector<128x10112xi1>, vector<128x10112xi32>
    %reduce_min3A_445 = arith.constant dense<2147483647> : vector<128xi32>
    %reduce_min3A_446 = vector.multi_reduction <minsi>, %select_n3A_444, %reduce_min3A_445 [1] : vector<128x10112xi32> to vector<128xi32>
    %broadcast_in_dim3A_447 = vector.shape_cast %reduce_min3A_446 : vector<128xi32> to vector<128x1xi32>
    %swap3A_448 = arith.constant 0 : index
    %swap3A_449 = arith.constant 14 : index
    %swap3A_450 = vector.load %arg3[%swap3A_448, %swap3A_449] : memref<128x20xi32, #tpu.memory_space<vmem>>, vector<128x1xi32>
    tpu.vector_store %arg3[%swap3A_448, %swap3A_449], %broadcast_in_dim3A_447 {strides = array<i32>} : memref<128x20xi32, #tpu.memory_space<vmem>>, vector<128x1xi32>,
    %is_finite3A_451 = tpu.weird %broadcast_in_dim3A_439 : vector<128x1xf32> -> vector<128x1xi1>
    %is_finite3A_452 = arith.constant dense<true> : vector<128x1xi1>
    %is_finite3A_453 = arith.xori %is_finite3A_451, %is_finite3A_452 : vector<128x1xi1>
    %jit3A_454 = arith.constant 1.000000e+00 : f32
    %jit3A_455 = arith.constant 0.000000e+00 : f32
    %broadcast_in_dim3A_456 = vector.broadcast %jit3A_454 : f32 to vector<128x1xf32>
    %broadcast_in_dim3A_457 = vector.broadcast %jit3A_455 : f32 to vector<128x1xf32>
    %select_n3A_458 = arith.select %is_finite3A_453, %broadcast_in_dim3A_456, %broadcast_in_dim3A_457 : vector<128x1xi1>, vector<128x1xf32>
    %swap3A_459 = arith.constant 0 : index
    %swap3A_460 = arith.constant 14 : index
    %swap3A_461 = vector.load %arg4[%swap3A_459, %swap3A_460] : memref<128x20xf32, #tpu.memory_space<vmem>>, vector<128x1xf32>
    tpu.vector_store %arg4[%swap3A_459, %swap3A_460], %select_n3A_458 {strides = array<i32>} : memref<128x20xf32, #tpu.memory_space<vmem>>, vector<128x1xf32>,
    %eq3A_462 = vector.broadcast %broadcast_in_dim3A_447 : vector<128x1xi32> to vector<128x10112xi32>
    %eq3A_463 = arith.cmpi eq, %iota3A, %eq3A_462 : vector<128x10112xi32>
    %jit3A_464 = arith.constant 0x7F800000 : f32
    %broadcast_in_dim3A_465 = vector.broadcast %jit3A_464 : f32 to vector<128x10112xf32>
    %select_n3A_466 = arith.select %eq3A_463, %broadcast_in_dim3A_465, %select_n3A_436 : vector<128x10112xi1>, vector<128x10112xf32>
    %reduce_min3A_467 = arith.constant dense<0x7F800000> : vector<128xf32>
    %reduce_min3A_468 = vector.multi_reduction <minimumf>, %select_n3A_466, %reduce_min3A_467 [1] : vector<128x10112xf32> to vector<128xf32>
    %broadcast_in_dim3A_469 = vector.shape_cast %reduce_min3A_468 : vector<128xf32> to vector<128x1xf32>
    %eq3A_470 = vector.broadcast %broadcast_in_dim3A_469 : vector<128x1xf32> to vector<128x10112xf32>
    %eq3A_471 = arith.cmpf oeq, %select_n3A_466, %eq3A_470 : vector<128x10112xf32>
    %jit3A_472 = arith.constant 1073741824 : i32
    %broadcast_in_dim3A_473 = vector.broadcast %jit3A_472 : i32 to vector<128x10112xi32>
    %select_n3A_474 = arith.select %eq3A_471, %iota3A, %broadcast_in_dim3A_473 : vector<128x10112xi1>, vector<128x10112xi32>
    %reduce_min3A_475 = arith.constant dense<2147483647> : vector<128xi32>
    %reduce_min3A_476 = vector.multi_reduction <minsi>, %select_n3A_474, %reduce_min3A_475 [1] : vector<128x10112xi32> to vector<128xi32>
    %broadcast_in_dim3A_477 = vector.shape_cast %reduce_min3A_476 : vector<128xi32> to vector<128x1xi32>
    %swap3A_478 = arith.constant 0 : index
    %swap3A_479 = arith.constant 15 : index
    %swap3A_480 = vector.load %arg3[%swap3A_478, %swap3A_479] : memref<128x20xi32, #tpu.memory_space<vmem>>, vector<128x1xi32>
    tpu.vector_store %arg3[%swap3A_478, %swap3A_479], %broadcast_in_dim3A_477 {strides = array<i32>} : memref<128x20xi32, #tpu.memory_space<vmem>>, vector<128x1xi32>,
    %is_finite3A_481 = tpu.weird %broadcast_in_dim3A_469 : vector<128x1xf32> -> vector<128x1xi1>
    %is_finite3A_482 = arith.constant dense<true> : vector<128x1xi1>
    %is_finite3A_483 = arith.xori %is_finite3A_481, %is_finite3A_482 : vector<128x1xi1>
    %jit3A_484 = arith.constant 1.000000e+00 : f32
    %jit3A_485 = arith.constant 0.000000e+00 : f32
    %broadcast_in_dim3A_486 = vector.broadcast %jit3A_484 : f32 to vector<128x1xf32>
    %broadcast_in_dim3A_487 = vector.broadcast %jit3A_485 : f32 to vector<128x1xf32>
    %select_n3A_488 = arith.select %is_finite3A_483, %broadcast_in_dim3A_486, %broadcast_in_dim3A_487 : vector<128x1xi1>, vector<128x1xf32>
    %swap3A_489 = arith.constant 0 : index
    %swap3A_490 = arith.constant 15 : index
    %swap3A_491 = vector.load %arg4[%swap3A_489, %swap3A_490] : memref<128x20xf32, #tpu.memory_space<vmem>>, vector<128x1xf32>
    tpu.vector_store %arg4[%swap3A_489, %swap3A_490], %select_n3A_488 {strides = array<i32>} : memref<128x20xf32, #tpu.memory_space<vmem>>, vector<128x1xf32>,
    %eq3A_492 = vector.broadcast %broadcast_in_dim3A_477 : vector<128x1xi32> to vector<128x10112xi32>
    %eq3A_493 = arith.cmpi eq, %iota3A, %eq3A_492 : vector<128x10112xi32>
    %jit3A_494 = arith.constant 0x7F800000 : f32
    %broadcast_in_dim3A_495 = vector.broadcast %jit3A_494 : f32 to vector<128x10112xf32>
    %select_n3A_496 = arith.select %eq3A_493, %broadcast_in_dim3A_495, %select_n3A_466 : vector<128x10112xi1>, vector<128x10112xf32>
    %reduce_min3A_497 = arith.constant dense<0x7F800000> : vector<128xf32>
    %reduce_min3A_498 = vector.multi_reduction <minimumf>, %select_n3A_496, %reduce_min3A_497 [1] : vector<128x10112xf32> to vector<128xf32>
    %broadcast_in_dim3A_499 = vector.shape_cast %reduce_min3A_498 : vector<128xf32> to vector<128x1xf32>
    %eq3A_500 = vector.broadcast %broadcast_in_dim3A_499 : vector<128x1xf32> to vector<128x10112xf32>
    %eq3A_501 = arith.cmpf oeq, %select_n3A_496, %eq3A_500 : vector<128x10112xf32>
    %jit3A_502 = arith.constant 1073741824 : i32
    %broadcast_in_dim3A_503 = vector.broadcast %jit3A_502 : i32 to vector<128x10112xi32>
    %select_n3A_504 = arith.select %eq3A_501, %iota3A, %broadcast_in_dim3A_503 : vector<128x10112xi1>, vector<128x10112xi32>
    %reduce_min3A_505 = arith.constant dense<2147483647> : vector<128xi32>
    %reduce_min3A_506 = vector.multi_reduction <minsi>, %select_n3A_504, %reduce_min3A_505 [1] : vector<128x10112xi32> to vector<128xi32>
    %broadcast_in_dim3A_507 = vector.shape_cast %reduce_min3A_506 : vector<128xi32> to vector<128x1xi32>
    %swap3A_508 = arith.constant 0 : index
    %swap3A_509 = arith.constant 16 : index
    %swap3A_510 = vector.load %arg3[%swap3A_508, %swap3A_509] : memref<128x20xi32, #tpu.memory_space<vmem>>, vector<128x1xi32>
    tpu.vector_store %arg3[%swap3A_508, %swap3A_509], %broadcast_in_dim3A_507 {strides = array<i32>} : memref<128x20xi32, #tpu.memory_space<vmem>>, vector<128x1xi32>,
    %is_finite3A_511 = tpu.weird %broadcast_in_dim3A_499 : vector<128x1xf32> -> vector<128x1xi1>
    %is_finite3A_512 = arith.constant dense<true> : vector<128x1xi1>
    %is_finite3A_513 = arith.xori %is_finite3A_511, %is_finite3A_512 : vector<128x1xi1>
    %jit3A_514 = arith.constant 1.000000e+00 : f32
    %jit3A_515 = arith.constant 0.000000e+00 : f32
    %broadcast_in_dim3A_516 = vector.broadcast %jit3A_514 : f32 to vector<128x1xf32>
    %broadcast_in_dim3A_517 = vector.broadcast %jit3A_515 : f32 to vector<128x1xf32>
    %select_n3A_518 = arith.select %is_finite3A_513, %broadcast_in_dim3A_516, %broadcast_in_dim3A_517 : vector<128x1xi1>, vector<128x1xf32>
    %swap3A_519 = arith.constant 0 : index
    %swap3A_520 = arith.constant 16 : index
    %swap3A_521 = vector.load %arg4[%swap3A_519, %swap3A_520] : memref<128x20xf32, #tpu.memory_space<vmem>>, vector<128x1xf32>
    tpu.vector_store %arg4[%swap3A_519, %swap3A_520], %select_n3A_518 {strides = array<i32>} : memref<128x20xf32, #tpu.memory_space<vmem>>, vector<128x1xf32>,
    %eq3A_522 = vector.broadcast %broadcast_in_dim3A_507 : vector<128x1xi32> to vector<128x10112xi32>
    %eq3A_523 = arith.cmpi eq, %iota3A, %eq3A_522 : vector<128x10112xi32>
    %jit3A_524 = arith.constant 0x7F800000 : f32
    %broadcast_in_dim3A_525 = vector.broadcast %jit3A_524 : f32 to vector<128x10112xf32>
    %select_n3A_526 = arith.select %eq3A_523, %broadcast_in_dim3A_525, %select_n3A_496 : vector<128x10112xi1>, vector<128x10112xf32>
    %reduce_min3A_527 = arith.constant dense<0x7F800000> : vector<128xf32>
    %reduce_min3A_528 = vector.multi_reduction <minimumf>, %select_n3A_526, %reduce_min3A_527 [1] : vector<128x10112xf32> to vector<128xf32>
    %broadcast_in_dim3A_529 = vector.shape_cast %reduce_min3A_528 : vector<128xf32> to vector<128x1xf32>
    %eq3A_530 = vector.broadcast %broadcast_in_dim3A_529 : vector<128x1xf32> to vector<128x10112xf32>
    %eq3A_531 = arith.cmpf oeq, %select_n3A_526, %eq3A_530 : vector<128x10112xf32>
    %jit3A_532 = arith.constant 1073741824 : i32
    %broadcast_in_dim3A_533 = vector.broadcast %jit3A_532 : i32 to vector<128x10112xi32>
    %select_n3A_534 = arith.select %eq3A_531, %iota3A, %broadcast_in_dim3A_533 : vector<128x10112xi1>, vector<128x10112xi32>
    %reduce_min3A_535 = arith.constant dense<2147483647> : vector<128xi32>
    %reduce_min3A_536 = vector.multi_reduction <minsi>, %select_n3A_534, %reduce_min3A_535 [1] : vector<128x10112xi32> to vector<128xi32>
    %broadcast_in_dim3A_537 = vector.shape_cast %reduce_min3A_536 : vector<128xi32> to vector<128x1xi32>
    %swap3A_538 = arith.constant 0 : index
    %swap3A_539 = arith.constant 17 : index
    %swap3A_540 = vector.load %arg3[%swap3A_538, %swap3A_539] : memref<128x20xi32, #tpu.memory_space<vmem>>, vector<128x1xi32>
    tpu.vector_store %arg3[%swap3A_538, %swap3A_539], %broadcast_in_dim3A_537 {strides = array<i32>} : memref<128x20xi32, #tpu.memory_space<vmem>>, vector<128x1xi32>,
    %is_finite3A_541 = tpu.weird %broadcast_in_dim3A_529 : vector<128x1xf32> -> vector<128x1xi1>
    %is_finite3A_542 = arith.constant dense<true> : vector<128x1xi1>
    %is_finite3A_543 = arith.xori %is_finite3A_541, %is_finite3A_542 : vector<128x1xi1>
    %jit3A_544 = arith.constant 1.000000e+00 : f32
    %jit3A_545 = arith.constant 0.000000e+00 : f32
    %broadcast_in_dim3A_546 = vector.broadcast %jit3A_544 : f32 to vector<128x1xf32>
    %broadcast_in_dim3A_547 = vector.broadcast %jit3A_545 : f32 to vector<128x1xf32>
    %select_n3A_548 = arith.select %is_finite3A_543, %broadcast_in_dim3A_546, %broadcast_in_dim3A_547 : vector<128x1xi1>, vector<128x1xf32>
    %swap3A_549 = arith.constant 0 : index
    %swap3A_550 = arith.constant 17 : index
    %swap3A_551 = vector.load %arg4[%swap3A_549, %swap3A_550] : memref<128x20xf32, #tpu.memory_space<vmem>>, vector<128x1xf32>
    tpu.vector_store %arg4[%swap3A_549, %swap3A_550], %select_n3A_548 {strides = array<i32>} : memref<128x20xf32, #tpu.memory_space<vmem>>, vector<128x1xf32>,
    %eq3A_552 = vector.broadcast %broadcast_in_dim3A_537 : vector<128x1xi32> to vector<128x10112xi32>
    %eq3A_553 = arith.cmpi eq, %iota3A, %eq3A_552 : vector<128x10112xi32>
    %jit3A_554 = arith.constant 0x7F800000 : f32
    %broadcast_in_dim3A_555 = vector.broadcast %jit3A_554 : f32 to vector<128x10112xf32>
    %select_n3A_556 = arith.select %eq3A_553, %broadcast_in_dim3A_555, %select_n3A_526 : vector<128x10112xi1>, vector<128x10112xf32>
    %reduce_min3A_557 = arith.constant dense<0x7F800000> : vector<128xf32>
    %reduce_min3A_558 = vector.multi_reduction <minimumf>, %select_n3A_556, %reduce_min3A_557 [1] : vector<128x10112xf32> to vector<128xf32>
    %broadcast_in_dim3A_559 = vector.shape_cast %reduce_min3A_558 : vector<128xf32> to vector<128x1xf32>
    %eq3A_560 = vector.broadcast %broadcast_in_dim3A_559 : vector<128x1xf32> to vector<128x10112xf32>
    %eq3A_561 = arith.cmpf oeq, %select_n3A_556, %eq3A_560 : vector<128x10112xf32>
    %jit3A_562 = arith.constant 1073741824 : i32
    %broadcast_in_dim3A_563 = vector.broadcast %jit3A_562 : i32 to vector<128x10112xi32>
    %select_n3A_564 = arith.select %eq3A_561, %iota3A, %broadcast_in_dim3A_563 : vector<128x10112xi1>, vector<128x10112xi32>
    %reduce_min3A_565 = arith.constant dense<2147483647> : vector<128xi32>
    %reduce_min3A_566 = vector.multi_reduction <minsi>, %select_n3A_564, %reduce_min3A_565 [1] : vector<128x10112xi32> to vector<128xi32>
    %broadcast_in_dim3A_567 = vector.shape_cast %reduce_min3A_566 : vector<128xi32> to vector<128x1xi32>
    %swap3A_568 = arith.constant 0 : index
    %swap3A_569 = arith.constant 18 : index
    %swap3A_570 = vector.load %arg3[%swap3A_568, %swap3A_569] : memref<128x20xi32, #tpu.memory_space<vmem>>, vector<128x1xi32>
    tpu.vector_store %arg3[%swap3A_568, %swap3A_569], %broadcast_in_dim3A_567 {strides = array<i32>} : memref<128x20xi32, #tpu.memory_space<vmem>>, vector<128x1xi32>,
    %is_finite3A_571 = tpu.weird %broadcast_in_dim3A_559 : vector<128x1xf32> -> vector<128x1xi1>
    %is_finite3A_572 = arith.constant dense<true> : vector<128x1xi1>
    %is_finite3A_573 = arith.xori %is_finite3A_571, %is_finite3A_572 : vector<128x1xi1>
    %jit3A_574 = arith.constant 1.000000e+00 : f32
    %jit3A_575 = arith.constant 0.000000e+00 : f32
    %broadcast_in_dim3A_576 = vector.broadcast %jit3A_574 : f32 to vector<128x1xf32>
    %broadcast_in_dim3A_577 = vector.broadcast %jit3A_575 : f32 to vector<128x1xf32>
    %select_n3A_578 = arith.select %is_finite3A_573, %broadcast_in_dim3A_576, %broadcast_in_dim3A_577 : vector<128x1xi1>, vector<128x1xf32>
    %swap3A_579 = arith.constant 0 : index
    %swap3A_580 = arith.constant 18 : index
    %swap3A_581 = vector.load %arg4[%swap3A_579, %swap3A_580] : memref<128x20xf32, #tpu.memory_space<vmem>>, vector<128x1xf32>
    tpu.vector_store %arg4[%swap3A_579, %swap3A_580], %select_n3A_578 {strides = array<i32>} : memref<128x20xf32, #tpu.memory_space<vmem>>, vector<128x1xf32>,
    %eq3A_582 = vector.broadcast %broadcast_in_dim3A_567 : vector<128x1xi32> to vector<128x10112xi32>
    %eq3A_583 = arith.cmpi eq, %iota3A, %eq3A_582 : vector<128x10112xi32>
    %jit3A_584 = arith.constant 0x7F800000 : f32
    %broadcast_in_dim3A_585 = vector.broadcast %jit3A_584 : f32 to vector<128x10112xf32>
    %select_n3A_586 = arith.select %eq3A_583, %broadcast_in_dim3A_585, %select_n3A_556 : vector<128x10112xi1>, vector<128x10112xf32>
    %reduce_min3A_587 = arith.constant dense<0x7F800000> : vector<128xf32>
    %reduce_min3A_588 = vector.multi_reduction <minimumf>, %select_n3A_586, %reduce_min3A_587 [1] : vector<128x10112xf32> to vector<128xf32>
    %broadcast_in_dim3A_589 = vector.shape_cast %reduce_min3A_588 : vector<128xf32> to vector<128x1xf32>
    %eq3A_590 = vector.broadcast %broadcast_in_dim3A_589 : vector<128x1xf32> to vector<128x10112xf32>
    %eq3A_591 = arith.cmpf oeq, %select_n3A_586, %eq3A_590 : vector<128x10112xf32>
    %jit3A_592 = arith.constant 1073741824 : i32
    %broadcast_in_dim3A_593 = vector.broadcast %jit3A_592 : i32 to vector<128x10112xi32>
    %select_n3A_594 = arith.select %eq3A_591, %iota3A, %broadcast_in_dim3A_593 : vector<128x10112xi1>, vector<128x10112xi32>
    %reduce_min3A_595 = arith.constant dense<2147483647> : vector<128xi32>
    %reduce_min3A_596 = vector.multi_reduction <minsi>, %select_n3A_594, %reduce_min3A_595 [1] : vector<128x10112xi32> to vector<128xi32>
    %broadcast_in_dim3A_597 = vector.shape_cast %reduce_min3A_596 : vector<128xi32> to vector<128x1xi32>
    %swap3A_598 = arith.constant 0 : index
    %swap3A_599 = arith.constant 19 : index
    %swap3A_600 = vector.load %arg3[%swap3A_598, %swap3A_599] : memref<128x20xi32, #tpu.memory_space<vmem>>, vector<128x1xi32>
    tpu.vector_store %arg3[%swap3A_598, %swap3A_599], %broadcast_in_dim3A_597 {strides = array<i32>} : memref<128x20xi32, #tpu.memory_space<vmem>>, vector<128x1xi32>,
    %is_finite3A_601 = tpu.weird %broadcast_in_dim3A_589 : vector<128x1xf32> -> vector<128x1xi1>
    %is_finite3A_602 = arith.constant dense<true> : vector<128x1xi1>
    %is_finite3A_603 = arith.xori %is_finite3A_601, %is_finite3A_602 : vector<128x1xi1>
    %jit3A_604 = arith.constant 1.000000e+00 : f32
    %jit3A_605 = arith.constant 0.000000e+00 : f32
    %broadcast_in_dim3A_606 = vector.broadcast %jit3A_604 : f32 to vector<128x1xf32>
    %broadcast_in_dim3A_607 = vector.broadcast %jit3A_605 : f32 to vector<128x1xf32>
    %select_n3A_608 = arith.select %is_finite3A_603, %broadcast_in_dim3A_606, %broadcast_in_dim3A_607 : vector<128x1xi1>, vector<128x1xf32>
    %swap3A_609 = arith.constant 0 : index
    %swap3A_610 = arith.constant 19 : index
    %swap3A_611 = vector.load %arg4[%swap3A_609, %swap3A_610] : memref<128x20xf32, #tpu.memory_space<vmem>>, vector<128x1xf32>
    tpu.vector_store %arg4[%swap3A_609, %swap3A_610], %select_n3A_608 {strides = array<i32>} : memref<128x20xf32, #tpu.memory_space<vmem>>, vector<128x1xf32>,
    return
  }
  func.func @transform_0(%arg0: i32) -> (i32, i32) {
    %c0_i32 = arith.constant 0 : i32
    %c0_i32_0 = arith.constant 0 : i32
    return %arg0, %c0_i32 : i32, i32
  }
  func.func @transform_1(%arg0: i32) -> (i32, i32) {
    %c0_i32 = arith.constant 0 : i32
    %c0_i32_0 = arith.constant 0 : i32
    %c0_i32_1 = arith.constant 0 : i32
    return %c0_i32, %c0_i32_0 : i32, i32
  }
  func.func @transform_2(%arg0: i32) -> (i32, i32) {
    %c0_i32 = arith.constant 0 : i32
    %c0_i32_0 = arith.constant 0 : i32
    return %arg0, %c0_i32 : i32, i32
  }
  func.func @transform_3(%arg0: i32) -> (i32, i32) {
    %c0_i32 = arith.constant 0 : i32
    %c0_i32_0 = arith.constant 0 : i32
    return %arg0, %c0_i32 : i32, i32
  }
}

module attributes {stable_mosaic.version = 14 : i64} {
  func.func @_edge_kernel(%arg0: i32, %arg1: memref<2000x6xf32, #tpu.memory_space<vmem>>, %arg2: memref<6x64xf32, #tpu.memory_space<vmem>>, %arg3: memref<5x64xf32, #tpu.memory_space<vmem>>, %arg4: memref<64x64xf32, #tpu.memory_space<vmem>>, %arg5: memref<5x64xf32, #tpu.memory_space<vmem>>, %arg6: memref<64x64xf32, #tpu.memory_space<vmem>>, %arg7: memref<5x64xf32, #tpu.memory_space<vmem>>, %arg8: memref<2000x64xf32, #tpu.memory_space<vmem>>) attributes {dimension_semantics = [#tpu.dimension_semantics<arbitrary>], iteration_bounds = array<i64: 50>, scalar_prefetch = 0 : i64, scratch_operands = 0 : i64, tpu.core_type = #tpu.core_type<tc>, window_params = [{transform_indices = @transform_0, window_bounds = array<i64: 2000, 6>}, {pipeline_mode = #tpu.pipeline_mode<synchronous>, transform_indices = @transform_1, window_bounds = array<i64: 6, 64>}, {pipeline_mode = #tpu.pipeline_mode<synchronous>, transform_indices = @transform_2, window_bounds = array<i64: 5, 64>}, {pipeline_mode = #tpu.pipeline_mode<synchronous>, transform_indices = @transform_3, window_bounds = array<i64: 64, 64>}, {pipeline_mode = #tpu.pipeline_mode<synchronous>, transform_indices = @transform_4, window_bounds = array<i64: 5, 64>}, {pipeline_mode = #tpu.pipeline_mode<synchronous>, transform_indices = @transform_5, window_bounds = array<i64: 64, 64>}, {pipeline_mode = #tpu.pipeline_mode<synchronous>, transform_indices = @transform_6, window_bounds = array<i64: 5, 64>}, {transform_indices = @transform_7, window_bounds = array<i64: 2000, 64>}]} {
    %get3A = arith.constant 0 : index
    %get3A_0 = arith.constant 0 : index
    %get3A_1 = vector.load %arg1[%get3A, %get3A_0] : memref<2000x6xf32, #tpu.memory_space<vmem>>, vector<2000x6xf32>
    %get3A_2 = arith.constant 0 : index
    %get3A_3 = arith.constant 0 : index
    %get3A_4 = vector.load %arg2[%get3A_2, %get3A_3] : memref<6x64xf32, #tpu.memory_space<vmem>>, vector<6x64xf32>
    %dot_general3A = arith.constant dense<0.000000e+00> : vector<2000x64xf32>
    %dot_general3A_5 = tpu.matmul %get3A_1, %get3A_4, %dot_general3A {dimension_numbers = #tpu.dot_dimension_numbers<[1], [0], [0], [1], [0, 0, 1, 1], [], []>, transpose_lhs_hint = false} : vector<2000x6xf32>, vector<6x64xf32>, vector<2000x64xf32> -> vector<2000x64xf32>
    %get3A_6 = arith.constant 0 : index
    %get3A_7 = arith.constant 0 : index
    %get3A_8 = vector.load %arg3[%get3A_6, %get3A_7] : memref<5x64xf32, #tpu.memory_space<vmem>>, vector<1x64xf32>
    %get3A_9 = arith.constant 1 : index
    %get3A_10 = arith.constant 0 : index
    %get3A_11 = vector.load %arg3[%get3A_9, %get3A_10] : memref<5x64xf32, #tpu.memory_space<vmem>>, vector<1x64xf32>
    %get3A_12 = arith.constant 2 : index
    %get3A_13 = arith.constant 0 : index
    %get3A_14 = vector.load %arg3[%get3A_12, %get3A_13] : memref<5x64xf32, #tpu.memory_space<vmem>>, vector<1x64xf32>
    %get3A_15 = arith.constant 3 : index
    %get3A_16 = arith.constant 0 : index
    %get3A_17 = vector.load %arg3[%get3A_15, %get3A_16] : memref<5x64xf32, #tpu.memory_space<vmem>>, vector<1x64xf32>
    %get3A_18 = arith.constant 4 : index
    %get3A_19 = arith.constant 0 : index
    %get3A_20 = vector.load %arg3[%get3A_18, %get3A_19] : memref<5x64xf32, #tpu.memory_space<vmem>>, vector<1x64xf32>
    %add3A = vector.broadcast %get3A_8 : vector<1x64xf32> to vector<2000x64xf32>
    %add3A_21 = arith.addf %dot_general3A_5, %add3A : vector<2000x64xf32>
    %max3A = arith.constant 0.000000e+00 : f32
    %max3A_22 = vector.broadcast %max3A : f32 to vector<2000x64xf32>
    %max3A_23 = arith.maximumf %add3A_21, %max3A_22 : vector<2000x64xf32>
    %sub3A = vector.broadcast %get3A_17 : vector<1x64xf32> to vector<2000x64xf32>
    %sub3A_24 = arith.subf %max3A_23, %sub3A : vector<2000x64xf32>
    %add3A_25 = arith.constant 9.99999974E-6 : f32
    %add3A_26 = vector.broadcast %add3A_25 : f32 to vector<1x64xf32>
    %add3A_27 = arith.addf %get3A_20, %add3A_26 : vector<1x64xf32>
    %sqrt3A = math.sqrt %add3A_27 : vector<1x64xf32>
    %div3A = vector.broadcast %sqrt3A : vector<1x64xf32> to vector<2000x64xf32>
    %div3A_28 = arith.divf %sub3A_24, %div3A : vector<2000x64xf32>
    %mul3A = vector.broadcast %get3A_11 : vector<1x64xf32> to vector<2000x64xf32>
    %mul3A_29 = arith.mulf %div3A_28, %mul3A : vector<2000x64xf32>
    %add3A_30 = vector.broadcast %get3A_14 : vector<1x64xf32> to vector<2000x64xf32>
    %add3A_31 = arith.addf %mul3A_29, %add3A_30 : vector<2000x64xf32>
    %get3A_32 = arith.constant 0 : index
    %get3A_33 = arith.constant 0 : index
    %get3A_34 = vector.load %arg4[%get3A_32, %get3A_33] : memref<64x64xf32, #tpu.memory_space<vmem>>, vector<64x64xf32>
    %dot_general3A_35 = arith.constant dense<0.000000e+00> : vector<2000x64xf32>
    %dot_general3A_36 = tpu.matmul %add3A_31, %get3A_34, %dot_general3A_35 {dimension_numbers = #tpu.dot_dimension_numbers<[1], [0], [0], [1], [0, 0, 1, 1], [], []>, transpose_lhs_hint = false} : vector<2000x64xf32>, vector<64x64xf32>, vector<2000x64xf32> -> vector<2000x64xf32>
    %get3A_37 = arith.constant 0 : index
    %get3A_38 = arith.constant 0 : index
    %get3A_39 = vector.load %arg5[%get3A_37, %get3A_38] : memref<5x64xf32, #tpu.memory_space<vmem>>, vector<1x64xf32>
    %get3A_40 = arith.constant 1 : index
    %get3A_41 = arith.constant 0 : index
    %get3A_42 = vector.load %arg5[%get3A_40, %get3A_41] : memref<5x64xf32, #tpu.memory_space<vmem>>, vector<1x64xf32>
    %get3A_43 = arith.constant 2 : index
    %get3A_44 = arith.constant 0 : index
    %get3A_45 = vector.load %arg5[%get3A_43, %get3A_44] : memref<5x64xf32, #tpu.memory_space<vmem>>, vector<1x64xf32>
    %get3A_46 = arith.constant 3 : index
    %get3A_47 = arith.constant 0 : index
    %get3A_48 = vector.load %arg5[%get3A_46, %get3A_47] : memref<5x64xf32, #tpu.memory_space<vmem>>, vector<1x64xf32>
    %get3A_49 = arith.constant 4 : index
    %get3A_50 = arith.constant 0 : index
    %get3A_51 = vector.load %arg5[%get3A_49, %get3A_50] : memref<5x64xf32, #tpu.memory_space<vmem>>, vector<1x64xf32>
    %add3A_52 = vector.broadcast %get3A_39 : vector<1x64xf32> to vector<2000x64xf32>
    %add3A_53 = arith.addf %dot_general3A_36, %add3A_52 : vector<2000x64xf32>
    %max3A_54 = arith.constant 0.000000e+00 : f32
    %max3A_55 = vector.broadcast %max3A_54 : f32 to vector<2000x64xf32>
    %max3A_56 = arith.maximumf %add3A_53, %max3A_55 : vector<2000x64xf32>
    %sub3A_57 = vector.broadcast %get3A_48 : vector<1x64xf32> to vector<2000x64xf32>
    %sub3A_58 = arith.subf %max3A_56, %sub3A_57 : vector<2000x64xf32>
    %add3A_59 = arith.constant 9.99999974E-6 : f32
    %add3A_60 = vector.broadcast %add3A_59 : f32 to vector<1x64xf32>
    %add3A_61 = arith.addf %get3A_51, %add3A_60 : vector<1x64xf32>
    %sqrt3A_62 = math.sqrt %add3A_61 : vector<1x64xf32>
    %div3A_63 = vector.broadcast %sqrt3A_62 : vector<1x64xf32> to vector<2000x64xf32>
    %div3A_64 = arith.divf %sub3A_58, %div3A_63 : vector<2000x64xf32>
    %mul3A_65 = vector.broadcast %get3A_42 : vector<1x64xf32> to vector<2000x64xf32>
    %mul3A_66 = arith.mulf %div3A_64, %mul3A_65 : vector<2000x64xf32>
    %add3A_67 = vector.broadcast %get3A_45 : vector<1x64xf32> to vector<2000x64xf32>
    %add3A_68 = arith.addf %mul3A_66, %add3A_67 : vector<2000x64xf32>
    %get3A_69 = arith.constant 0 : index
    %get3A_70 = arith.constant 0 : index
    %get3A_71 = vector.load %arg6[%get3A_69, %get3A_70] : memref<64x64xf32, #tpu.memory_space<vmem>>, vector<64x64xf32>
    %dot_general3A_72 = arith.constant dense<0.000000e+00> : vector<2000x64xf32>
    %dot_general3A_73 = tpu.matmul %add3A_68, %get3A_71, %dot_general3A_72 {dimension_numbers = #tpu.dot_dimension_numbers<[1], [0], [0], [1], [0, 0, 1, 1], [], []>, transpose_lhs_hint = false} : vector<2000x64xf32>, vector<64x64xf32>, vector<2000x64xf32> -> vector<2000x64xf32>
    %get3A_74 = arith.constant 0 : index
    %get3A_75 = arith.constant 0 : index
    %get3A_76 = vector.load %arg7[%get3A_74, %get3A_75] : memref<5x64xf32, #tpu.memory_space<vmem>>, vector<1x64xf32>
    %get3A_77 = arith.constant 1 : index
    %get3A_78 = arith.constant 0 : index
    %get3A_79 = vector.load %arg7[%get3A_77, %get3A_78] : memref<5x64xf32, #tpu.memory_space<vmem>>, vector<1x64xf32>
    %get3A_80 = arith.constant 2 : index
    %get3A_81 = arith.constant 0 : index
    %get3A_82 = vector.load %arg7[%get3A_80, %get3A_81] : memref<5x64xf32, #tpu.memory_space<vmem>>, vector<1x64xf32>
    %get3A_83 = arith.constant 3 : index
    %get3A_84 = arith.constant 0 : index
    %get3A_85 = vector.load %arg7[%get3A_83, %get3A_84] : memref<5x64xf32, #tpu.memory_space<vmem>>, vector<1x64xf32>
    %get3A_86 = arith.constant 4 : index
    %get3A_87 = arith.constant 0 : index
    %get3A_88 = vector.load %arg7[%get3A_86, %get3A_87] : memref<5x64xf32, #tpu.memory_space<vmem>>, vector<1x64xf32>
    %add3A_89 = vector.broadcast %get3A_76 : vector<1x64xf32> to vector<2000x64xf32>
    %add3A_90 = arith.addf %dot_general3A_73, %add3A_89 : vector<2000x64xf32>
    %max3A_91 = arith.constant 0.000000e+00 : f32
    %max3A_92 = vector.broadcast %max3A_91 : f32 to vector<2000x64xf32>
    %max3A_93 = arith.maximumf %add3A_90, %max3A_92 : vector<2000x64xf32>
    %sub3A_94 = vector.broadcast %get3A_85 : vector<1x64xf32> to vector<2000x64xf32>
    %sub3A_95 = arith.subf %max3A_93, %sub3A_94 : vector<2000x64xf32>
    %add3A_96 = arith.constant 9.99999974E-6 : f32
    %add3A_97 = vector.broadcast %add3A_96 : f32 to vector<1x64xf32>
    %add3A_98 = arith.addf %get3A_88, %add3A_97 : vector<1x64xf32>
    %sqrt3A_99 = math.sqrt %add3A_98 : vector<1x64xf32>
    %div3A_100 = vector.broadcast %sqrt3A_99 : vector<1x64xf32> to vector<2000x64xf32>
    %div3A_101 = arith.divf %sub3A_95, %div3A_100 : vector<2000x64xf32>
    %mul3A_102 = vector.broadcast %get3A_79 : vector<1x64xf32> to vector<2000x64xf32>
    %mul3A_103 = arith.mulf %div3A_101, %mul3A_102 : vector<2000x64xf32>
    %add3A_104 = vector.broadcast %get3A_82 : vector<1x64xf32> to vector<2000x64xf32>
    %add3A_105 = arith.addf %mul3A_103, %add3A_104 : vector<2000x64xf32>
    %swap3A = arith.constant 0 : index
    %swap3A_106 = arith.constant 0 : index
    %swap3A_107 = vector.load %arg8[%swap3A, %swap3A_106] : memref<2000x64xf32, #tpu.memory_space<vmem>>, vector<2000x64xf32>
    tpu.vector_store %arg8[%swap3A, %swap3A_106], %add3A_105 {strides = array<i32>} : memref<2000x64xf32, #tpu.memory_space<vmem>>, vector<2000x64xf32>,
    return
  }
  func.func @transform_0(%arg0: i32) -> (i32, i32) {
    %c0_i32 = arith.constant 0 : i32
    %c0_i32_0 = arith.constant 0 : i32
    return %arg0, %c0_i32 : i32, i32
  }
  func.func @transform_1(%arg0: i32) -> (i32, i32) {
    %c0_i32 = arith.constant 0 : i32
    %c0_i32_0 = arith.constant 0 : i32
    %c0_i32_1 = arith.constant 0 : i32
    return %c0_i32, %c0_i32_0 : i32, i32
  }
  func.func @transform_2(%arg0: i32) -> (i32, i32) {
    %c0_i32 = arith.constant 0 : i32
    %c0_i32_0 = arith.constant 0 : i32
    %c0_i32_1 = arith.constant 0 : i32
    return %c0_i32, %c0_i32_0 : i32, i32
  }
  func.func @transform_3(%arg0: i32) -> (i32, i32) {
    %c0_i32 = arith.constant 0 : i32
    %c0_i32_0 = arith.constant 0 : i32
    %c0_i32_1 = arith.constant 0 : i32
    return %c0_i32, %c0_i32_0 : i32, i32
  }
  func.func @transform_4(%arg0: i32) -> (i32, i32) {
    %c0_i32 = arith.constant 0 : i32
    %c0_i32_0 = arith.constant 0 : i32
    %c0_i32_1 = arith.constant 0 : i32
    return %c0_i32, %c0_i32_0 : i32, i32
  }
  func.func @transform_5(%arg0: i32) -> (i32, i32) {
    %c0_i32 = arith.constant 0 : i32
    %c0_i32_0 = arith.constant 0 : i32
    %c0_i32_1 = arith.constant 0 : i32
    return %c0_i32, %c0_i32_0 : i32, i32
  }
  func.func @transform_6(%arg0: i32) -> (i32, i32) {
    %c0_i32 = arith.constant 0 : i32
    %c0_i32_0 = arith.constant 0 : i32
    %c0_i32_1 = arith.constant 0 : i32
    return %c0_i32, %c0_i32_0 : i32, i32
  }
  func.func @transform_7(%arg0: i32) -> (i32, i32) {
    %c0_i32 = arith.constant 0 : i32
    %c0_i32_0 = arith.constant 0 : i32
    return %arg0, %c0_i32 : i32, i32
  }
}

module attributes {stable_mosaic.version = 14 : i64} {
  func.func @_fps_kernel(%arg0: memref<10240x64xf32, #tpu.memory_space<vmem>>, %arg1: memref<64x8x1280xf32, #tpu.memory_space<vmem>>, %arg2: memref<5000x64xf32, #tpu.memory_space<vmem>>, %arg3: memref<8x1280xf32, #tpu.memory_space<vmem>>) attributes {dimension_semantics = [], scalar_prefetch = 0 : i64, scratch_operands = 1 : i64, tpu.core_type = #tpu.core_type<tc>} {
    %iota3A = tpu.iota {dimensions = array<i32: 0>} : vector<8x1280xi32>
    %iota3A_0 = tpu.iota {dimensions = array<i32: 1>} : vector<8x1280xi32>
    %mul3A = arith.constant 1280 : i32
    %mul3A_1 = vector.broadcast %mul3A : i32 to vector<8x1280xi32>
    %mul3A_2 = arith.muli %iota3A, %mul3A_1 : vector<8x1280xi32>
    %add3A = arith.addi %mul3A_2, %iota3A_0 : vector<8x1280xi32>
    %lt3A = arith.constant 10000 : i32
    %lt3A_3 = vector.broadcast %lt3A : i32 to vector<8x1280xi32>
    %lt3A_4 = arith.cmpi slt, %add3A, %lt3A_3 : vector<8x1280xi32>
    %get3A = arith.constant 0 : index
    %get3A_5 = arith.constant 0 : index
    %get3A_6 = vector.load %arg0[%get3A, %get3A_5] : memref<10240x64xf32, #tpu.memory_space<vmem>>, vector<1x64xf32>
    %swap3A = arith.constant 0 : index
    %swap3A_7 = arith.constant 0 : index
    %swap3A_8 = vector.load %arg2[%swap3A, %swap3A_7] : memref<5000x64xf32, #tpu.memory_space<vmem>>, vector<1x64xf32>
    tpu.vector_store %arg2[%swap3A, %swap3A_7], %get3A_6 {strides = array<i32>} : memref<5000x64xf32, #tpu.memory_space<vmem>>, vector<1x64xf32>,
    %reshape3A = vector.shape_cast %get3A_6 : vector<1x64xf32> to vector<64x1x1xf32>
    %get3A_9 = arith.constant 0 : index
    %get3A_10 = arith.constant 0 : index
    %get3A_11 = arith.constant 0 : index
    %get3A_12 = vector.load %arg1[%get3A_9, %get3A_10, %get3A_11] : memref<64x8x1280xf32, #tpu.memory_space<vmem>>, vector<64x8x1280xf32>
    %sub3A = vector.broadcast %reshape3A : vector<64x1x1xf32> to vector<64x8x1280xf32>
    %sub3A_13 = arith.subf %get3A_12, %sub3A : vector<64x8x1280xf32>
    %mul3A_14 = arith.mulf %sub3A_13, %sub3A_13 : vector<64x8x1280xf32>
    %reduce_sum3A = arith.constant dense<0.000000e+00> : vector<8x1280xf32>
    %reduce_sum3A_15 = vector.multi_reduction <add>, %mul3A_14, %reduce_sum3A [0] : vector<64x8x1280xf32> to vector<8x1280xf32>
    %jit3A = arith.constant 0xFF800000 : f32
    %broadcast_in_dim3A = vector.broadcast %jit3A : f32 to vector<8x1280xf32>
    %select_n3A = arith.select %lt3A_4, %reduce_sum3A_15, %broadcast_in_dim3A : vector<8x1280xi1>, vector<8x1280xf32>
    %swap3A_16 = arith.constant 0 : index
    %swap3A_17 = arith.constant 0 : index
    %swap3A_18 = vector.load %arg3[%swap3A_16, %swap3A_17] : memref<8x1280xf32, #tpu.memory_space<vmem>>, vector<8x1280xf32>
    tpu.vector_store %arg3[%swap3A_16, %swap3A_17], %select_n3A {strides = array<i32>} : memref<8x1280xf32, #tpu.memory_space<vmem>>, vector<8x1280xf32>,
    %scan3A = arith.constant 1 : i32
    %scan3A_19 = arith.constant 4999 : i32
    %scan3A_20 = arith.addi %scan3A, %scan3A_19 : i32
    %scan3A_21 = arith.constant 1 : i32
    scf.for %scan3A_23 = %scan3A to %scan3A_20 step %scan3A_21  : i32 {
      %get3A_24 = arith.constant 0 : index
      %get3A_25 = arith.constant 0 : index
      %get3A_26 = vector.load %arg3[%get3A_24, %get3A_25] : memref<8x1280xf32, #tpu.memory_space<vmem>>, vector<8x1280xf32>
      %reduce_max3A = vector.shape_cast %get3A_26 : vector<8x1280xf32> to vector<1x8x1280xf32>
      %reduce_max3A_27 = arith.constant dense<0xFF800000> : vector<1xf32>
      %reduce_max3A_28 = vector.multi_reduction <maximumf>, %reduce_max3A, %reduce_max3A_27 [1, 2] : vector<1x8x1280xf32> to vector<1xf32>
      %reduce_max3A_29 = vector.shape_cast %reduce_max3A_28 : vector<1xf32> to vector<1x1x1xf32>
      %reduce_max3A_30 = vector.extract %reduce_max3A_29[0, 0, 0] : f32 from vector<1x1x1xf32>
      %eq3A = vector.broadcast %reduce_max3A_30 : f32 to vector<8x1280xf32>
      %eq3A_31 = arith.cmpf oeq, %get3A_26, %eq3A : vector<8x1280xf32>
      %jit3A_32 = arith.constant 1073741824 : i32
      %broadcast_in_dim3A_33 = vector.broadcast %jit3A_32 : i32 to vector<8x1280xi32>
      %select_n3A_34 = arith.select %eq3A_31, %add3A, %broadcast_in_dim3A_33 : vector<8x1280xi1>, vector<8x1280xi32>
      %reduce_min3A = vector.shape_cast %select_n3A_34 : vector<8x1280xi32> to vector<1x8x1280xi32>
      %reduce_min3A_35 = arith.constant dense<2147483647> : vector<1xi32>
      %reduce_min3A_36 = vector.multi_reduction <minsi>, %reduce_min3A, %reduce_min3A_35 [1, 2] : vector<1x8x1280xi32> to vector<1xi32>
      %reduce_min3A_37 = vector.shape_cast %reduce_min3A_36 : vector<1xi32> to vector<1x1x1xi32>
      %reduce_min3A_38 = vector.extract %reduce_min3A_37[0, 0, 0] : i32 from vector<1x1x1xi32>
      %get3A_39 = arith.index_cast %reduce_min3A_38 : i32 to index
      %get3A_40 = arith.constant 0 : index
      %get3A_41 = vector.load %arg0[%get3A_39, %get3A_40] : memref<10240x64xf32, #tpu.memory_space<vmem>>, vector<1x64xf32>
      %swap3A_42 = arith.index_cast %scan3A_23 : i32 to index
      %swap3A_43 = arith.constant 0 : index
      %swap3A_44 = vector.load %arg2[%swap3A_42, %swap3A_43] : memref<5000x64xf32, #tpu.memory_space<vmem>>, vector<1x64xf32>
      tpu.vector_store %arg2[%swap3A_42, %swap3A_43], %get3A_41 {strides = array<i32>} : memref<5000x64xf32, #tpu.memory_space<vmem>>, vector<1x64xf32>,
      %reshape3A_45 = vector.shape_cast %get3A_41 : vector<1x64xf32> to vector<64x1x1xf32>
      %get3A_46 = arith.constant 0 : index
      %get3A_47 = arith.constant 0 : index
      %get3A_48 = arith.constant 0 : index
      %get3A_49 = vector.load %arg1[%get3A_46, %get3A_47, %get3A_48] : memref<64x8x1280xf32, #tpu.memory_space<vmem>>, vector<64x8x1280xf32>
      %sub3A_50 = vector.broadcast %reshape3A_45 : vector<64x1x1xf32> to vector<64x8x1280xf32>
      %sub3A_51 = arith.subf %get3A_49, %sub3A_50 : vector<64x8x1280xf32>
      %mul3A_52 = arith.mulf %sub3A_51, %sub3A_51 : vector<64x8x1280xf32>
      %reduce_sum3A_53 = arith.constant dense<0.000000e+00> : vector<8x1280xf32>
      %reduce_sum3A_54 = vector.multi_reduction <add>, %mul3A_52, %reduce_sum3A_53 [0] : vector<64x8x1280xf32> to vector<8x1280xf32>
      %min3A = arith.minimumf %get3A_26, %reduce_sum3A_54 : vector<8x1280xf32>
      %swap3A_55 = arith.constant 0 : index
      %swap3A_56 = arith.constant 0 : index
      %swap3A_57 = vector.load %arg3[%swap3A_55, %swap3A_56] : memref<8x1280xf32, #tpu.memory_space<vmem>>, vector<8x1280xf32>
      tpu.vector_store %arg3[%swap3A_55, %swap3A_56], %min3A {strides = array<i32>} : memref<8x1280xf32, #tpu.memory_space<vmem>>, vector<8x1280xf32>,
    }
    %scan3A_22 = arith.constant 4999 : i32
    return
  }
}

module attributes {stable_mosaic.version = 14 : i64} {
  func.func @_topk_kernel(%arg0: i32, %arg1: memref<128x64xf32, #tpu.memory_space<vmem>>, %arg2: memref<64x10112xf32, #tpu.memory_space<vmem>>, %arg3: memref<128x20xi32, #tpu.memory_space<vmem>>, %arg4: memref<128x20xf32, #tpu.memory_space<vmem>>) attributes {dimension_semantics = [#tpu.dimension_semantics<arbitrary>], iteration_bounds = array<i64: 40>, scalar_prefetch = 0 : i64, scratch_operands = 0 : i64, tpu.core_type = #tpu.core_type<tc>, window_params = [{transform_indices = @transform_0, window_bounds = array<i64: 128, 64>}, {pipeline_mode = #tpu.pipeline_mode<synchronous>, transform_indices = @transform_1, window_bounds = array<i64: 64, 10112>}, {transform_indices = @transform_2, window_bounds = array<i64: 128, 20>}, {transform_indices = @transform_3, window_bounds = array<i64: 128, 20>}]} {
    %get3A = arith.constant 0 : index
    %get3A_0 = arith.constant 0 : index
    %get3A_1 = vector.load %arg2[%get3A, %get3A_0] : memref<64x10112xf32, #tpu.memory_space<vmem>>, vector<64x10112xf32>
    %mul3A = arith.mulf %get3A_1, %get3A_1 : vector<64x10112xf32>
    %reduce_sum3A = arith.constant dense<0.000000e+00> : vector<10112xf32>
    %reduce_sum3A_2 = vector.multi_reduction <add>, %mul3A, %reduce_sum3A [0] : vector<64x10112xf32> to vector<10112xf32>
    %broadcast_in_dim3A = vector.shape_cast %reduce_sum3A_2 : vector<10112xf32> to vector<1x10112xf32>
    %get3A_3 = arith.constant 0 : index
    %get3A_4 = arith.constant 0 : index
    %get3A_5 = vector.load %arg1[%get3A_3, %get3A_4] : memref<128x64xf32, #tpu.memory_space<vmem>>, vector<128x64xf32>
    %mul3A_6 = arith.mulf %get3A_5, %get3A_5 : vector<128x64xf32>
    %reduce_sum3A_7 = arith.constant dense<0.000000e+00> : vector<128xf32>
    %reduce_sum3A_8 = vector.multi_reduction <add>, %mul3A_6, %reduce_sum3A_7 [1] : vector<128x64xf32> to vector<128xf32>
    %broadcast_in_dim3A_9 = vector.shape_cast %reduce_sum3A_8 : vector<128xf32> to vector<128x1xf32>
    %dot_general3A = arith.constant dense<0.000000e+00> : vector<128x10112xf32>
    %dot_general3A_10 = tpu.matmul %get3A_5, %get3A_1, %dot_general3A {dimension_numbers = #tpu.dot_dimension_numbers<[1], [0], [0], [1], [0, 0, 1, 1], [], []>, transpose_lhs_hint = false} : vector<128x64xf32>, vector<64x10112xf32>, vector<128x10112xf32> -> vector<128x10112xf32>
    %mul3A_11 = arith.constant 2.000000e+00 : f32
    %mul3A_12 = vector.broadcast %mul3A_11 : f32 to vector<128x10112xf32>
    %mul3A_13 = arith.mulf %mul3A_12, %dot_general3A_10 : vector<128x10112xf32>
    %sub3A = vector.broadcast %broadcast_in_dim3A_9 : vector<128x1xf32> to vector<128x10112xf32>
    %sub3A_14 = arith.subf %sub3A, %mul3A_13 : vector<128x10112xf32>
    %add3A = vector.broadcast %broadcast_in_dim3A : vector<1x10112xf32> to vector<128x10112xf32>
    %add3A_15 = arith.addf %sub3A_14, %add3A : vector<128x10112xf32>
    %iota3A = tpu.iota {dimensions = array<i32: 1>} : vector<128x10112xi32>
    %le3A = arith.constant 4.000000e-02 : f32
    %le3A_16 = vector.broadcast %le3A : f32 to vector<128x10112xf32>
    %le3A_17 = arith.cmpf ole, %add3A_15, %le3A_16 : vector<128x10112xf32>
    %lt3A = arith.constant 10000 : i32
    %lt3A_18 = vector.broadcast %lt3A : i32 to vector<128x10112xi32>
    %lt3A_19 = arith.cmpi slt, %iota3A, %lt3A_18 : vector<128x10112xi32>
    %and3A = arith.andi %le3A_17, %lt3A_19 : vector<128x10112xi1>
    %jit3A = arith.constant 0x7F800000 : f32
    %broadcast_in_dim3A_20 = vector.broadcast %jit3A : f32 to vector<128x10112xf32>
    %select_n3A = arith.select %and3A, %add3A_15, %broadcast_in_dim3A_20 : vector<128x10112xi1>, vector<128x10112xf32>
    %reduce_min3A = arith.constant dense<0x7F800000> : vector<128xf32>
    %reduce_min3A_21 = vector.multi_reduction <minimumf>, %select_n3A, %reduce_min3A [1] : vector<128x10112xf32> to vector<128xf32>
    %broadcast_in_dim3A_22 = vector.shape_cast %reduce_min3A_21 : vector<128xf32> to vector<128x1xf32>
    %eq3A = vector.broadcast %broadcast_in_dim3A_22 : vector<128x1xf32> to vector<128x10112xf32>
    %eq3A_23 = arith.cmpf oeq, %select_n3A, %eq3A : vector<128x10112xf32>
    %jit3A_24 = arith.constant 1073741824 : i32
    %broadcast_in_dim3A_25 = vector.broadcast %jit3A_24 : i32 to vector<128x10112xi32>
    %select_n3A_26 = arith.select %eq3A_23, %iota3A, %broadcast_in_dim3A_25 : vector<128x10112xi1>, vector<128x10112xi32>
    %reduce_min3A_27 = arith.constant dense<2147483647> : vector<128xi32>
    %reduce_min3A_28 = vector.multi_reduction <minsi>, %select_n3A_26, %reduce_min3A_27 [1] : vector<128x10112xi32> to vector<128xi32>
    %broadcast_in_dim3A_29 = vector.shape_cast %reduce_min3A_28 : vector<128xi32> to vector<128x1xi32>
    %swap3A = arith.constant 0 : index
    %swap3A_30 = arith.constant 0 : index
    %swap3A_31 = vector.load %arg3[%swap3A, %swap3A_30] : memref<128x20xi32, #tpu.memory_space<vmem>>, vector<128x1xi32>
    tpu.vector_store %arg3[%swap3A, %swap3A_30], %broadcast_in_dim3A_29 {strides = array<i32>} : memref<128x20xi32, #tpu.memory_space<vmem>>, vector<128x1xi32>,
    %is_finite3A = tpu.weird %broadcast_in_dim3A_22 : vector<128x1xf32> -> vector<128x1xi1>
    %is_finite3A_32 = arith.constant dense<true> : vector<128x1xi1>
    %is_finite3A_33 = arith.xori %is_finite3A, %is_finite3A_32 : vector<128x1xi1>
    %jit3A_34 = arith.constant 1.000000e+00 : f32
    %jit3A_35 = arith.constant 0.000000e+00 : f32
    %broadcast_in_dim3A_36 = vector.broadcast %jit3A_34 : f32 to vector<128x1xf32>
    %broadcast_in_dim3A_37 = vector.broadcast %jit3A_35 : f32 to vector<128x1xf32>
    %select_n3A_38 = arith.select %is_finite3A_33, %broadcast_in_dim3A_36, %broadcast_in_dim3A_37 : vector<128x1xi1>, vector<128x1xf32>
    %swap3A_39 = arith.constant 0 : index
    %swap3A_40 = arith.constant 0 : index
    %swap3A_41 = vector.load %arg4[%swap3A_39, %swap3A_40] : memref<128x20xf32, #tpu.memory_space<vmem>>, vector<128x1xf32>
    tpu.vector_store %arg4[%swap3A_39, %swap3A_40], %select_n3A_38 {strides = array<i32>} : memref<128x20xf32, #tpu.memory_space<vmem>>, vector<128x1xf32>,
    %eq3A_42 = vector.broadcast %broadcast_in_dim3A_29 : vector<128x1xi32> to vector<128x10112xi32>
    %eq3A_43 = arith.cmpi eq, %iota3A, %eq3A_42 : vector<128x10112xi32>
    %jit3A_44 = arith.constant 0x7F800000 : f32
    %broadcast_in_dim3A_45 = vector.broadcast %jit3A_44 : f32 to vector<128x10112xf32>
    %select_n3A_46 = arith.select %eq3A_43, %broadcast_in_dim3A_45, %select_n3A : vector<128x10112xi1>, vector<128x10112xf32>
    %reduce_min3A_47 = arith.constant dense<0x7F800000> : vector<128xf32>
    %reduce_min3A_48 = vector.multi_reduction <minimumf>, %select_n3A_46, %reduce_min3A_47 [1] : vector<128x10112xf32> to vector<128xf32>
    %broadcast_in_dim3A_49 = vector.shape_cast %reduce_min3A_48 : vector<128xf32> to vector<128x1xf32>
    %eq3A_50 = vector.broadcast %broadcast_in_dim3A_49 : vector<128x1xf32> to vector<128x10112xf32>
    %eq3A_51 = arith.cmpf oeq, %select_n3A_46, %eq3A_50 : vector<128x10112xf32>
    %jit3A_52 = arith.constant 1073741824 : i32
    %broadcast_in_dim3A_53 = vector.broadcast %jit3A_52 : i32 to vector<128x10112xi32>
    %select_n3A_54 = arith.select %eq3A_51, %iota3A, %broadcast_in_dim3A_53 : vector<128x10112xi1>, vector<128x10112xi32>
    %reduce_min3A_55 = arith.constant dense<2147483647> : vector<128xi32>
    %reduce_min3A_56 = vector.multi_reduction <minsi>, %select_n3A_54, %reduce_min3A_55 [1] : vector<128x10112xi32> to vector<128xi32>
    %broadcast_in_dim3A_57 = vector.shape_cast %reduce_min3A_56 : vector<128xi32> to vector<128x1xi32>
    %swap3A_58 = arith.constant 0 : index
    %swap3A_59 = arith.constant 1 : index
    %swap3A_60 = vector.load %arg3[%swap3A_58, %swap3A_59] : memref<128x20xi32, #tpu.memory_space<vmem>>, vector<128x1xi32>
    tpu.vector_store %arg3[%swap3A_58, %swap3A_59], %broadcast_in_dim3A_57 {strides = array<i32>} : memref<128x20xi32, #tpu.memory_space<vmem>>, vector<128x1xi32>,
    %is_finite3A_61 = tpu.weird %broadcast_in_dim3A_49 : vector<128x1xf32> -> vector<128x1xi1>
    %is_finite3A_62 = arith.constant dense<true> : vector<128x1xi1>
    %is_finite3A_63 = arith.xori %is_finite3A_61, %is_finite3A_62 : vector<128x1xi1>
    %jit3A_64 = arith.constant 1.000000e+00 : f32
    %jit3A_65 = arith.constant 0.000000e+00 : f32
    %broadcast_in_dim3A_66 = vector.broadcast %jit3A_64 : f32 to vector<128x1xf32>
    %broadcast_in_dim3A_67 = vector.broadcast %jit3A_65 : f32 to vector<128x1xf32>
    %select_n3A_68 = arith.select %is_finite3A_63, %broadcast_in_dim3A_66, %broadcast_in_dim3A_67 : vector<128x1xi1>, vector<128x1xf32>
    %swap3A_69 = arith.constant 0 : index
    %swap3A_70 = arith.constant 1 : index
    %swap3A_71 = vector.load %arg4[%swap3A_69, %swap3A_70] : memref<128x20xf32, #tpu.memory_space<vmem>>, vector<128x1xf32>
    tpu.vector_store %arg4[%swap3A_69, %swap3A_70], %select_n3A_68 {strides = array<i32>} : memref<128x20xf32, #tpu.memory_space<vmem>>, vector<128x1xf32>,
    %eq3A_72 = vector.broadcast %broadcast_in_dim3A_57 : vector<128x1xi32> to vector<128x10112xi32>
    %eq3A_73 = arith.cmpi eq, %iota3A, %eq3A_72 : vector<128x10112xi32>
    %jit3A_74 = arith.constant 0x7F800000 : f32
    %broadcast_in_dim3A_75 = vector.broadcast %jit3A_74 : f32 to vector<128x10112xf32>
    %select_n3A_76 = arith.select %eq3A_73, %broadcast_in_dim3A_75, %select_n3A_46 : vector<128x10112xi1>, vector<128x10112xf32>
    %reduce_min3A_77 = arith.constant dense<0x7F800000> : vector<128xf32>
    %reduce_min3A_78 = vector.multi_reduction <minimumf>, %select_n3A_76, %reduce_min3A_77 [1] : vector<128x10112xf32> to vector<128xf32>
    %broadcast_in_dim3A_79 = vector.shape_cast %reduce_min3A_78 : vector<128xf32> to vector<128x1xf32>
    %eq3A_80 = vector.broadcast %broadcast_in_dim3A_79 : vector<128x1xf32> to vector<128x10112xf32>
    %eq3A_81 = arith.cmpf oeq, %select_n3A_76, %eq3A_80 : vector<128x10112xf32>
    %jit3A_82 = arith.constant 1073741824 : i32
    %broadcast_in_dim3A_83 = vector.broadcast %jit3A_82 : i32 to vector<128x10112xi32>
    %select_n3A_84 = arith.select %eq3A_81, %iota3A, %broadcast_in_dim3A_83 : vector<128x10112xi1>, vector<128x10112xi32>
    %reduce_min3A_85 = arith.constant dense<2147483647> : vector<128xi32>
    %reduce_min3A_86 = vector.multi_reduction <minsi>, %select_n3A_84, %reduce_min3A_85 [1] : vector<128x10112xi32> to vector<128xi32>
    %broadcast_in_dim3A_87 = vector.shape_cast %reduce_min3A_86 : vector<128xi32> to vector<128x1xi32>
    %swap3A_88 = arith.constant 0 : index
    %swap3A_89 = arith.constant 2 : index
    %swap3A_90 = vector.load %arg3[%swap3A_88, %swap3A_89] : memref<128x20xi32, #tpu.memory_space<vmem>>, vector<128x1xi32>
    tpu.vector_store %arg3[%swap3A_88, %swap3A_89], %broadcast_in_dim3A_87 {strides = array<i32>} : memref<128x20xi32, #tpu.memory_space<vmem>>, vector<128x1xi32>,
    %is_finite3A_91 = tpu.weird %broadcast_in_dim3A_79 : vector<128x1xf32> -> vector<128x1xi1>
    %is_finite3A_92 = arith.constant dense<true> : vector<128x1xi1>
    %is_finite3A_93 = arith.xori %is_finite3A_91, %is_finite3A_92 : vector<128x1xi1>
    %jit3A_94 = arith.constant 1.000000e+00 : f32
    %jit3A_95 = arith.constant 0.000000e+00 : f32
    %broadcast_in_dim3A_96 = vector.broadcast %jit3A_94 : f32 to vector<128x1xf32>
    %broadcast_in_dim3A_97 = vector.broadcast %jit3A_95 : f32 to vector<128x1xf32>
    %select_n3A_98 = arith.select %is_finite3A_93, %broadcast_in_dim3A_96, %broadcast_in_dim3A_97 : vector<128x1xi1>, vector<128x1xf32>
    %swap3A_99 = arith.constant 0 : index
    %swap3A_100 = arith.constant 2 : index
    %swap3A_101 = vector.load %arg4[%swap3A_99, %swap3A_100] : memref<128x20xf32, #tpu.memory_space<vmem>>, vector<128x1xf32>
    tpu.vector_store %arg4[%swap3A_99, %swap3A_100], %select_n3A_98 {strides = array<i32>} : memref<128x20xf32, #tpu.memory_space<vmem>>, vector<128x1xf32>,
    %eq3A_102 = vector.broadcast %broadcast_in_dim3A_87 : vector<128x1xi32> to vector<128x10112xi32>
    %eq3A_103 = arith.cmpi eq, %iota3A, %eq3A_102 : vector<128x10112xi32>
    %jit3A_104 = arith.constant 0x7F800000 : f32
    %broadcast_in_dim3A_105 = vector.broadcast %jit3A_104 : f32 to vector<128x10112xf32>
    %select_n3A_106 = arith.select %eq3A_103, %broadcast_in_dim3A_105, %select_n3A_76 : vector<128x10112xi1>, vector<128x10112xf32>
    %reduce_min3A_107 = arith.constant dense<0x7F800000> : vector<128xf32>
    %reduce_min3A_108 = vector.multi_reduction <minimumf>, %select_n3A_106, %reduce_min3A_107 [1] : vector<128x10112xf32> to vector<128xf32>
    %broadcast_in_dim3A_109 = vector.shape_cast %reduce_min3A_108 : vector<128xf32> to vector<128x1xf32>
    %eq3A_110 = vector.broadcast %broadcast_in_dim3A_109 : vector<128x1xf32> to vector<128x10112xf32>
    %eq3A_111 = arith.cmpf oeq, %select_n3A_106, %eq3A_110 : vector<128x10112xf32>
    %jit3A_112 = arith.constant 1073741824 : i32
    %broadcast_in_dim3A_113 = vector.broadcast %jit3A_112 : i32 to vector<128x10112xi32>
    %select_n3A_114 = arith.select %eq3A_111, %iota3A, %broadcast_in_dim3A_113 : vector<128x10112xi1>, vector<128x10112xi32>
    %reduce_min3A_115 = arith.constant dense<2147483647> : vector<128xi32>
    %reduce_min3A_116 = vector.multi_reduction <minsi>, %select_n3A_114, %reduce_min3A_115 [1] : vector<128x10112xi32> to vector<128xi32>
    %broadcast_in_dim3A_117 = vector.shape_cast %reduce_min3A_116 : vector<128xi32> to vector<128x1xi32>
    %swap3A_118 = arith.constant 0 : index
    %swap3A_119 = arith.constant 3 : index
    %swap3A_120 = vector.load %arg3[%swap3A_118, %swap3A_119] : memref<128x20xi32, #tpu.memory_space<vmem>>, vector<128x1xi32>
    tpu.vector_store %arg3[%swap3A_118, %swap3A_119], %broadcast_in_dim3A_117 {strides = array<i32>} : memref<128x20xi32, #tpu.memory_space<vmem>>, vector<128x1xi32>,
    %is_finite3A_121 = tpu.weird %broadcast_in_dim3A_109 : vector<128x1xf32> -> vector<128x1xi1>
    %is_finite3A_122 = arith.constant dense<true> : vector<128x1xi1>
    %is_finite3A_123 = arith.xori %is_finite3A_121, %is_finite3A_122 : vector<128x1xi1>
    %jit3A_124 = arith.constant 1.000000e+00 : f32
    %jit3A_125 = arith.constant 0.000000e+00 : f32
    %broadcast_in_dim3A_126 = vector.broadcast %jit3A_124 : f32 to vector<128x1xf32>
    %broadcast_in_dim3A_127 = vector.broadcast %jit3A_125 : f32 to vector<128x1xf32>
    %select_n3A_128 = arith.select %is_finite3A_123, %broadcast_in_dim3A_126, %broadcast_in_dim3A_127 : vector<128x1xi1>, vector<128x1xf32>
    %swap3A_129 = arith.constant 0 : index
    %swap3A_130 = arith.constant 3 : index
    %swap3A_131 = vector.load %arg4[%swap3A_129, %swap3A_130] : memref<128x20xf32, #tpu.memory_space<vmem>>, vector<128x1xf32>
    tpu.vector_store %arg4[%swap3A_129, %swap3A_130], %select_n3A_128 {strides = array<i32>} : memref<128x20xf32, #tpu.memory_space<vmem>>, vector<128x1xf32>,
    %eq3A_132 = vector.broadcast %broadcast_in_dim3A_117 : vector<128x1xi32> to vector<128x10112xi32>
    %eq3A_133 = arith.cmpi eq, %iota3A, %eq3A_132 : vector<128x10112xi32>
    %jit3A_134 = arith.constant 0x7F800000 : f32
    %broadcast_in_dim3A_135 = vector.broadcast %jit3A_134 : f32 to vector<128x10112xf32>
    %select_n3A_136 = arith.select %eq3A_133, %broadcast_in_dim3A_135, %select_n3A_106 : vector<128x10112xi1>, vector<128x10112xf32>
    %reduce_min3A_137 = arith.constant dense<0x7F800000> : vector<128xf32>
    %reduce_min3A_138 = vector.multi_reduction <minimumf>, %select_n3A_136, %reduce_min3A_137 [1] : vector<128x10112xf32> to vector<128xf32>
    %broadcast_in_dim3A_139 = vector.shape_cast %reduce_min3A_138 : vector<128xf32> to vector<128x1xf32>
    %eq3A_140 = vector.broadcast %broadcast_in_dim3A_139 : vector<128x1xf32> to vector<128x10112xf32>
    %eq3A_141 = arith.cmpf oeq, %select_n3A_136, %eq3A_140 : vector<128x10112xf32>
    %jit3A_142 = arith.constant 1073741824 : i32
    %broadcast_in_dim3A_143 = vector.broadcast %jit3A_142 : i32 to vector<128x10112xi32>
    %select_n3A_144 = arith.select %eq3A_141, %iota3A, %broadcast_in_dim3A_143 : vector<128x10112xi1>, vector<128x10112xi32>
    %reduce_min3A_145 = arith.constant dense<2147483647> : vector<128xi32>
    %reduce_min3A_146 = vector.multi_reduction <minsi>, %select_n3A_144, %reduce_min3A_145 [1] : vector<128x10112xi32> to vector<128xi32>
    %broadcast_in_dim3A_147 = vector.shape_cast %reduce_min3A_146 : vector<128xi32> to vector<128x1xi32>
    %swap3A_148 = arith.constant 0 : index
    %swap3A_149 = arith.constant 4 : index
    %swap3A_150 = vector.load %arg3[%swap3A_148, %swap3A_149] : memref<128x20xi32, #tpu.memory_space<vmem>>, vector<128x1xi32>
    tpu.vector_store %arg3[%swap3A_148, %swap3A_149], %broadcast_in_dim3A_147 {strides = array<i32>} : memref<128x20xi32, #tpu.memory_space<vmem>>, vector<128x1xi32>,
    %is_finite3A_151 = tpu.weird %broadcast_in_dim3A_139 : vector<128x1xf32> -> vector<128x1xi1>
    %is_finite3A_152 = arith.constant dense<true> : vector<128x1xi1>
    %is_finite3A_153 = arith.xori %is_finite3A_151, %is_finite3A_152 : vector<128x1xi1>
    %jit3A_154 = arith.constant 1.000000e+00 : f32
    %jit3A_155 = arith.constant 0.000000e+00 : f32
    %broadcast_in_dim3A_156 = vector.broadcast %jit3A_154 : f32 to vector<128x1xf32>
    %broadcast_in_dim3A_157 = vector.broadcast %jit3A_155 : f32 to vector<128x1xf32>
    %select_n3A_158 = arith.select %is_finite3A_153, %broadcast_in_dim3A_156, %broadcast_in_dim3A_157 : vector<128x1xi1>, vector<128x1xf32>
    %swap3A_159 = arith.constant 0 : index
    %swap3A_160 = arith.constant 4 : index
    %swap3A_161 = vector.load %arg4[%swap3A_159, %swap3A_160] : memref<128x20xf32, #tpu.memory_space<vmem>>, vector<128x1xf32>
    tpu.vector_store %arg4[%swap3A_159, %swap3A_160], %select_n3A_158 {strides = array<i32>} : memref<128x20xf32, #tpu.memory_space<vmem>>, vector<128x1xf32>,
    %eq3A_162 = vector.broadcast %broadcast_in_dim3A_147 : vector<128x1xi32> to vector<128x10112xi32>
    %eq3A_163 = arith.cmpi eq, %iota3A, %eq3A_162 : vector<128x10112xi32>
    %jit3A_164 = arith.constant 0x7F800000 : f32
    %broadcast_in_dim3A_165 = vector.broadcast %jit3A_164 : f32 to vector<128x10112xf32>
    %select_n3A_166 = arith.select %eq3A_163, %broadcast_in_dim3A_165, %select_n3A_136 : vector<128x10112xi1>, vector<128x10112xf32>
    %reduce_min3A_167 = arith.constant dense<0x7F800000> : vector<128xf32>
    %reduce_min3A_168 = vector.multi_reduction <minimumf>, %select_n3A_166, %reduce_min3A_167 [1] : vector<128x10112xf32> to vector<128xf32>
    %broadcast_in_dim3A_169 = vector.shape_cast %reduce_min3A_168 : vector<128xf32> to vector<128x1xf32>
    %eq3A_170 = vector.broadcast %broadcast_in_dim3A_169 : vector<128x1xf32> to vector<128x10112xf32>
    %eq3A_171 = arith.cmpf oeq, %select_n3A_166, %eq3A_170 : vector<128x10112xf32>
    %jit3A_172 = arith.constant 1073741824 : i32
    %broadcast_in_dim3A_173 = vector.broadcast %jit3A_172 : i32 to vector<128x10112xi32>
    %select_n3A_174 = arith.select %eq3A_171, %iota3A, %broadcast_in_dim3A_173 : vector<128x10112xi1>, vector<128x10112xi32>
    %reduce_min3A_175 = arith.constant dense<2147483647> : vector<128xi32>
    %reduce_min3A_176 = vector.multi_reduction <minsi>, %select_n3A_174, %reduce_min3A_175 [1] : vector<128x10112xi32> to vector<128xi32>
    %broadcast_in_dim3A_177 = vector.shape_cast %reduce_min3A_176 : vector<128xi32> to vector<128x1xi32>
    %swap3A_178 = arith.constant 0 : index
    %swap3A_179 = arith.constant 5 : index
    %swap3A_180 = vector.load %arg3[%swap3A_178, %swap3A_179] : memref<128x20xi32, #tpu.memory_space<vmem>>, vector<128x1xi32>
    tpu.vector_store %arg3[%swap3A_178, %swap3A_179], %broadcast_in_dim3A_177 {strides = array<i32>} : memref<128x20xi32, #tpu.memory_space<vmem>>, vector<128x1xi32>,
    %is_finite3A_181 = tpu.weird %broadcast_in_dim3A_169 : vector<128x1xf32> -> vector<128x1xi1>
    %is_finite3A_182 = arith.constant dense<true> : vector<128x1xi1>
    %is_finite3A_183 = arith.xori %is_finite3A_181, %is_finite3A_182 : vector<128x1xi1>
    %jit3A_184 = arith.constant 1.000000e+00 : f32
    %jit3A_185 = arith.constant 0.000000e+00 : f32
    %broadcast_in_dim3A_186 = vector.broadcast %jit3A_184 : f32 to vector<128x1xf32>
    %broadcast_in_dim3A_187 = vector.broadcast %jit3A_185 : f32 to vector<128x1xf32>
    %select_n3A_188 = arith.select %is_finite3A_183, %broadcast_in_dim3A_186, %broadcast_in_dim3A_187 : vector<128x1xi1>, vector<128x1xf32>
    %swap3A_189 = arith.constant 0 : index
    %swap3A_190 = arith.constant 5 : index
    %swap3A_191 = vector.load %arg4[%swap3A_189, %swap3A_190] : memref<128x20xf32, #tpu.memory_space<vmem>>, vector<128x1xf32>
    tpu.vector_store %arg4[%swap3A_189, %swap3A_190], %select_n3A_188 {strides = array<i32>} : memref<128x20xf32, #tpu.memory_space<vmem>>, vector<128x1xf32>,
    %eq3A_192 = vector.broadcast %broadcast_in_dim3A_177 : vector<128x1xi32> to vector<128x10112xi32>
    %eq3A_193 = arith.cmpi eq, %iota3A, %eq3A_192 : vector<128x10112xi32>
    %jit3A_194 = arith.constant 0x7F800000 : f32
    %broadcast_in_dim3A_195 = vector.broadcast %jit3A_194 : f32 to vector<128x10112xf32>
    %select_n3A_196 = arith.select %eq3A_193, %broadcast_in_dim3A_195, %select_n3A_166 : vector<128x10112xi1>, vector<128x10112xf32>
    %reduce_min3A_197 = arith.constant dense<0x7F800000> : vector<128xf32>
    %reduce_min3A_198 = vector.multi_reduction <minimumf>, %select_n3A_196, %reduce_min3A_197 [1] : vector<128x10112xf32> to vector<128xf32>
    %broadcast_in_dim3A_199 = vector.shape_cast %reduce_min3A_198 : vector<128xf32> to vector<128x1xf32>
    %eq3A_200 = vector.broadcast %broadcast_in_dim3A_199 : vector<128x1xf32> to vector<128x10112xf32>
    %eq3A_201 = arith.cmpf oeq, %select_n3A_196, %eq3A_200 : vector<128x10112xf32>
    %jit3A_202 = arith.constant 1073741824 : i32
    %broadcast_in_dim3A_203 = vector.broadcast %jit3A_202 : i32 to vector<128x10112xi32>
    %select_n3A_204 = arith.select %eq3A_201, %iota3A, %broadcast_in_dim3A_203 : vector<128x10112xi1>, vector<128x10112xi32>
    %reduce_min3A_205 = arith.constant dense<2147483647> : vector<128xi32>
    %reduce_min3A_206 = vector.multi_reduction <minsi>, %select_n3A_204, %reduce_min3A_205 [1] : vector<128x10112xi32> to vector<128xi32>
    %broadcast_in_dim3A_207 = vector.shape_cast %reduce_min3A_206 : vector<128xi32> to vector<128x1xi32>
    %swap3A_208 = arith.constant 0 : index
    %swap3A_209 = arith.constant 6 : index
    %swap3A_210 = vector.load %arg3[%swap3A_208, %swap3A_209] : memref<128x20xi32, #tpu.memory_space<vmem>>, vector<128x1xi32>
    tpu.vector_store %arg3[%swap3A_208, %swap3A_209], %broadcast_in_dim3A_207 {strides = array<i32>} : memref<128x20xi32, #tpu.memory_space<vmem>>, vector<128x1xi32>,
    %is_finite3A_211 = tpu.weird %broadcast_in_dim3A_199 : vector<128x1xf32> -> vector<128x1xi1>
    %is_finite3A_212 = arith.constant dense<true> : vector<128x1xi1>
    %is_finite3A_213 = arith.xori %is_finite3A_211, %is_finite3A_212 : vector<128x1xi1>
    %jit3A_214 = arith.constant 1.000000e+00 : f32
    %jit3A_215 = arith.constant 0.000000e+00 : f32
    %broadcast_in_dim3A_216 = vector.broadcast %jit3A_214 : f32 to vector<128x1xf32>
    %broadcast_in_dim3A_217 = vector.broadcast %jit3A_215 : f32 to vector<128x1xf32>
    %select_n3A_218 = arith.select %is_finite3A_213, %broadcast_in_dim3A_216, %broadcast_in_dim3A_217 : vector<128x1xi1>, vector<128x1xf32>
    %swap3A_219 = arith.constant 0 : index
    %swap3A_220 = arith.constant 6 : index
    %swap3A_221 = vector.load %arg4[%swap3A_219, %swap3A_220] : memref<128x20xf32, #tpu.memory_space<vmem>>, vector<128x1xf32>
    tpu.vector_store %arg4[%swap3A_219, %swap3A_220], %select_n3A_218 {strides = array<i32>} : memref<128x20xf32, #tpu.memory_space<vmem>>, vector<128x1xf32>,
    %eq3A_222 = vector.broadcast %broadcast_in_dim3A_207 : vector<128x1xi32> to vector<128x10112xi32>
    %eq3A_223 = arith.cmpi eq, %iota3A, %eq3A_222 : vector<128x10112xi32>
    %jit3A_224 = arith.constant 0x7F800000 : f32
    %broadcast_in_dim3A_225 = vector.broadcast %jit3A_224 : f32 to vector<128x10112xf32>
    %select_n3A_226 = arith.select %eq3A_223, %broadcast_in_dim3A_225, %select_n3A_196 : vector<128x10112xi1>, vector<128x10112xf32>
    %reduce_min3A_227 = arith.constant dense<0x7F800000> : vector<128xf32>
    %reduce_min3A_228 = vector.multi_reduction <minimumf>, %select_n3A_226, %reduce_min3A_227 [1] : vector<128x10112xf32> to vector<128xf32>
    %broadcast_in_dim3A_229 = vector.shape_cast %reduce_min3A_228 : vector<128xf32> to vector<128x1xf32>
    %eq3A_230 = vector.broadcast %broadcast_in_dim3A_229 : vector<128x1xf32> to vector<128x10112xf32>
    %eq3A_231 = arith.cmpf oeq, %select_n3A_226, %eq3A_230 : vector<128x10112xf32>
    %jit3A_232 = arith.constant 1073741824 : i32
    %broadcast_in_dim3A_233 = vector.broadcast %jit3A_232 : i32 to vector<128x10112xi32>
    %select_n3A_234 = arith.select %eq3A_231, %iota3A, %broadcast_in_dim3A_233 : vector<128x10112xi1>, vector<128x10112xi32>
    %reduce_min3A_235 = arith.constant dense<2147483647> : vector<128xi32>
    %reduce_min3A_236 = vector.multi_reduction <minsi>, %select_n3A_234, %reduce_min3A_235 [1] : vector<128x10112xi32> to vector<128xi32>
    %broadcast_in_dim3A_237 = vector.shape_cast %reduce_min3A_236 : vector<128xi32> to vector<128x1xi32>
    %swap3A_238 = arith.constant 0 : index
    %swap3A_239 = arith.constant 7 : index
    %swap3A_240 = vector.load %arg3[%swap3A_238, %swap3A_239] : memref<128x20xi32, #tpu.memory_space<vmem>>, vector<128x1xi32>
    tpu.vector_store %arg3[%swap3A_238, %swap3A_239], %broadcast_in_dim3A_237 {strides = array<i32>} : memref<128x20xi32, #tpu.memory_space<vmem>>, vector<128x1xi32>,
    %is_finite3A_241 = tpu.weird %broadcast_in_dim3A_229 : vector<128x1xf32> -> vector<128x1xi1>
    %is_finite3A_242 = arith.constant dense<true> : vector<128x1xi1>
    %is_finite3A_243 = arith.xori %is_finite3A_241, %is_finite3A_242 : vector<128x1xi1>
    %jit3A_244 = arith.constant 1.000000e+00 : f32
    %jit3A_245 = arith.constant 0.000000e+00 : f32
    %broadcast_in_dim3A_246 = vector.broadcast %jit3A_244 : f32 to vector<128x1xf32>
    %broadcast_in_dim3A_247 = vector.broadcast %jit3A_245 : f32 to vector<128x1xf32>
    %select_n3A_248 = arith.select %is_finite3A_243, %broadcast_in_dim3A_246, %broadcast_in_dim3A_247 : vector<128x1xi1>, vector<128x1xf32>
    %swap3A_249 = arith.constant 0 : index
    %swap3A_250 = arith.constant 7 : index
    %swap3A_251 = vector.load %arg4[%swap3A_249, %swap3A_250] : memref<128x20xf32, #tpu.memory_space<vmem>>, vector<128x1xf32>
    tpu.vector_store %arg4[%swap3A_249, %swap3A_250], %select_n3A_248 {strides = array<i32>} : memref<128x20xf32, #tpu.memory_space<vmem>>, vector<128x1xf32>,
    %eq3A_252 = vector.broadcast %broadcast_in_dim3A_237 : vector<128x1xi32> to vector<128x10112xi32>
    %eq3A_253 = arith.cmpi eq, %iota3A, %eq3A_252 : vector<128x10112xi32>
    %jit3A_254 = arith.constant 0x7F800000 : f32
    %broadcast_in_dim3A_255 = vector.broadcast %jit3A_254 : f32 to vector<128x10112xf32>
    %select_n3A_256 = arith.select %eq3A_253, %broadcast_in_dim3A_255, %select_n3A_226 : vector<128x10112xi1>, vector<128x10112xf32>
    %reduce_min3A_257 = arith.constant dense<0x7F800000> : vector<128xf32>
    %reduce_min3A_258 = vector.multi_reduction <minimumf>, %select_n3A_256, %reduce_min3A_257 [1] : vector<128x10112xf32> to vector<128xf32>
    %broadcast_in_dim3A_259 = vector.shape_cast %reduce_min3A_258 : vector<128xf32> to vector<128x1xf32>
    %eq3A_260 = vector.broadcast %broadcast_in_dim3A_259 : vector<128x1xf32> to vector<128x10112xf32>
    %eq3A_261 = arith.cmpf oeq, %select_n3A_256, %eq3A_260 : vector<128x10112xf32>
    %jit3A_262 = arith.constant 1073741824 : i32
    %broadcast_in_dim3A_263 = vector.broadcast %jit3A_262 : i32 to vector<128x10112xi32>
    %select_n3A_264 = arith.select %eq3A_261, %iota3A, %broadcast_in_dim3A_263 : vector<128x10112xi1>, vector<128x10112xi32>
    %reduce_min3A_265 = arith.constant dense<2147483647> : vector<128xi32>
    %reduce_min3A_266 = vector.multi_reduction <minsi>, %select_n3A_264, %reduce_min3A_265 [1] : vector<128x10112xi32> to vector<128xi32>
    %broadcast_in_dim3A_267 = vector.shape_cast %reduce_min3A_266 : vector<128xi32> to vector<128x1xi32>
    %swap3A_268 = arith.constant 0 : index
    %swap3A_269 = arith.constant 8 : index
    %swap3A_270 = vector.load %arg3[%swap3A_268, %swap3A_269] : memref<128x20xi32, #tpu.memory_space<vmem>>, vector<128x1xi32>
    tpu.vector_store %arg3[%swap3A_268, %swap3A_269], %broadcast_in_dim3A_267 {strides = array<i32>} : memref<128x20xi32, #tpu.memory_space<vmem>>, vector<128x1xi32>,
    %is_finite3A_271 = tpu.weird %broadcast_in_dim3A_259 : vector<128x1xf32> -> vector<128x1xi1>
    %is_finite3A_272 = arith.constant dense<true> : vector<128x1xi1>
    %is_finite3A_273 = arith.xori %is_finite3A_271, %is_finite3A_272 : vector<128x1xi1>
    %jit3A_274 = arith.constant 1.000000e+00 : f32
    %jit3A_275 = arith.constant 0.000000e+00 : f32
    %broadcast_in_dim3A_276 = vector.broadcast %jit3A_274 : f32 to vector<128x1xf32>
    %broadcast_in_dim3A_277 = vector.broadcast %jit3A_275 : f32 to vector<128x1xf32>
    %select_n3A_278 = arith.select %is_finite3A_273, %broadcast_in_dim3A_276, %broadcast_in_dim3A_277 : vector<128x1xi1>, vector<128x1xf32>
    %swap3A_279 = arith.constant 0 : index
    %swap3A_280 = arith.constant 8 : index
    %swap3A_281 = vector.load %arg4[%swap3A_279, %swap3A_280] : memref<128x20xf32, #tpu.memory_space<vmem>>, vector<128x1xf32>
    tpu.vector_store %arg4[%swap3A_279, %swap3A_280], %select_n3A_278 {strides = array<i32>} : memref<128x20xf32, #tpu.memory_space<vmem>>, vector<128x1xf32>,
    %eq3A_282 = vector.broadcast %broadcast_in_dim3A_267 : vector<128x1xi32> to vector<128x10112xi32>
    %eq3A_283 = arith.cmpi eq, %iota3A, %eq3A_282 : vector<128x10112xi32>
    %jit3A_284 = arith.constant 0x7F800000 : f32
    %broadcast_in_dim3A_285 = vector.broadcast %jit3A_284 : f32 to vector<128x10112xf32>
    %select_n3A_286 = arith.select %eq3A_283, %broadcast_in_dim3A_285, %select_n3A_256 : vector<128x10112xi1>, vector<128x10112xf32>
    %reduce_min3A_287 = arith.constant dense<0x7F800000> : vector<128xf32>
    %reduce_min3A_288 = vector.multi_reduction <minimumf>, %select_n3A_286, %reduce_min3A_287 [1] : vector<128x10112xf32> to vector<128xf32>
    %broadcast_in_dim3A_289 = vector.shape_cast %reduce_min3A_288 : vector<128xf32> to vector<128x1xf32>
    %eq3A_290 = vector.broadcast %broadcast_in_dim3A_289 : vector<128x1xf32> to vector<128x10112xf32>
    %eq3A_291 = arith.cmpf oeq, %select_n3A_286, %eq3A_290 : vector<128x10112xf32>
    %jit3A_292 = arith.constant 1073741824 : i32
    %broadcast_in_dim3A_293 = vector.broadcast %jit3A_292 : i32 to vector<128x10112xi32>
    %select_n3A_294 = arith.select %eq3A_291, %iota3A, %broadcast_in_dim3A_293 : vector<128x10112xi1>, vector<128x10112xi32>
    %reduce_min3A_295 = arith.constant dense<2147483647> : vector<128xi32>
    %reduce_min3A_296 = vector.multi_reduction <minsi>, %select_n3A_294, %reduce_min3A_295 [1] : vector<128x10112xi32> to vector<128xi32>
    %broadcast_in_dim3A_297 = vector.shape_cast %reduce_min3A_296 : vector<128xi32> to vector<128x1xi32>
    %swap3A_298 = arith.constant 0 : index
    %swap3A_299 = arith.constant 9 : index
    %swap3A_300 = vector.load %arg3[%swap3A_298, %swap3A_299] : memref<128x20xi32, #tpu.memory_space<vmem>>, vector<128x1xi32>
    tpu.vector_store %arg3[%swap3A_298, %swap3A_299], %broadcast_in_dim3A_297 {strides = array<i32>} : memref<128x20xi32, #tpu.memory_space<vmem>>, vector<128x1xi32>,
    %is_finite3A_301 = tpu.weird %broadcast_in_dim3A_289 : vector<128x1xf32> -> vector<128x1xi1>
    %is_finite3A_302 = arith.constant dense<true> : vector<128x1xi1>
    %is_finite3A_303 = arith.xori %is_finite3A_301, %is_finite3A_302 : vector<128x1xi1>
    %jit3A_304 = arith.constant 1.000000e+00 : f32
    %jit3A_305 = arith.constant 0.000000e+00 : f32
    %broadcast_in_dim3A_306 = vector.broadcast %jit3A_304 : f32 to vector<128x1xf32>
    %broadcast_in_dim3A_307 = vector.broadcast %jit3A_305 : f32 to vector<128x1xf32>
    %select_n3A_308 = arith.select %is_finite3A_303, %broadcast_in_dim3A_306, %broadcast_in_dim3A_307 : vector<128x1xi1>, vector<128x1xf32>
    %swap3A_309 = arith.constant 0 : index
    %swap3A_310 = arith.constant 9 : index
    %swap3A_311 = vector.load %arg4[%swap3A_309, %swap3A_310] : memref<128x20xf32, #tpu.memory_space<vmem>>, vector<128x1xf32>
    tpu.vector_store %arg4[%swap3A_309, %swap3A_310], %select_n3A_308 {strides = array<i32>} : memref<128x20xf32, #tpu.memory_space<vmem>>, vector<128x1xf32>,
    %eq3A_312 = vector.broadcast %broadcast_in_dim3A_297 : vector<128x1xi32> to vector<128x10112xi32>
    %eq3A_313 = arith.cmpi eq, %iota3A, %eq3A_312 : vector<128x10112xi32>
    %jit3A_314 = arith.constant 0x7F800000 : f32
    %broadcast_in_dim3A_315 = vector.broadcast %jit3A_314 : f32 to vector<128x10112xf32>
    %select_n3A_316 = arith.select %eq3A_313, %broadcast_in_dim3A_315, %select_n3A_286 : vector<128x10112xi1>, vector<128x10112xf32>
    %reduce_min3A_317 = arith.constant dense<0x7F800000> : vector<128xf32>
    %reduce_min3A_318 = vector.multi_reduction <minimumf>, %select_n3A_316, %reduce_min3A_317 [1] : vector<128x10112xf32> to vector<128xf32>
    %broadcast_in_dim3A_319 = vector.shape_cast %reduce_min3A_318 : vector<128xf32> to vector<128x1xf32>
    %eq3A_320 = vector.broadcast %broadcast_in_dim3A_319 : vector<128x1xf32> to vector<128x10112xf32>
    %eq3A_321 = arith.cmpf oeq, %select_n3A_316, %eq3A_320 : vector<128x10112xf32>
    %jit3A_322 = arith.constant 1073741824 : i32
    %broadcast_in_dim3A_323 = vector.broadcast %jit3A_322 : i32 to vector<128x10112xi32>
    %select_n3A_324 = arith.select %eq3A_321, %iota3A, %broadcast_in_dim3A_323 : vector<128x10112xi1>, vector<128x10112xi32>
    %reduce_min3A_325 = arith.constant dense<2147483647> : vector<128xi32>
    %reduce_min3A_326 = vector.multi_reduction <minsi>, %select_n3A_324, %reduce_min3A_325 [1] : vector<128x10112xi32> to vector<128xi32>
    %broadcast_in_dim3A_327 = vector.shape_cast %reduce_min3A_326 : vector<128xi32> to vector<128x1xi32>
    %swap3A_328 = arith.constant 0 : index
    %swap3A_329 = arith.constant 10 : index
    %swap3A_330 = vector.load %arg3[%swap3A_328, %swap3A_329] : memref<128x20xi32, #tpu.memory_space<vmem>>, vector<128x1xi32>
    tpu.vector_store %arg3[%swap3A_328, %swap3A_329], %broadcast_in_dim3A_327 {strides = array<i32>} : memref<128x20xi32, #tpu.memory_space<vmem>>, vector<128x1xi32>,
    %is_finite3A_331 = tpu.weird %broadcast_in_dim3A_319 : vector<128x1xf32> -> vector<128x1xi1>
    %is_finite3A_332 = arith.constant dense<true> : vector<128x1xi1>
    %is_finite3A_333 = arith.xori %is_finite3A_331, %is_finite3A_332 : vector<128x1xi1>
    %jit3A_334 = arith.constant 1.000000e+00 : f32
    %jit3A_335 = arith.constant 0.000000e+00 : f32
    %broadcast_in_dim3A_336 = vector.broadcast %jit3A_334 : f32 to vector<128x1xf32>
    %broadcast_in_dim3A_337 = vector.broadcast %jit3A_335 : f32 to vector<128x1xf32>
    %select_n3A_338 = arith.select %is_finite3A_333, %broadcast_in_dim3A_336, %broadcast_in_dim3A_337 : vector<128x1xi1>, vector<128x1xf32>
    %swap3A_339 = arith.constant 0 : index
    %swap3A_340 = arith.constant 10 : index
    %swap3A_341 = vector.load %arg4[%swap3A_339, %swap3A_340] : memref<128x20xf32, #tpu.memory_space<vmem>>, vector<128x1xf32>
    tpu.vector_store %arg4[%swap3A_339, %swap3A_340], %select_n3A_338 {strides = array<i32>} : memref<128x20xf32, #tpu.memory_space<vmem>>, vector<128x1xf32>,
    %eq3A_342 = vector.broadcast %broadcast_in_dim3A_327 : vector<128x1xi32> to vector<128x10112xi32>
    %eq3A_343 = arith.cmpi eq, %iota3A, %eq3A_342 : vector<128x10112xi32>
    %jit3A_344 = arith.constant 0x7F800000 : f32
    %broadcast_in_dim3A_345 = vector.broadcast %jit3A_344 : f32 to vector<128x10112xf32>
    %select_n3A_346 = arith.select %eq3A_343, %broadcast_in_dim3A_345, %select_n3A_316 : vector<128x10112xi1>, vector<128x10112xf32>
    %reduce_min3A_347 = arith.constant dense<0x7F800000> : vector<128xf32>
    %reduce_min3A_348 = vector.multi_reduction <minimumf>, %select_n3A_346, %reduce_min3A_347 [1] : vector<128x10112xf32> to vector<128xf32>
    %broadcast_in_dim3A_349 = vector.shape_cast %reduce_min3A_348 : vector<128xf32> to vector<128x1xf32>
    %eq3A_350 = vector.broadcast %broadcast_in_dim3A_349 : vector<128x1xf32> to vector<128x10112xf32>
    %eq3A_351 = arith.cmpf oeq, %select_n3A_346, %eq3A_350 : vector<128x10112xf32>
    %jit3A_352 = arith.constant 1073741824 : i32
    %broadcast_in_dim3A_353 = vector.broadcast %jit3A_352 : i32 to vector<128x10112xi32>
    %select_n3A_354 = arith.select %eq3A_351, %iota3A, %broadcast_in_dim3A_353 : vector<128x10112xi1>, vector<128x10112xi32>
    %reduce_min3A_355 = arith.constant dense<2147483647> : vector<128xi32>
    %reduce_min3A_356 = vector.multi_reduction <minsi>, %select_n3A_354, %reduce_min3A_355 [1] : vector<128x10112xi32> to vector<128xi32>
    %broadcast_in_dim3A_357 = vector.shape_cast %reduce_min3A_356 : vector<128xi32> to vector<128x1xi32>
    %swap3A_358 = arith.constant 0 : index
    %swap3A_359 = arith.constant 11 : index
    %swap3A_360 = vector.load %arg3[%swap3A_358, %swap3A_359] : memref<128x20xi32, #tpu.memory_space<vmem>>, vector<128x1xi32>
    tpu.vector_store %arg3[%swap3A_358, %swap3A_359], %broadcast_in_dim3A_357 {strides = array<i32>} : memref<128x20xi32, #tpu.memory_space<vmem>>, vector<128x1xi32>,
    %is_finite3A_361 = tpu.weird %broadcast_in_dim3A_349 : vector<128x1xf32> -> vector<128x1xi1>
    %is_finite3A_362 = arith.constant dense<true> : vector<128x1xi1>
    %is_finite3A_363 = arith.xori %is_finite3A_361, %is_finite3A_362 : vector<128x1xi1>
    %jit3A_364 = arith.constant 1.000000e+00 : f32
    %jit3A_365 = arith.constant 0.000000e+00 : f32
    %broadcast_in_dim3A_366 = vector.broadcast %jit3A_364 : f32 to vector<128x1xf32>
    %broadcast_in_dim3A_367 = vector.broadcast %jit3A_365 : f32 to vector<128x1xf32>
    %select_n3A_368 = arith.select %is_finite3A_363, %broadcast_in_dim3A_366, %broadcast_in_dim3A_367 : vector<128x1xi1>, vector<128x1xf32>
    %swap3A_369 = arith.constant 0 : index
    %swap3A_370 = arith.constant 11 : index
    %swap3A_371 = vector.load %arg4[%swap3A_369, %swap3A_370] : memref<128x20xf32, #tpu.memory_space<vmem>>, vector<128x1xf32>
    tpu.vector_store %arg4[%swap3A_369, %swap3A_370], %select_n3A_368 {strides = array<i32>} : memref<128x20xf32, #tpu.memory_space<vmem>>, vector<128x1xf32>,
    %eq3A_372 = vector.broadcast %broadcast_in_dim3A_357 : vector<128x1xi32> to vector<128x10112xi32>
    %eq3A_373 = arith.cmpi eq, %iota3A, %eq3A_372 : vector<128x10112xi32>
    %jit3A_374 = arith.constant 0x7F800000 : f32
    %broadcast_in_dim3A_375 = vector.broadcast %jit3A_374 : f32 to vector<128x10112xf32>
    %select_n3A_376 = arith.select %eq3A_373, %broadcast_in_dim3A_375, %select_n3A_346 : vector<128x10112xi1>, vector<128x10112xf32>
    %reduce_min3A_377 = arith.constant dense<0x7F800000> : vector<128xf32>
    %reduce_min3A_378 = vector.multi_reduction <minimumf>, %select_n3A_376, %reduce_min3A_377 [1] : vector<128x10112xf32> to vector<128xf32>
    %broadcast_in_dim3A_379 = vector.shape_cast %reduce_min3A_378 : vector<128xf32> to vector<128x1xf32>
    %eq3A_380 = vector.broadcast %broadcast_in_dim3A_379 : vector<128x1xf32> to vector<128x10112xf32>
    %eq3A_381 = arith.cmpf oeq, %select_n3A_376, %eq3A_380 : vector<128x10112xf32>
    %jit3A_382 = arith.constant 1073741824 : i32
    %broadcast_in_dim3A_383 = vector.broadcast %jit3A_382 : i32 to vector<128x10112xi32>
    %select_n3A_384 = arith.select %eq3A_381, %iota3A, %broadcast_in_dim3A_383 : vector<128x10112xi1>, vector<128x10112xi32>
    %reduce_min3A_385 = arith.constant dense<2147483647> : vector<128xi32>
    %reduce_min3A_386 = vector.multi_reduction <minsi>, %select_n3A_384, %reduce_min3A_385 [1] : vector<128x10112xi32> to vector<128xi32>
    %broadcast_in_dim3A_387 = vector.shape_cast %reduce_min3A_386 : vector<128xi32> to vector<128x1xi32>
    %swap3A_388 = arith.constant 0 : index
    %swap3A_389 = arith.constant 12 : index
    %swap3A_390 = vector.load %arg3[%swap3A_388, %swap3A_389] : memref<128x20xi32, #tpu.memory_space<vmem>>, vector<128x1xi32>
    tpu.vector_store %arg3[%swap3A_388, %swap3A_389], %broadcast_in_dim3A_387 {strides = array<i32>} : memref<128x20xi32, #tpu.memory_space<vmem>>, vector<128x1xi32>,
    %is_finite3A_391 = tpu.weird %broadcast_in_dim3A_379 : vector<128x1xf32> -> vector<128x1xi1>
    %is_finite3A_392 = arith.constant dense<true> : vector<128x1xi1>
    %is_finite3A_393 = arith.xori %is_finite3A_391, %is_finite3A_392 : vector<128x1xi1>
    %jit3A_394 = arith.constant 1.000000e+00 : f32
    %jit3A_395 = arith.constant 0.000000e+00 : f32
    %broadcast_in_dim3A_396 = vector.broadcast %jit3A_394 : f32 to vector<128x1xf32>
    %broadcast_in_dim3A_397 = vector.broadcast %jit3A_395 : f32 to vector<128x1xf32>
    %select_n3A_398 = arith.select %is_finite3A_393, %broadcast_in_dim3A_396, %broadcast_in_dim3A_397 : vector<128x1xi1>, vector<128x1xf32>
    %swap3A_399 = arith.constant 0 : index
    %swap3A_400 = arith.constant 12 : index
    %swap3A_401 = vector.load %arg4[%swap3A_399, %swap3A_400] : memref<128x20xf32, #tpu.memory_space<vmem>>, vector<128x1xf32>
    tpu.vector_store %arg4[%swap3A_399, %swap3A_400], %select_n3A_398 {strides = array<i32>} : memref<128x20xf32, #tpu.memory_space<vmem>>, vector<128x1xf32>,
    %eq3A_402 = vector.broadcast %broadcast_in_dim3A_387 : vector<128x1xi32> to vector<128x10112xi32>
    %eq3A_403 = arith.cmpi eq, %iota3A, %eq3A_402 : vector<128x10112xi32>
    %jit3A_404 = arith.constant 0x7F800000 : f32
    %broadcast_in_dim3A_405 = vector.broadcast %jit3A_404 : f32 to vector<128x10112xf32>
    %select_n3A_406 = arith.select %eq3A_403, %broadcast_in_dim3A_405, %select_n3A_376 : vector<128x10112xi1>, vector<128x10112xf32>
    %reduce_min3A_407 = arith.constant dense<0x7F800000> : vector<128xf32>
    %reduce_min3A_408 = vector.multi_reduction <minimumf>, %select_n3A_406, %reduce_min3A_407 [1] : vector<128x10112xf32> to vector<128xf32>
    %broadcast_in_dim3A_409 = vector.shape_cast %reduce_min3A_408 : vector<128xf32> to vector<128x1xf32>
    %eq3A_410 = vector.broadcast %broadcast_in_dim3A_409 : vector<128x1xf32> to vector<128x10112xf32>
    %eq3A_411 = arith.cmpf oeq, %select_n3A_406, %eq3A_410 : vector<128x10112xf32>
    %jit3A_412 = arith.constant 1073741824 : i32
    %broadcast_in_dim3A_413 = vector.broadcast %jit3A_412 : i32 to vector<128x10112xi32>
    %select_n3A_414 = arith.select %eq3A_411, %iota3A, %broadcast_in_dim3A_413 : vector<128x10112xi1>, vector<128x10112xi32>
    %reduce_min3A_415 = arith.constant dense<2147483647> : vector<128xi32>
    %reduce_min3A_416 = vector.multi_reduction <minsi>, %select_n3A_414, %reduce_min3A_415 [1] : vector<128x10112xi32> to vector<128xi32>
    %broadcast_in_dim3A_417 = vector.shape_cast %reduce_min3A_416 : vector<128xi32> to vector<128x1xi32>
    %swap3A_418 = arith.constant 0 : index
    %swap3A_419 = arith.constant 13 : index
    %swap3A_420 = vector.load %arg3[%swap3A_418, %swap3A_419] : memref<128x20xi32, #tpu.memory_space<vmem>>, vector<128x1xi32>
    tpu.vector_store %arg3[%swap3A_418, %swap3A_419], %broadcast_in_dim3A_417 {strides = array<i32>} : memref<128x20xi32, #tpu.memory_space<vmem>>, vector<128x1xi32>,
    %is_finite3A_421 = tpu.weird %broadcast_in_dim3A_409 : vector<128x1xf32> -> vector<128x1xi1>
    %is_finite3A_422 = arith.constant dense<true> : vector<128x1xi1>
    %is_finite3A_423 = arith.xori %is_finite3A_421, %is_finite3A_422 : vector<128x1xi1>
    %jit3A_424 = arith.constant 1.000000e+00 : f32
    %jit3A_425 = arith.constant 0.000000e+00 : f32
    %broadcast_in_dim3A_426 = vector.broadcast %jit3A_424 : f32 to vector<128x1xf32>
    %broadcast_in_dim3A_427 = vector.broadcast %jit3A_425 : f32 to vector<128x1xf32>
    %select_n3A_428 = arith.select %is_finite3A_423, %broadcast_in_dim3A_426, %broadcast_in_dim3A_427 : vector<128x1xi1>, vector<128x1xf32>
    %swap3A_429 = arith.constant 0 : index
    %swap3A_430 = arith.constant 13 : index
    %swap3A_431 = vector.load %arg4[%swap3A_429, %swap3A_430] : memref<128x20xf32, #tpu.memory_space<vmem>>, vector<128x1xf32>
    tpu.vector_store %arg4[%swap3A_429, %swap3A_430], %select_n3A_428 {strides = array<i32>} : memref<128x20xf32, #tpu.memory_space<vmem>>, vector<128x1xf32>,
    %eq3A_432 = vector.broadcast %broadcast_in_dim3A_417 : vector<128x1xi32> to vector<128x10112xi32>
    %eq3A_433 = arith.cmpi eq, %iota3A, %eq3A_432 : vector<128x10112xi32>
    %jit3A_434 = arith.constant 0x7F800000 : f32
    %broadcast_in_dim3A_435 = vector.broadcast %jit3A_434 : f32 to vector<128x10112xf32>
    %select_n3A_436 = arith.select %eq3A_433, %broadcast_in_dim3A_435, %select_n3A_406 : vector<128x10112xi1>, vector<128x10112xf32>
    %reduce_min3A_437 = arith.constant dense<0x7F800000> : vector<128xf32>
    %reduce_min3A_438 = vector.multi_reduction <minimumf>, %select_n3A_436, %reduce_min3A_437 [1] : vector<128x10112xf32> to vector<128xf32>
    %broadcast_in_dim3A_439 = vector.shape_cast %reduce_min3A_438 : vector<128xf32> to vector<128x1xf32>
    %eq3A_440 = vector.broadcast %broadcast_in_dim3A_439 : vector<128x1xf32> to vector<128x10112xf32>
    %eq3A_441 = arith.cmpf oeq, %select_n3A_436, %eq3A_440 : vector<128x10112xf32>
    %jit3A_442 = arith.constant 1073741824 : i32
    %broadcast_in_dim3A_443 = vector.broadcast %jit3A_442 : i32 to vector<128x10112xi32>
    %select_n3A_444 = arith.select %eq3A_441, %iota3A, %broadcast_in_dim3A_443 : vector<128x10112xi1>, vector<128x10112xi32>
    %reduce_min3A_445 = arith.constant dense<2147483647> : vector<128xi32>
    %reduce_min3A_446 = vector.multi_reduction <minsi>, %select_n3A_444, %reduce_min3A_445 [1] : vector<128x10112xi32> to vector<128xi32>
    %broadcast_in_dim3A_447 = vector.shape_cast %reduce_min3A_446 : vector<128xi32> to vector<128x1xi32>
    %swap3A_448 = arith.constant 0 : index
    %swap3A_449 = arith.constant 14 : index
    %swap3A_450 = vector.load %arg3[%swap3A_448, %swap3A_449] : memref<128x20xi32, #tpu.memory_space<vmem>>, vector<128x1xi32>
    tpu.vector_store %arg3[%swap3A_448, %swap3A_449], %broadcast_in_dim3A_447 {strides = array<i32>} : memref<128x20xi32, #tpu.memory_space<vmem>>, vector<128x1xi32>,
    %is_finite3A_451 = tpu.weird %broadcast_in_dim3A_439 : vector<128x1xf32> -> vector<128x1xi1>
    %is_finite3A_452 = arith.constant dense<true> : vector<128x1xi1>
    %is_finite3A_453 = arith.xori %is_finite3A_451, %is_finite3A_452 : vector<128x1xi1>
    %jit3A_454 = arith.constant 1.000000e+00 : f32
    %jit3A_455 = arith.constant 0.000000e+00 : f32
    %broadcast_in_dim3A_456 = vector.broadcast %jit3A_454 : f32 to vector<128x1xf32>
    %broadcast_in_dim3A_457 = vector.broadcast %jit3A_455 : f32 to vector<128x1xf32>
    %select_n3A_458 = arith.select %is_finite3A_453, %broadcast_in_dim3A_456, %broadcast_in_dim3A_457 : vector<128x1xi1>, vector<128x1xf32>
    %swap3A_459 = arith.constant 0 : index
    %swap3A_460 = arith.constant 14 : index
    %swap3A_461 = vector.load %arg4[%swap3A_459, %swap3A_460] : memref<128x20xf32, #tpu.memory_space<vmem>>, vector<128x1xf32>
    tpu.vector_store %arg4[%swap3A_459, %swap3A_460], %select_n3A_458 {strides = array<i32>} : memref<128x20xf32, #tpu.memory_space<vmem>>, vector<128x1xf32>,
    %eq3A_462 = vector.broadcast %broadcast_in_dim3A_447 : vector<128x1xi32> to vector<128x10112xi32>
    %eq3A_463 = arith.cmpi eq, %iota3A, %eq3A_462 : vector<128x10112xi32>
    %jit3A_464 = arith.constant 0x7F800000 : f32
    %broadcast_in_dim3A_465 = vector.broadcast %jit3A_464 : f32 to vector<128x10112xf32>
    %select_n3A_466 = arith.select %eq3A_463, %broadcast_in_dim3A_465, %select_n3A_436 : vector<128x10112xi1>, vector<128x10112xf32>
    %reduce_min3A_467 = arith.constant dense<0x7F800000> : vector<128xf32>
    %reduce_min3A_468 = vector.multi_reduction <minimumf>, %select_n3A_466, %reduce_min3A_467 [1] : vector<128x10112xf32> to vector<128xf32>
    %broadcast_in_dim3A_469 = vector.shape_cast %reduce_min3A_468 : vector<128xf32> to vector<128x1xf32>
    %eq3A_470 = vector.broadcast %broadcast_in_dim3A_469 : vector<128x1xf32> to vector<128x10112xf32>
    %eq3A_471 = arith.cmpf oeq, %select_n3A_466, %eq3A_470 : vector<128x10112xf32>
    %jit3A_472 = arith.constant 1073741824 : i32
    %broadcast_in_dim3A_473 = vector.broadcast %jit3A_472 : i32 to vector<128x10112xi32>
    %select_n3A_474 = arith.select %eq3A_471, %iota3A, %broadcast_in_dim3A_473 : vector<128x10112xi1>, vector<128x10112xi32>
    %reduce_min3A_475 = arith.constant dense<2147483647> : vector<128xi32>
    %reduce_min3A_476 = vector.multi_reduction <minsi>, %select_n3A_474, %reduce_min3A_475 [1] : vector<128x10112xi32> to vector<128xi32>
    %broadcast_in_dim3A_477 = vector.shape_cast %reduce_min3A_476 : vector<128xi32> to vector<128x1xi32>
    %swap3A_478 = arith.constant 0 : index
    %swap3A_479 = arith.constant 15 : index
    %swap3A_480 = vector.load %arg3[%swap3A_478, %swap3A_479] : memref<128x20xi32, #tpu.memory_space<vmem>>, vector<128x1xi32>
    tpu.vector_store %arg3[%swap3A_478, %swap3A_479], %broadcast_in_dim3A_477 {strides = array<i32>} : memref<128x20xi32, #tpu.memory_space<vmem>>, vector<128x1xi32>,
    %is_finite3A_481 = tpu.weird %broadcast_in_dim3A_469 : vector<128x1xf32> -> vector<128x1xi1>
    %is_finite3A_482 = arith.constant dense<true> : vector<128x1xi1>
    %is_finite3A_483 = arith.xori %is_finite3A_481, %is_finite3A_482 : vector<128x1xi1>
    %jit3A_484 = arith.constant 1.000000e+00 : f32
    %jit3A_485 = arith.constant 0.000000e+00 : f32
    %broadcast_in_dim3A_486 = vector.broadcast %jit3A_484 : f32 to vector<128x1xf32>
    %broadcast_in_dim3A_487 = vector.broadcast %jit3A_485 : f32 to vector<128x1xf32>
    %select_n3A_488 = arith.select %is_finite3A_483, %broadcast_in_dim3A_486, %broadcast_in_dim3A_487 : vector<128x1xi1>, vector<128x1xf32>
    %swap3A_489 = arith.constant 0 : index
    %swap3A_490 = arith.constant 15 : index
    %swap3A_491 = vector.load %arg4[%swap3A_489, %swap3A_490] : memref<128x20xf32, #tpu.memory_space<vmem>>, vector<128x1xf32>
    tpu.vector_store %arg4[%swap3A_489, %swap3A_490], %select_n3A_488 {strides = array<i32>} : memref<128x20xf32, #tpu.memory_space<vmem>>, vector<128x1xf32>,
    %eq3A_492 = vector.broadcast %broadcast_in_dim3A_477 : vector<128x1xi32> to vector<128x10112xi32>
    %eq3A_493 = arith.cmpi eq, %iota3A, %eq3A_492 : vector<128x10112xi32>
    %jit3A_494 = arith.constant 0x7F800000 : f32
    %broadcast_in_dim3A_495 = vector.broadcast %jit3A_494 : f32 to vector<128x10112xf32>
    %select_n3A_496 = arith.select %eq3A_493, %broadcast_in_dim3A_495, %select_n3A_466 : vector<128x10112xi1>, vector<128x10112xf32>
    %reduce_min3A_497 = arith.constant dense<0x7F800000> : vector<128xf32>
    %reduce_min3A_498 = vector.multi_reduction <minimumf>, %select_n3A_496, %reduce_min3A_497 [1] : vector<128x10112xf32> to vector<128xf32>
    %broadcast_in_dim3A_499 = vector.shape_cast %reduce_min3A_498 : vector<128xf32> to vector<128x1xf32>
    %eq3A_500 = vector.broadcast %broadcast_in_dim3A_499 : vector<128x1xf32> to vector<128x10112xf32>
    %eq3A_501 = arith.cmpf oeq, %select_n3A_496, %eq3A_500 : vector<128x10112xf32>
    %jit3A_502 = arith.constant 1073741824 : i32
    %broadcast_in_dim3A_503 = vector.broadcast %jit3A_502 : i32 to vector<128x10112xi32>
    %select_n3A_504 = arith.select %eq3A_501, %iota3A, %broadcast_in_dim3A_503 : vector<128x10112xi1>, vector<128x10112xi32>
    %reduce_min3A_505 = arith.constant dense<2147483647> : vector<128xi32>
    %reduce_min3A_506 = vector.multi_reduction <minsi>, %select_n3A_504, %reduce_min3A_505 [1] : vector<128x10112xi32> to vector<128xi32>
    %broadcast_in_dim3A_507 = vector.shape_cast %reduce_min3A_506 : vector<128xi32> to vector<128x1xi32>
    %swap3A_508 = arith.constant 0 : index
    %swap3A_509 = arith.constant 16 : index
    %swap3A_510 = vector.load %arg3[%swap3A_508, %swap3A_509] : memref<128x20xi32, #tpu.memory_space<vmem>>, vector<128x1xi32>
    tpu.vector_store %arg3[%swap3A_508, %swap3A_509], %broadcast_in_dim3A_507 {strides = array<i32>} : memref<128x20xi32, #tpu.memory_space<vmem>>, vector<128x1xi32>,
    %is_finite3A_511 = tpu.weird %broadcast_in_dim3A_499 : vector<128x1xf32> -> vector<128x1xi1>
    %is_finite3A_512 = arith.constant dense<true> : vector<128x1xi1>
    %is_finite3A_513 = arith.xori %is_finite3A_511, %is_finite3A_512 : vector<128x1xi1>
    %jit3A_514 = arith.constant 1.000000e+00 : f32
    %jit3A_515 = arith.constant 0.000000e+00 : f32
    %broadcast_in_dim3A_516 = vector.broadcast %jit3A_514 : f32 to vector<128x1xf32>
    %broadcast_in_dim3A_517 = vector.broadcast %jit3A_515 : f32 to vector<128x1xf32>
    %select_n3A_518 = arith.select %is_finite3A_513, %broadcast_in_dim3A_516, %broadcast_in_dim3A_517 : vector<128x1xi1>, vector<128x1xf32>
    %swap3A_519 = arith.constant 0 : index
    %swap3A_520 = arith.constant 16 : index
    %swap3A_521 = vector.load %arg4[%swap3A_519, %swap3A_520] : memref<128x20xf32, #tpu.memory_space<vmem>>, vector<128x1xf32>
    tpu.vector_store %arg4[%swap3A_519, %swap3A_520], %select_n3A_518 {strides = array<i32>} : memref<128x20xf32, #tpu.memory_space<vmem>>, vector<128x1xf32>,
    %eq3A_522 = vector.broadcast %broadcast_in_dim3A_507 : vector<128x1xi32> to vector<128x10112xi32>
    %eq3A_523 = arith.cmpi eq, %iota3A, %eq3A_522 : vector<128x10112xi32>
    %jit3A_524 = arith.constant 0x7F800000 : f32
    %broadcast_in_dim3A_525 = vector.broadcast %jit3A_524 : f32 to vector<128x10112xf32>
    %select_n3A_526 = arith.select %eq3A_523, %broadcast_in_dim3A_525, %select_n3A_496 : vector<128x10112xi1>, vector<128x10112xf32>
    %reduce_min3A_527 = arith.constant dense<0x7F800000> : vector<128xf32>
    %reduce_min3A_528 = vector.multi_reduction <minimumf>, %select_n3A_526, %reduce_min3A_527 [1] : vector<128x10112xf32> to vector<128xf32>
    %broadcast_in_dim3A_529 = vector.shape_cast %reduce_min3A_528 : vector<128xf32> to vector<128x1xf32>
    %eq3A_530 = vector.broadcast %broadcast_in_dim3A_529 : vector<128x1xf32> to vector<128x10112xf32>
    %eq3A_531 = arith.cmpf oeq, %select_n3A_526, %eq3A_530 : vector<128x10112xf32>
    %jit3A_532 = arith.constant 1073741824 : i32
    %broadcast_in_dim3A_533 = vector.broadcast %jit3A_532 : i32 to vector<128x10112xi32>
    %select_n3A_534 = arith.select %eq3A_531, %iota3A, %broadcast_in_dim3A_533 : vector<128x10112xi1>, vector<128x10112xi32>
    %reduce_min3A_535 = arith.constant dense<2147483647> : vector<128xi32>
    %reduce_min3A_536 = vector.multi_reduction <minsi>, %select_n3A_534, %reduce_min3A_535 [1] : vector<128x10112xi32> to vector<128xi32>
    %broadcast_in_dim3A_537 = vector.shape_cast %reduce_min3A_536 : vector<128xi32> to vector<128x1xi32>
    %swap3A_538 = arith.constant 0 : index
    %swap3A_539 = arith.constant 17 : index
    %swap3A_540 = vector.load %arg3[%swap3A_538, %swap3A_539] : memref<128x20xi32, #tpu.memory_space<vmem>>, vector<128x1xi32>
    tpu.vector_store %arg3[%swap3A_538, %swap3A_539], %broadcast_in_dim3A_537 {strides = array<i32>} : memref<128x20xi32, #tpu.memory_space<vmem>>, vector<128x1xi32>,
    %is_finite3A_541 = tpu.weird %broadcast_in_dim3A_529 : vector<128x1xf32> -> vector<128x1xi1>
    %is_finite3A_542 = arith.constant dense<true> : vector<128x1xi1>
    %is_finite3A_543 = arith.xori %is_finite3A_541, %is_finite3A_542 : vector<128x1xi1>
    %jit3A_544 = arith.constant 1.000000e+00 : f32
    %jit3A_545 = arith.constant 0.000000e+00 : f32
    %broadcast_in_dim3A_546 = vector.broadcast %jit3A_544 : f32 to vector<128x1xf32>
    %broadcast_in_dim3A_547 = vector.broadcast %jit3A_545 : f32 to vector<128x1xf32>
    %select_n3A_548 = arith.select %is_finite3A_543, %broadcast_in_dim3A_546, %broadcast_in_dim3A_547 : vector<128x1xi1>, vector<128x1xf32>
    %swap3A_549 = arith.constant 0 : index
    %swap3A_550 = arith.constant 17 : index
    %swap3A_551 = vector.load %arg4[%swap3A_549, %swap3A_550] : memref<128x20xf32, #tpu.memory_space<vmem>>, vector<128x1xf32>
    tpu.vector_store %arg4[%swap3A_549, %swap3A_550], %select_n3A_548 {strides = array<i32>} : memref<128x20xf32, #tpu.memory_space<vmem>>, vector<128x1xf32>,
    %eq3A_552 = vector.broadcast %broadcast_in_dim3A_537 : vector<128x1xi32> to vector<128x10112xi32>
    %eq3A_553 = arith.cmpi eq, %iota3A, %eq3A_552 : vector<128x10112xi32>
    %jit3A_554 = arith.constant 0x7F800000 : f32
    %broadcast_in_dim3A_555 = vector.broadcast %jit3A_554 : f32 to vector<128x10112xf32>
    %select_n3A_556 = arith.select %eq3A_553, %broadcast_in_dim3A_555, %select_n3A_526 : vector<128x10112xi1>, vector<128x10112xf32>
    %reduce_min3A_557 = arith.constant dense<0x7F800000> : vector<128xf32>
    %reduce_min3A_558 = vector.multi_reduction <minimumf>, %select_n3A_556, %reduce_min3A_557 [1] : vector<128x10112xf32> to vector<128xf32>
    %broadcast_in_dim3A_559 = vector.shape_cast %reduce_min3A_558 : vector<128xf32> to vector<128x1xf32>
    %eq3A_560 = vector.broadcast %broadcast_in_dim3A_559 : vector<128x1xf32> to vector<128x10112xf32>
    %eq3A_561 = arith.cmpf oeq, %select_n3A_556, %eq3A_560 : vector<128x10112xf32>
    %jit3A_562 = arith.constant 1073741824 : i32
    %broadcast_in_dim3A_563 = vector.broadcast %jit3A_562 : i32 to vector<128x10112xi32>
    %select_n3A_564 = arith.select %eq3A_561, %iota3A, %broadcast_in_dim3A_563 : vector<128x10112xi1>, vector<128x10112xi32>
    %reduce_min3A_565 = arith.constant dense<2147483647> : vector<128xi32>
    %reduce_min3A_566 = vector.multi_reduction <minsi>, %select_n3A_564, %reduce_min3A_565 [1] : vector<128x10112xi32> to vector<128xi32>
    %broadcast_in_dim3A_567 = vector.shape_cast %reduce_min3A_566 : vector<128xi32> to vector<128x1xi32>
    %swap3A_568 = arith.constant 0 : index
    %swap3A_569 = arith.constant 18 : index
    %swap3A_570 = vector.load %arg3[%swap3A_568, %swap3A_569] : memref<128x20xi32, #tpu.memory_space<vmem>>, vector<128x1xi32>
    tpu.vector_store %arg3[%swap3A_568, %swap3A_569], %broadcast_in_dim3A_567 {strides = array<i32>} : memref<128x20xi32, #tpu.memory_space<vmem>>, vector<128x1xi32>,
    %is_finite3A_571 = tpu.weird %broadcast_in_dim3A_559 : vector<128x1xf32> -> vector<128x1xi1>
    %is_finite3A_572 = arith.constant dense<true> : vector<128x1xi1>
    %is_finite3A_573 = arith.xori %is_finite3A_571, %is_finite3A_572 : vector<128x1xi1>
    %jit3A_574 = arith.constant 1.000000e+00 : f32
    %jit3A_575 = arith.constant 0.000000e+00 : f32
    %broadcast_in_dim3A_576 = vector.broadcast %jit3A_574 : f32 to vector<128x1xf32>
    %broadcast_in_dim3A_577 = vector.broadcast %jit3A_575 : f32 to vector<128x1xf32>
    %select_n3A_578 = arith.select %is_finite3A_573, %broadcast_in_dim3A_576, %broadcast_in_dim3A_577 : vector<128x1xi1>, vector<128x1xf32>
    %swap3A_579 = arith.constant 0 : index
    %swap3A_580 = arith.constant 18 : index
    %swap3A_581 = vector.load %arg4[%swap3A_579, %swap3A_580] : memref<128x20xf32, #tpu.memory_space<vmem>>, vector<128x1xf32>
    tpu.vector_store %arg4[%swap3A_579, %swap3A_580], %select_n3A_578 {strides = array<i32>} : memref<128x20xf32, #tpu.memory_space<vmem>>, vector<128x1xf32>,
    %eq3A_582 = vector.broadcast %broadcast_in_dim3A_567 : vector<128x1xi32> to vector<128x10112xi32>
    %eq3A_583 = arith.cmpi eq, %iota3A, %eq3A_582 : vector<128x10112xi32>
    %jit3A_584 = arith.constant 0x7F800000 : f32
    %broadcast_in_dim3A_585 = vector.broadcast %jit3A_584 : f32 to vector<128x10112xf32>
    %select_n3A_586 = arith.select %eq3A_583, %broadcast_in_dim3A_585, %select_n3A_556 : vector<128x10112xi1>, vector<128x10112xf32>
    %reduce_min3A_587 = arith.constant dense<0x7F800000> : vector<128xf32>
    %reduce_min3A_588 = vector.multi_reduction <minimumf>, %select_n3A_586, %reduce_min3A_587 [1] : vector<128x10112xf32> to vector<128xf32>
    %broadcast_in_dim3A_589 = vector.shape_cast %reduce_min3A_588 : vector<128xf32> to vector<128x1xf32>
    %eq3A_590 = vector.broadcast %broadcast_in_dim3A_589 : vector<128x1xf32> to vector<128x10112xf32>
    %eq3A_591 = arith.cmpf oeq, %select_n3A_586, %eq3A_590 : vector<128x10112xf32>
    %jit3A_592 = arith.constant 1073741824 : i32
    %broadcast_in_dim3A_593 = vector.broadcast %jit3A_592 : i32 to vector<128x10112xi32>
    %select_n3A_594 = arith.select %eq3A_591, %iota3A, %broadcast_in_dim3A_593 : vector<128x10112xi1>, vector<128x10112xi32>
    %reduce_min3A_595 = arith.constant dense<2147483647> : vector<128xi32>
    %reduce_min3A_596 = vector.multi_reduction <minsi>, %select_n3A_594, %reduce_min3A_595 [1] : vector<128x10112xi32> to vector<128xi32>
    %broadcast_in_dim3A_597 = vector.shape_cast %reduce_min3A_596 : vector<128xi32> to vector<128x1xi32>
    %swap3A_598 = arith.constant 0 : index
    %swap3A_599 = arith.constant 19 : index
    %swap3A_600 = vector.load %arg3[%swap3A_598, %swap3A_599] : memref<128x20xi32, #tpu.memory_space<vmem>>, vector<128x1xi32>
    tpu.vector_store %arg3[%swap3A_598, %swap3A_599], %broadcast_in_dim3A_597 {strides = array<i32>} : memref<128x20xi32, #tpu.memory_space<vmem>>, vector<128x1xi32>,
    %is_finite3A_601 = tpu.weird %broadcast_in_dim3A_589 : vector<128x1xf32> -> vector<128x1xi1>
    %is_finite3A_602 = arith.constant dense<true> : vector<128x1xi1>
    %is_finite3A_603 = arith.xori %is_finite3A_601, %is_finite3A_602 : vector<128x1xi1>
    %jit3A_604 = arith.constant 1.000000e+00 : f32
    %jit3A_605 = arith.constant 0.000000e+00 : f32
    %broadcast_in_dim3A_606 = vector.broadcast %jit3A_604 : f32 to vector<128x1xf32>
    %broadcast_in_dim3A_607 = vector.broadcast %jit3A_605 : f32 to vector<128x1xf32>
    %select_n3A_608 = arith.select %is_finite3A_603, %broadcast_in_dim3A_606, %broadcast_in_dim3A_607 : vector<128x1xi1>, vector<128x1xf32>
    %swap3A_609 = arith.constant 0 : index
    %swap3A_610 = arith.constant 19 : index
    %swap3A_611 = vector.load %arg4[%swap3A_609, %swap3A_610] : memref<128x20xf32, #tpu.memory_space<vmem>>, vector<128x1xf32>
    tpu.vector_store %arg4[%swap3A_609, %swap3A_610], %select_n3A_608 {strides = array<i32>} : memref<128x20xf32, #tpu.memory_space<vmem>>, vector<128x1xf32>,
    return
  }
  func.func @transform_0(%arg0: i32) -> (i32, i32) {
    %c0_i32 = arith.constant 0 : i32
    %c0_i32_0 = arith.constant 0 : i32
    return %arg0, %c0_i32 : i32, i32
  }
  func.func @transform_1(%arg0: i32) -> (i32, i32) {
    %c0_i32 = arith.constant 0 : i32
    %c0_i32_0 = arith.constant 0 : i32
    %c0_i32_1 = arith.constant 0 : i32
    return %c0_i32, %c0_i32_0 : i32, i32
  }
  func.func @transform_2(%arg0: i32) -> (i32, i32) {
    %c0_i32 = arith.constant 0 : i32
    %c0_i32_0 = arith.constant 0 : i32
    return %arg0, %c0_i32 : i32, i32
  }
  func.func @transform_3(%arg0: i32) -> (i32, i32) {
    %c0_i32 = arith.constant 0 : i32
    %c0_i32_0 = arith.constant 0 : i32
    return %arg0, %c0_i32 : i32, i32
  }
}

module attributes {stable_mosaic.version = 14 : i64} {
  func.func @_edge_kernel(%arg0: i32, %arg1: memref<2000x128xf32, #tpu.memory_space<vmem>>, %arg2: memref<128x128xf32, #tpu.memory_space<vmem>>, %arg3: memref<5x128xf32, #tpu.memory_space<vmem>>, %arg4: memref<2000x128xf32, #tpu.memory_space<vmem>>) attributes {dimension_semantics = [#tpu.dimension_semantics<arbitrary>], iteration_bounds = array<i64: 50>, scalar_prefetch = 0 : i64, scratch_operands = 0 : i64, tpu.core_type = #tpu.core_type<tc>, window_params = [{transform_indices = @transform_0, window_bounds = array<i64: 2000, 128>}, {pipeline_mode = #tpu.pipeline_mode<synchronous>, transform_indices = @transform_1, window_bounds = array<i64: 128, 128>}, {pipeline_mode = #tpu.pipeline_mode<synchronous>, transform_indices = @transform_2, window_bounds = array<i64: 5, 128>}, {transform_indices = @transform_3, window_bounds = array<i64: 2000, 128>}]} {
    %get3A = arith.constant 0 : index
    %get3A_0 = arith.constant 0 : index
    %get3A_1 = vector.load %arg1[%get3A, %get3A_0] : memref<2000x128xf32, #tpu.memory_space<vmem>>, vector<2000x128xf32>
    %get3A_2 = arith.constant 0 : index
    %get3A_3 = arith.constant 0 : index
    %get3A_4 = vector.load %arg2[%get3A_2, %get3A_3] : memref<128x128xf32, #tpu.memory_space<vmem>>, vector<128x128xf32>
    %dot_general3A = arith.constant dense<0.000000e+00> : vector<2000x128xf32>
    %dot_general3A_5 = tpu.matmul %get3A_1, %get3A_4, %dot_general3A {dimension_numbers = #tpu.dot_dimension_numbers<[1], [0], [0], [1], [0, 0, 1, 1], [], []>, transpose_lhs_hint = false} : vector<2000x128xf32>, vector<128x128xf32>, vector<2000x128xf32> -> vector<2000x128xf32>
    %get3A_6 = arith.constant 0 : index
    %get3A_7 = arith.constant 0 : index
    %get3A_8 = vector.load %arg3[%get3A_6, %get3A_7] : memref<5x128xf32, #tpu.memory_space<vmem>>, vector<1x128xf32>
    %get3A_9 = arith.constant 1 : index
    %get3A_10 = arith.constant 0 : index
    %get3A_11 = vector.load %arg3[%get3A_9, %get3A_10] : memref<5x128xf32, #tpu.memory_space<vmem>>, vector<1x128xf32>
    %get3A_12 = arith.constant 2 : index
    %get3A_13 = arith.constant 0 : index
    %get3A_14 = vector.load %arg3[%get3A_12, %get3A_13] : memref<5x128xf32, #tpu.memory_space<vmem>>, vector<1x128xf32>
    %get3A_15 = arith.constant 3 : index
    %get3A_16 = arith.constant 0 : index
    %get3A_17 = vector.load %arg3[%get3A_15, %get3A_16] : memref<5x128xf32, #tpu.memory_space<vmem>>, vector<1x128xf32>
    %get3A_18 = arith.constant 4 : index
    %get3A_19 = arith.constant 0 : index
    %get3A_20 = vector.load %arg3[%get3A_18, %get3A_19] : memref<5x128xf32, #tpu.memory_space<vmem>>, vector<1x128xf32>
    %add3A = vector.broadcast %get3A_8 : vector<1x128xf32> to vector<2000x128xf32>
    %add3A_21 = arith.addf %dot_general3A_5, %add3A : vector<2000x128xf32>
    %max3A = arith.constant 0.000000e+00 : f32
    %max3A_22 = vector.broadcast %max3A : f32 to vector<2000x128xf32>
    %max3A_23 = arith.maximumf %add3A_21, %max3A_22 : vector<2000x128xf32>
    %sub3A = vector.broadcast %get3A_17 : vector<1x128xf32> to vector<2000x128xf32>
    %sub3A_24 = arith.subf %max3A_23, %sub3A : vector<2000x128xf32>
    %add3A_25 = arith.constant 9.99999974E-6 : f32
    %add3A_26 = vector.broadcast %add3A_25 : f32 to vector<1x128xf32>
    %add3A_27 = arith.addf %get3A_20, %add3A_26 : vector<1x128xf32>
    %sqrt3A = math.sqrt %add3A_27 : vector<1x128xf32>
    %div3A = vector.broadcast %sqrt3A : vector<1x128xf32> to vector<2000x128xf32>
    %div3A_28 = arith.divf %sub3A_24, %div3A : vector<2000x128xf32>
    %mul3A = vector.broadcast %get3A_11 : vector<1x128xf32> to vector<2000x128xf32>
    %mul3A_29 = arith.mulf %div3A_28, %mul3A : vector<2000x128xf32>
    %add3A_30 = vector.broadcast %get3A_14 : vector<1x128xf32> to vector<2000x128xf32>
    %add3A_31 = arith.addf %mul3A_29, %add3A_30 : vector<2000x128xf32>
    %swap3A = arith.constant 0 : index
    %swap3A_32 = arith.constant 0 : index
    %swap3A_33 = vector.load %arg4[%swap3A, %swap3A_32] : memref<2000x128xf32, #tpu.memory_space<vmem>>, vector<2000x128xf32>
    tpu.vector_store %arg4[%swap3A, %swap3A_32], %add3A_31 {strides = array<i32>} : memref<2000x128xf32, #tpu.memory_space<vmem>>, vector<2000x128xf32>,
    return
  }
  func.func @transform_0(%arg0: i32) -> (i32, i32) {
    %c0_i32 = arith.constant 0 : i32
    %c0_i32_0 = arith.constant 0 : i32
    return %arg0, %c0_i32 : i32, i32
  }
  func.func @transform_1(%arg0: i32) -> (i32, i32) {
    %c0_i32 = arith.constant 0 : i32
    %c0_i32_0 = arith.constant 0 : i32
    %c0_i32_1 = arith.constant 0 : i32
    return %c0_i32, %c0_i32_0 : i32, i32
  }
  func.func @transform_2(%arg0: i32) -> (i32, i32) {
    %c0_i32 = arith.constant 0 : i32
    %c0_i32_0 = arith.constant 0 : i32
    %c0_i32_1 = arith.constant 0 : i32
    return %c0_i32, %c0_i32_0 : i32, i32
  }
  func.func @transform_3(%arg0: i32) -> (i32, i32) {
    %c0_i32 = arith.constant 0 : i32
    %c0_i32_0 = arith.constant 0 : i32
    return %arg0, %c0_i32 : i32, i32
  }
}

module attributes {stable_mosaic.version = 14 : i64} {
  func.func @_head_kernel(%arg0: i32, %arg1: memref<1000x192xf32, #tpu.memory_space<vmem>>, %arg2: memref<192x1024xf32, #tpu.memory_space<vmem>>, %arg3: memref<5x1024xf32, #tpu.memory_space<vmem>>, %arg4: memref<1024x512xf32, #tpu.memory_space<vmem>>, %arg5: memref<5x512xf32, #tpu.memory_space<vmem>>, %arg6: memref<512x256xf32, #tpu.memory_space<vmem>>, %arg7: memref<5x256xf32, #tpu.memory_space<vmem>>, %arg8: memref<256x40xf32, #tpu.memory_space<vmem>>, %arg9: memref<1x40xf32, #tpu.memory_space<vmem>>, %arg10: memref<1x40xf32, #tpu.memory_space<vmem>>, %arg11: memref<1x1024xf32, #tpu.memory_space<vmem>>) attributes {dimension_semantics = [#tpu.dimension_semantics<arbitrary>], iteration_bounds = array<i64: 10>, scalar_prefetch = 0 : i64, scratch_operands = 1 : i64, tpu.core_type = #tpu.core_type<tc>, window_params = [{transform_indices = @transform_0, window_bounds = array<i64: 1000, 192>}, {pipeline_mode = #tpu.pipeline_mode<synchronous>, transform_indices = @transform_1, window_bounds = array<i64: 192, 1024>}, {pipeline_mode = #tpu.pipeline_mode<synchronous>, transform_indices = @transform_2, window_bounds = array<i64: 5, 1024>}, {pipeline_mode = #tpu.pipeline_mode<synchronous>, transform_indices = @transform_3, window_bounds = array<i64: 1024, 512>}, {pipeline_mode = #tpu.pipeline_mode<synchronous>, transform_indices = @transform_4, window_bounds = array<i64: 5, 512>}, {pipeline_mode = #tpu.pipeline_mode<synchronous>, transform_indices = @transform_5, window_bounds = array<i64: 512, 256>}, {pipeline_mode = #tpu.pipeline_mode<synchronous>, transform_indices = @transform_6, window_bounds = array<i64: 5, 256>}, {pipeline_mode = #tpu.pipeline_mode<synchronous>, transform_indices = @transform_7, window_bounds = array<i64: 256, 40>}, {pipeline_mode = #tpu.pipeline_mode<synchronous>, transform_indices = @transform_8, window_bounds = array<i64: 1, 40>}, {pipeline_mode = #tpu.pipeline_mode<synchronous>, transform_indices = @transform_9, window_bounds = array<i64: 1, 40>}]} {
    %get3A = arith.constant 0 : index
    %get3A_0 = arith.constant 0 : index
    %get3A_1 = vector.load %arg1[%get3A, %get3A_0] : memref<1000x192xf32, #tpu.memory_space<vmem>>, vector<1000x192xf32>
    %get3A_2 = arith.constant 0 : index
    %get3A_3 = arith.constant 0 : index
    %get3A_4 = vector.load %arg2[%get3A_2, %get3A_3] : memref<192x1024xf32, #tpu.memory_space<vmem>>, vector<192x1024xf32>
    %dot_general3A = arith.constant dense<0.000000e+00> : vector<1000x1024xf32>
    %dot_general3A_5 = tpu.matmul %get3A_1, %get3A_4, %dot_general3A {dimension_numbers = #tpu.dot_dimension_numbers<[1], [0], [0], [1], [0, 0, 1, 1], [], []>, transpose_lhs_hint = false} : vector<1000x192xf32>, vector<192x1024xf32>, vector<1000x1024xf32> -> vector<1000x1024xf32>
    %get3A_6 = arith.constant 0 : index
    %get3A_7 = arith.constant 0 : index
    %get3A_8 = vector.load %arg3[%get3A_6, %get3A_7] : memref<5x1024xf32, #tpu.memory_space<vmem>>, vector<1x1024xf32>
    %get3A_9 = arith.constant 1 : index
    %get3A_10 = arith.constant 0 : index
    %get3A_11 = vector.load %arg3[%get3A_9, %get3A_10] : memref<5x1024xf32, #tpu.memory_space<vmem>>, vector<1x1024xf32>
    %get3A_12 = arith.constant 2 : index
    %get3A_13 = arith.constant 0 : index
    %get3A_14 = vector.load %arg3[%get3A_12, %get3A_13] : memref<5x1024xf32, #tpu.memory_space<vmem>>, vector<1x1024xf32>
    %get3A_15 = arith.constant 3 : index
    %get3A_16 = arith.constant 0 : index
    %get3A_17 = vector.load %arg3[%get3A_15, %get3A_16] : memref<5x1024xf32, #tpu.memory_space<vmem>>, vector<1x1024xf32>
    %get3A_18 = arith.constant 4 : index
    %get3A_19 = arith.constant 0 : index
    %get3A_20 = vector.load %arg3[%get3A_18, %get3A_19] : memref<5x1024xf32, #tpu.memory_space<vmem>>, vector<1x1024xf32>
    %add3A = vector.broadcast %get3A_8 : vector<1x1024xf32> to vector<1000x1024xf32>
    %add3A_21 = arith.addf %dot_general3A_5, %add3A : vector<1000x1024xf32>
    %max3A = arith.constant 0.000000e+00 : f32
    %max3A_22 = vector.broadcast %max3A : f32 to vector<1000x1024xf32>
    %max3A_23 = arith.maximumf %add3A_21, %max3A_22 : vector<1000x1024xf32>
    %sub3A = vector.broadcast %get3A_17 : vector<1x1024xf32> to vector<1000x1024xf32>
    %sub3A_24 = arith.subf %max3A_23, %sub3A : vector<1000x1024xf32>
    %add3A_25 = arith.constant 9.99999974E-6 : f32
    %add3A_26 = vector.broadcast %add3A_25 : f32 to vector<1x1024xf32>
    %add3A_27 = arith.addf %get3A_20, %add3A_26 : vector<1x1024xf32>
    %sqrt3A = math.sqrt %add3A_27 : vector<1x1024xf32>
    %div3A = vector.broadcast %sqrt3A : vector<1x1024xf32> to vector<1000x1024xf32>
    %div3A_28 = arith.divf %sub3A_24, %div3A : vector<1000x1024xf32>
    %mul3A = vector.broadcast %get3A_11 : vector<1x1024xf32> to vector<1000x1024xf32>
    %mul3A_29 = arith.mulf %div3A_28, %mul3A : vector<1000x1024xf32>
    %add3A_30 = vector.broadcast %get3A_14 : vector<1x1024xf32> to vector<1000x1024xf32>
    %add3A_31 = arith.addf %mul3A_29, %add3A_30 : vector<1000x1024xf32>
    %reduce_max3A = arith.constant dense<0xFF800000> : vector<1024xf32>
    %reduce_max3A_32 = vector.multi_reduction <maximumf>, %add3A_31, %reduce_max3A [0] : vector<1000x1024xf32> to vector<1024xf32>
    %broadcast_in_dim3A = vector.shape_cast %reduce_max3A_32 : vector<1024xf32> to vector<1x1024xf32>
    %eq3A = arith.constant 0 : i32
    %eq3A_33 = arith.cmpi eq, %arg0, %eq3A : i32
    %convert_element_type3A = arith.extui %eq3A_33 : i1 to i32
    %cond3A = arith.constant 0 : i32
    %cond3A_34 = arith.cmpi ne, %convert_element_type3A, %cond3A : i32
    scf.if %cond3A_34 {
      %swap3A = arith.constant 0 : index
      %swap3A_44 = arith.constant 0 : index
      %swap3A_45 = vector.load %arg11[%swap3A, %swap3A_44] : memref<1x1024xf32, #tpu.memory_space<vmem>>, vector<1x1024xf32>
      tpu.vector_store %arg11[%swap3A, %swap3A_44], %broadcast_in_dim3A {strides = array<i32>} : memref<1x1024xf32, #tpu.memory_space<vmem>>, vector<1x1024xf32>,
    } else {
    }
    %gt3A = arith.constant 0 : i32
    %gt3A_35 = arith.cmpi sgt, %arg0, %gt3A : i32
    %convert_element_type3A_36 = arith.extui %gt3A_35 : i1 to i32
    %cond3A_37 = arith.constant 0 : i32
    %cond3A_38 = arith.cmpi ne, %convert_element_type3A_36, %cond3A_37 : i32
    scf.if %cond3A_38 {
      %get3A_44 = arith.constant 0 : index
      %get3A_45 = arith.constant 0 : index
      %get3A_46 = vector.load %arg11[%get3A_44, %get3A_45] : memref<1x1024xf32, #tpu.memory_space<vmem>>, vector<1x1024xf32>
      %max3A_47 = arith.maximumf %get3A_46, %broadcast_in_dim3A : vector<1x1024xf32>
      %swap3A = arith.constant 0 : index
      %swap3A_48 = arith.constant 0 : index
      %swap3A_49 = vector.load %arg11[%swap3A, %swap3A_48] : memref<1x1024xf32, #tpu.memory_space<vmem>>, vector<1x1024xf32>
      tpu.vector_store %arg11[%swap3A, %swap3A_48], %max3A_47 {strides = array<i32>} : memref<1x1024xf32, #tpu.memory_space<vmem>>, vector<1x1024xf32>,
    } else {
    }
    %eq3A_39 = arith.constant 9 : i32
    %eq3A_40 = arith.cmpi eq, %arg0, %eq3A_39 : i32
    %convert_element_type3A_41 = arith.extui %eq3A_40 : i1 to i32
    %cond3A_42 = arith.constant 0 : i32
    %cond3A_43 = arith.cmpi ne, %convert_element_type3A_41, %cond3A_42 : i32
    scf.if %cond3A_43 {
      %get3A_44 = arith.constant 0 : index
      %get3A_45 = arith.constant 0 : index
      %get3A_46 = vector.load %arg11[%get3A_44, %get3A_45] : memref<1x1024xf32, #tpu.memory_space<vmem>>, vector<1x1024xf32>
      %get3A_47 = arith.constant 0 : index
      %get3A_48 = arith.constant 0 : index
      %get3A_49 = vector.load %arg4[%get3A_47, %get3A_48] : memref<1024x512xf32, #tpu.memory_space<vmem>>, vector<1024x512xf32>
      %dot_general3A_50 = arith.constant dense<0.000000e+00> : vector<1x512xf32>
      %dot_general3A_51 = tpu.matmul %get3A_46, %get3A_49, %dot_general3A_50 {dimension_numbers = #tpu.dot_dimension_numbers<[1], [0], [0], [1], [0, 0, 1, 1], [], []>, transpose_lhs_hint = false} : vector<1x1024xf32>, vector<1024x512xf32>, vector<1x512xf32> -> vector<1x512xf32>
      %get3A_52 = arith.constant 0 : index
      %get3A_53 = arith.constant 0 : index
      %get3A_54 = vector.load %arg5[%get3A_52, %get3A_53] : memref<5x512xf32, #tpu.memory_space<vmem>>, vector<1x512xf32>
      %get3A_55 = arith.constant 1 : index
      %get3A_56 = arith.constant 0 : index
      %get3A_57 = vector.load %arg5[%get3A_55, %get3A_56] : memref<5x512xf32, #tpu.memory_space<vmem>>, vector<1x512xf32>
      %get3A_58 = arith.constant 2 : index
      %get3A_59 = arith.constant 0 : index
      %get3A_60 = vector.load %arg5[%get3A_58, %get3A_59] : memref<5x512xf32, #tpu.memory_space<vmem>>, vector<1x512xf32>
      %get3A_61 = arith.constant 3 : index
      %get3A_62 = arith.constant 0 : index
      %get3A_63 = vector.load %arg5[%get3A_61, %get3A_62] : memref<5x512xf32, #tpu.memory_space<vmem>>, vector<1x512xf32>
      %get3A_64 = arith.constant 4 : index
      %get3A_65 = arith.constant 0 : index
      %get3A_66 = vector.load %arg5[%get3A_64, %get3A_65] : memref<5x512xf32, #tpu.memory_space<vmem>>, vector<1x512xf32>
      %add3A_67 = arith.addf %dot_general3A_51, %get3A_54 : vector<1x512xf32>
      %max3A_68 = arith.constant 0.000000e+00 : f32
      %max3A_69 = vector.broadcast %max3A_68 : f32 to vector<1x512xf32>
      %max3A_70 = arith.maximumf %add3A_67, %max3A_69 : vector<1x512xf32>
      %sub3A_71 = arith.subf %max3A_70, %get3A_63 : vector<1x512xf32>
      %add3A_72 = arith.constant 9.99999974E-6 : f32
      %add3A_73 = vector.broadcast %add3A_72 : f32 to vector<1x512xf32>
      %add3A_74 = arith.addf %get3A_66, %add3A_73 : vector<1x512xf32>
      %sqrt3A_75 = math.sqrt %add3A_74 : vector<1x512xf32>
      %div3A_76 = arith.divf %sub3A_71, %sqrt3A_75 : vector<1x512xf32>
      %mul3A_77 = arith.mulf %div3A_76, %get3A_57 : vector<1x512xf32>
      %add3A_78 = arith.addf %mul3A_77, %get3A_60 : vector<1x512xf32>
      %get3A_79 = arith.constant 0 : index
      %get3A_80 = arith.constant 0 : index
      %get3A_81 = vector.load %arg6[%get3A_79, %get3A_80] : memref<512x256xf32, #tpu.memory_space<vmem>>, vector<512x256xf32>
      %dot_general3A_82 = arith.constant dense<0.000000e+00> : vector<1x256xf32>
      %dot_general3A_83 = tpu.matmul %add3A_78, %get3A_81, %dot_general3A_82 {dimension_numbers = #tpu.dot_dimension_numbers<[1], [0], [0], [1], [0, 0, 1, 1], [], []>, transpose_lhs_hint = false} : vector<1x512xf32>, vector<512x256xf32>, vector<1x256xf32> -> vector<1x256xf32>
      %get3A_84 = arith.constant 0 : index
      %get3A_85 = arith.constant 0 : index
      %get3A_86 = vector.load %arg7[%get3A_84, %get3A_85] : memref<5x256xf32, #tpu.memory_space<vmem>>, vector<1x256xf32>
      %get3A_87 = arith.constant 1 : index
      %get3A_88 = arith.constant 0 : index
      %get3A_89 = vector.load %arg7[%get3A_87, %get3A_88] : memref<5x256xf32, #tpu.memory_space<vmem>>, vector<1x256xf32>
      %get3A_90 = arith.constant 2 : index
      %get3A_91 = arith.constant 0 : index
      %get3A_92 = vector.load %arg7[%get3A_90, %get3A_91] : memref<5x256xf32, #tpu.memory_space<vmem>>, vector<1x256xf32>
      %get3A_93 = arith.constant 3 : index
      %get3A_94 = arith.constant 0 : index
      %get3A_95 = vector.load %arg7[%get3A_93, %get3A_94] : memref<5x256xf32, #tpu.memory_space<vmem>>, vector<1x256xf32>
      %get3A_96 = arith.constant 4 : index
      %get3A_97 = arith.constant 0 : index
      %get3A_98 = vector.load %arg7[%get3A_96, %get3A_97] : memref<5x256xf32, #tpu.memory_space<vmem>>, vector<1x256xf32>
      %add3A_99 = arith.addf %dot_general3A_83, %get3A_86 : vector<1x256xf32>
      %max3A_100 = arith.constant 0.000000e+00 : f32
      %max3A_101 = vector.broadcast %max3A_100 : f32 to vector<1x256xf32>
      %max3A_102 = arith.maximumf %add3A_99, %max3A_101 : vector<1x256xf32>
      %sub3A_103 = arith.subf %max3A_102, %get3A_95 : vector<1x256xf32>
      %add3A_104 = arith.constant 9.99999974E-6 : f32
      %add3A_105 = vector.broadcast %add3A_104 : f32 to vector<1x256xf32>
      %add3A_106 = arith.addf %get3A_98, %add3A_105 : vector<1x256xf32>
      %sqrt3A_107 = math.sqrt %add3A_106 : vector<1x256xf32>
      %div3A_108 = arith.divf %sub3A_103, %sqrt3A_107 : vector<1x256xf32>
      %mul3A_109 = arith.mulf %div3A_108, %get3A_89 : vector<1x256xf32>
      %add3A_110 = arith.addf %mul3A_109, %get3A_92 : vector<1x256xf32>
      %get3A_111 = arith.constant 0 : index
      %get3A_112 = arith.constant 0 : index
      %get3A_113 = vector.load %arg8[%get3A_111, %get3A_112] : memref<256x40xf32, #tpu.memory_space<vmem>>, vector<256x40xf32>
      %dot_general3A_114 = arith.constant dense<0.000000e+00> : vector<1x40xf32>
      %dot_general3A_115 = tpu.matmul %add3A_110, %get3A_113, %dot_general3A_114 {dimension_numbers = #tpu.dot_dimension_numbers<[1], [0], [0], [1], [0, 0, 1, 1], [], []>, transpose_lhs_hint = false} : vector<1x256xf32>, vector<256x40xf32>, vector<1x40xf32> -> vector<1x40xf32>
      %get3A_116 = arith.constant 0 : index
      %get3A_117 = arith.constant 0 : index
      %get3A_118 = vector.load %arg9[%get3A_116, %get3A_117] : memref<1x40xf32, #tpu.memory_space<vmem>>, vector<1x40xf32>
      %add3A_119 = arith.addf %dot_general3A_115, %get3A_118 : vector<1x40xf32>
      %reduce_max3A_120 = arith.constant dense<0xFF800000> : vector<1xf32>
      %reduce_max3A_121 = vector.multi_reduction <maximumf>, %add3A_119, %reduce_max3A_120 [1] : vector<1x40xf32> to vector<1xf32>
      %broadcast_in_dim3A_122 = vector.shape_cast %reduce_max3A_121 : vector<1xf32> to vector<1x1xf32>
      %sub3A_123 = vector.broadcast %broadcast_in_dim3A_122 : vector<1x1xf32> to vector<1x40xf32>
      %sub3A_124 = arith.subf %add3A_119, %sub3A_123 : vector<1x40xf32>
      %exp3A = math.exp %sub3A_124 : vector<1x40xf32>
      %reduce_sum3A = arith.constant dense<0.000000e+00> : vector<1xf32>
      %reduce_sum3A_125 = vector.multi_reduction <add>, %exp3A, %reduce_sum3A [1] : vector<1x40xf32> to vector<1xf32>
      %broadcast_in_dim3A_126 = vector.shape_cast %reduce_sum3A_125 : vector<1xf32> to vector<1x1xf32>
      %log3A = math.log %broadcast_in_dim3A_126 : vector<1x1xf32>
      %add3A_127 = arith.addf %log3A, %broadcast_in_dim3A_122 : vector<1x1xf32>
      %sub3A_128 = vector.broadcast %add3A_127 : vector<1x1xf32> to vector<1x40xf32>
      %sub3A_129 = arith.subf %add3A_119, %sub3A_128 : vector<1x40xf32>
      %swap3A = arith.constant 0 : index
      %swap3A_130 = arith.constant 0 : index
      %swap3A_131 = vector.load %arg10[%swap3A, %swap3A_130] : memref<1x40xf32, #tpu.memory_space<vmem>>, vector<1x40xf32>
      tpu.vector_store %arg10[%swap3A, %swap3A_130], %sub3A_129 {strides = array<i32>} : memref<1x40xf32, #tpu.memory_space<vmem>>, vector<1x40xf32>,
    } else {
    }
    return
  }
  func.func @transform_0(%arg0: i32) -> (i32, i32) {
    %c0_i32 = arith.constant 0 : i32
    %c0_i32_0 = arith.constant 0 : i32
    return %arg0, %c0_i32 : i32, i32
  }
  func.func @transform_1(%arg0: i32) -> (i32, i32) {
    %c0_i32 = arith.constant 0 : i32
    %c0_i32_0 = arith.constant 0 : i32
    %c0_i32_1 = arith.constant 0 : i32
    return %c0_i32, %c0_i32_0 : i32, i32
  }
  func.func @transform_2(%arg0: i32) -> (i32, i32) {
    %c0_i32 = arith.constant 0 : i32
    %c0_i32_0 = arith.constant 0 : i32
    %c0_i32_1 = arith.constant 0 : i32
    return %c0_i32, %c0_i32_0 : i32, i32
  }
  func.func @transform_3(%arg0: i32) -> (i32, i32) {
    %c0_i32 = arith.constant 0 : i32
    %c0_i32_0 = arith.constant 0 : i32
    %c0_i32_1 = arith.constant 0 : i32
    return %c0_i32, %c0_i32_0 : i32, i32
  }
  func.func @transform_4(%arg0: i32) -> (i32, i32) {
    %c0_i32 = arith.constant 0 : i32
    %c0_i32_0 = arith.constant 0 : i32
    %c0_i32_1 = arith.constant 0 : i32
    return %c0_i32, %c0_i32_0 : i32, i32
  }
  func.func @transform_5(%arg0: i32) -> (i32, i32) {
    %c0_i32 = arith.constant 0 : i32
    %c0_i32_0 = arith.constant 0 : i32
    %c0_i32_1 = arith.constant 0 : i32
    return %c0_i32, %c0_i32_0 : i32, i32
  }
  func.func @transform_6(%arg0: i32) -> (i32, i32) {
    %c0_i32 = arith.constant 0 : i32
    %c0_i32_0 = arith.constant 0 : i32
    %c0_i32_1 = arith.constant 0 : i32
    return %c0_i32, %c0_i32_0 : i32, i32
  }
  func.func @transform_7(%arg0: i32) -> (i32, i32) {
    %c0_i32 = arith.constant 0 : i32
    %c0_i32_0 = arith.constant 0 : i32
    %c0_i32_1 = arith.constant 0 : i32
    return %c0_i32, %c0_i32_0 : i32, i32
  }
  func.func @transform_8(%arg0: i32) -> (i32, i32) {
    %c0_i32 = arith.constant 0 : i32
    %c0_i32_0 = arith.constant 0 : i32
    %c0_i32_1 = arith.constant 0 : i32
    return %c0_i32, %c0_i32_0 : i32, i32
  }
  func.func @transform_9(%arg0: i32) -> (i32, i32) {
    %c0_i32 = arith.constant 0 : i32
    %c0_i32_0 = arith.constant 0 : i32
    %c0_i32_1 = arith.constant 0 : i32
    return %c0_i32, %c0_i32_0 : i32, i32
  }
}

</mosaic_0001>

<sc_bundles>
// kernel: scatter_offload_async_start.1
scs
__scs_entry_jumppad:
0x0: {  	(pc) =	sbr.rel $0x88, $3  }
0x1: {  	(tag) =	ssettag $0x0;
	lr =	simm.s32 $0x1  }
0x2: {  	[smem:$0x3F74] =	sst lr;
	_ =	strace $0xD0000000  }
0x3: {  	_ = 	snop  }
0x4: {  	_ = 	snop  }
0x5: {  	_ = 	snop  }
0x6: {  	_ = 	snop  }
0x7: {  	_ = 	snop  }
__scs_overlays_trampoline_lowered:
0x8: {  	[smem:$0x3F83] =	sst s0  }
0x9: {  	[smem:$0x3F84] =	sst s1  }
0xa: {  	[smem:$0x3F85] =	sst s2  }
0xb: {  	[smem:$0x3F86] =	sst s3  }
0xc: {  	[smem:$0x3F87] =	sst s4  }
0xd: {  	[smem:$0x3F88] =	sst s5  }
0xe: {  	[smem:$0x3F89] =	sst s6  }
0xf: {  	[smem:$0x3F8A] =	sst s7  }
0x10: {  	[smem:$0x3F8B] =	sst s8  }
0x11: {  	[smem:$0x3F8C] =	sst s9;
	s0 =	simm.s32 @!p0 $0x0  }
0x12: {  	s1 =	sld [smem:$0x3F72];
	s0 =	simm.s32 @p0 $0x1  }
0x13: {  	[smem:$0x3F8D] =	sst s0;
	s0 =	simm.s32 @!p1 $0x0  }
0x14: {  	s2 =	sld [smem:$0x3F71];
	s0 =	simm.s32 @p1 $0x1  }
0x15: {  	[smem:$0x3F8E] =	sst s0;
	s0 =	simm.s32 @!p2 $0x0  }
0x16: {  	s3 =	sld [smem:$0x3FDB];
	s0 =	simm.s32 @p2 $0x1  }
0x17: {  	s4 =	simm.s32 $0x1BF5;
	[smem:$0x3F90] =	sst s0  }
0x18: {  	s0 =	sld [smem:$0x3F73];
	_ =	swait.ge [sflag:s4], $0x0  }
0x19: {  	s7 =	sld [smem:$0x3F74]  }
0x1a: {  	s8 =	sadd.s32 $0xFFFFE003, lr  }
0x1b: {  	s9 =	sadd.s32 $0xFFFFFEF7, lr;
	s5 =	simm.s32 $0xFFFFFFFF;
	p2 =	slt.u32 s8, $0xFFFFF086  }
0x1c: {  	p1 =	slt.u32 s9, $0xF7A;
	s5 =	simm.s32 @!p2 $0x0  }
0x1d: {  	s5 =	simm.s32 @p1 $0x1;
	p0 =	seq.s32 s7, s2  }
0x1e: {  	s7 =	smul.u32 @!p0 $0xF7A, s2;
	p2 =	seq.s32 @!p0 s5, $0x0  }
0x1f: {  	s9 =	smul.u32 $0xF7A, s1;
	s8 =	simm.s32 @!p0 $0x1BF5;
	p2 =	por !p2, p0  }
0x20: {  	[sflag:s8] =	ssyncset.s32 @!p0 $0xFFFFF086;
	s6 =	sadd.s32 @!p0 s3, s7;
	s7 =	simm.s32 @!p0 $0x108  }
0x21: {  	s3 =	sadd.s32 s3, s9;
	s6 =	sadd.s32 @!p0 $0x88, s6;
	s7 =	simm.s32 @p2 $0x1082  }
0x22: {  	[simem:s7], [sflag:s8] =	dma.local @!p0 [hbm:s6], $0xF7A  }
0x23: {  	s9 =	sor.u32 $0xD0000000, s2;
	s6 =	simm.s32 $0x108;
	_ =	swait.ge @!p0 [sflag:s8], $0x0  }
0x24: {  	s3 =	sadd.s32 $0x88, s3;
	s6 =	simm.s32 @!p1 $0x1082;
	[sflag:s4] =	ssyncset.s32 $0xFFFFF086  }
0x25: {  	[simem:s6], [sflag:s4] =	dma.local [hbm:s3], $0xF7A  }
0x26: {  	[smem:$0x3F74] =	sst s1;
	(tag) =	ssettag s2;
	_ =	strace s9  }
0x27: {  	s1 =	sld [smem:$0x3F84]  }
0x28: {  	s2 =	sld [smem:$0x3F85]  }
0x29: {  	s4 =	sld [smem:$0x3F87]  }
0x2a: {  	p0 =	seq.s32 s5, $0x0;
	s5 =	sld [smem:$0x3F88]  }
0x2b: {  	s6 =	sld [smem:$0x3F89]  }
0x2c: {  	s7 =	sld [smem:$0x3F8A]  }
0x2d: {  	s3 =	simm.s32 $0x108;
	s8 =	sld [smem:$0x3F8B]  }
0x2e: {  	s3 =	simm.s32 @!p0 $0x1082;
	s9 =	sld [smem:$0x3F8C]  }
0x2f: {  	lr =	sadd.s32 s0, s3;
	s0 =	sld [smem:$0x3F83]  }
0x30: {  	s3 =	sld [smem:$0x3F86]  }
0x31: {  	[smem:$0x3F8F] =	sst s10  }
0x32: {  	s10 =	sld [smem:$0x3F8D];
	_ =	sdelay $0x3  }
0x33: {  	p0 =	seq.s32 s10, $0x1;
	s10 =	sld [smem:$0x3F8F];
	_ =	sdelay $0x3  }
0x34: {  	[smem:$0x3F8F] =	sst s10  }
0x35: {  	s10 =	sld [smem:$0x3F8E];
	_ =	sdelay $0x3  }
0x36: {  	p1 =	seq.s32 s10, $0x1;
	s10 =	sld [smem:$0x3F8F];
	_ =	sdelay $0x3  }
0x37: {  	[smem:$0x3F8F] =	sst s10  }
0x38: {  	s10 =	sld [smem:$0x3F90]  }
0x39: {  	_ = 	snop;
	(pc) =	sbr.ind lr, $3  }
0x3a: {  	_ = 	snop  }
0x3b: {  	_ = 	snop  }
0x3c: {  	p2 =	seq.s32 s10, $0x1;
	s10 =	sld [smem:$0x3F8F]  }
0x3d: {  	_ =	shalt  }
0x3e: {  	_ =	shalt  }
0x3f: {  	_ =	shalt  }
0x40: {  	_ =	shalt  }
0x41: {  	_ =	shalt  }
0x42: {  	_ =	shalt  }
0x43: {  	_ =	shalt  }
0x44: {  	_ =	shalt  }
0x45: {  	_ =	shalt  }
0x46: {  	_ =	shalt  }
0x47: {  	_ =	shalt  }
0x48: {  	_ =	shalt  }
0x49: {  	_ =	shalt  }
0x4a: {  	_ =	shalt  }
0x4b: {  	_ =	shalt  }
0x4c: {  	_ =	shalt  }
0x4d: {  	_ =	shalt  }
0x4e: {  	_ =	shalt  }
0x4f: {  	_ =	shalt  }
0x50: {  	_ =	shalt  }
0x51: {  	_ =	shalt  }
0x52: {  	_ =	shalt  }
0x53: {  	_ =	shalt  }
0x54: {  	_ =	shalt  }
0x55: {  	_ =	shalt  }
0x56: {  	_ =	shalt  }
0x57: {  	_ =	shalt  }
0x58: {  	_ =	shalt  }
0x59: {  	_ =	shalt  }
0x5a: {  	_ =	shalt  }
0x5b: {  	_ =	shalt  }
0x5c: {  	_ =	shalt  }
0x5d: {  	_ =	shalt  }
0x5e: {  	_ =	shalt  }
0x5f: {  	_ =	shalt  }
0x60: {  	_ =	shalt  }
0x61: {  	_ =	shalt  }
0x62: {  	_ =	shalt  }
0x63: {  	_ =	shalt  }
0x64: {  	_ =	shalt  }
0x65: {  	_ =	shalt  }
0x66: {  	_ =	shalt  }
0x67: {  	_ =	shalt  }
0x68: {  	_ =	shalt  }
0x69: {  	_ =	shalt  }
0x6a: {  	_ =	shalt  }
0x6b: {  	_ =	shalt  }
0x6c: {  	_ =	shalt  }
0x6d: {  	_ =	shalt  }
0x6e: {  	_ =	shalt  }
0x6f: {  	_ =	shalt  }
0x70: {  	_ =	shalt  }
0x71: {  	_ =	shalt  }
0x72: {  	_ =	shalt  }
0x73: {  	_ =	shalt  }
0x74: {  	_ =	shalt  }
0x75: {  	_ =	shalt  }
0x76: {  	_ =	shalt  }
0x77: {  	_ =	shalt  }
0x78: {  	_ =	shalt  }
0x79: {  	_ =	shalt  }
0x7a: {  	_ =	shalt  }
0x7b: {  	_ =	shalt  }
0x7c: {  	_ =	shalt  }
0x7d: {  	_ =	shalt  }
0x7e: {  	_ =	shalt  }
0x7f: {  	_ =	shalt  }
0x80: {  	_ =	shalt  }
0x81: {  	_ =	shalt  }
0x82: {  	_ =	shalt  }
0x83: {  	_ =	shalt  }
0x84: {  	_ =	shalt  }
0x85: {  	_ =	shalt  }
0x86: {  	_ =	shalt  }
0x87: {  	_ =	shalt  }
.Lfunc_end0:
.L_simem_size_0:
called_computation.1_lowered:
.L_overlay_start_0:
0x88: {  	s2 =	sld [smem:$0x3FD9]  }
0x89: {  	s3 =	sld [smem:$0x3FFE];
	_ =	sdelay $0x1  }
0x8a: {  	s1 =	srdreg.scid  }
0x8b: {  	s0 =	sand.u32 $0x1, s1  }
0x8c: {  	s15 =	sshll.u32 s0, $0xA;
	s2 =	sadd.s32 s3, s2  }
0x8d: {  	s2 =	sadd.s32 s2, s15  }
0x8e: {  	[smem:$0x3F9B] =	sst s2  }
0x8f: {  	_ = 	snop  }
0x90: {  	(tm) =	ssettm $0x1  }
0x91: {  	s16 =	sld [smem:$0x3FFB];
	_ =	sdelay $0x3  }
0x92: {  	_ =	strace s16  }
0x93: {  	s2 =	sld [smem:$0x3FFC];
	_ =	sdelay $0x3  }
0x94: {  	_ =	strace s2  }
0x95: {  	s2 =	sld [smem:$0x3FFD];
	_ =	sdelay $0x3  }
0x96: {  	_ =	strace s2  }
0x97: {  	_ =	strace $0x8FFFFFFF  }
0x98: {  	s17 =	sld [smem:$0x3FDB];
	_ =	sdelay $0x1  }
0x99: {  	s18 =	simm.s32 $_scs_section_size  }
0x9a: {  	s4 =	simm.s32 $_size__tile_overlayer_lowered;
	s5 =	simm.s32 $_tile_overlayer_lowered  }
0x9b: {  	s21 =	simm.s32 $0x1BFF;
	s20 =	sshll.u32 s5, $0x1;
	s2 =	sadd.s32 s18, s17  }
0x9c: {  	s6 =	simm.s32 $0x0;
	s19 =	sshll.u32 s4, $0x1;
	s4 =	sadd.s32 s20, s2  }
0x9d: {  	[timem:s6], [sflag:s21] =	dma.local [hbm:s4], s19  }
0x9e: {  	_ =	swait.ge [sflag:s21], s19  }
0x9f: {  	s3 =	ssub.s32 $0x0, s19;
	[sflag:s21] =	ssyncset.done $0x0  }
0xa0: {  	[sflag:s21] =	ssyncadd.s32 s3;
	_ =	sdelay $0x1  }
0xa1: {  	s22 =	simm.s32 $0x1B8B  }
0xa2: {  	_ =	swait.ge [sflag:s22], $0x1  }
0xa3: {  	[sflag:s22] =	ssyncset.done $0x0  }
0xa4: {  	s23 =	sld [smem:$0x3FFE];
	[sflag:s22] =	ssyncadd.s32 $0xFFFFFFFF  }
0xa5: {  	s25 =	simm.s32 $0x1B8E;
	s24 =	sld [smem:$0x0]  }
0xa6: {  	s26 =	simm.s32 $execute0_lowered;
	[smem:$0x3FD2] =	sst s25  }
0xa7: {  	s5 =	sshll.u32 s26, $0x1;
	_ =	strace $0x80000049;
	[dreg:$0x1] =	wrdreg $0xFFFFFFFF  }
0xa8: {  	s28 =	simm.s32 $_size_execute0_lowered;
	s2 =	sadd.s32 s2, s5;
	[dreg:$0x0] =	wrdreg $0x0  }
0xa9: {  	s5 =	sshll.u32 s28, $0x1;
	[dreg:$0x2] =	wrdreg s2  }
0xaa: {  	[dreg:$0x3] =	wrdreg s5  }
0xab: {  	[dreg:$0x4] =	wrdreg $0xC0  }
0xac: {  	_ =	task [dreg:s6], $0x5FFFF  }
0xad: {  	[dreg:$0x1] =	wrdreg $0xFFFFFFFF  }
0xae: {  	[dreg:$0x0] =	wrdreg $0x60  }
0xaf: {  	[dreg:$0x2] =	wrdreg s23  }
0xb0: {  	[dreg:$0x3] =	wrdreg s1  }
0xb1: {  	[dreg:$0x4] =	wrdreg s24  }
0xb2: {  	[dreg:$0x5] =	wrdreg $0x9  }
0xb3: {  	_ =	task.clear_ibuf [dreg:s6], $0x6FFFF;
	_ =	strace $0x90000049  }
0xb4: {  	s29 =	simm.s32 $0x9;
	_ =	strace $0x8000004B  }
0xb5: {  	_ =	swait.ge [sflag:s29], $0x1  }
0xb6: {  	[sflag:s29] =	ssyncadd.s32 $0xFFFFFFFF  }
0xb7: {  	_ =	strace $0x9000004B  }
0xb8: {  	_ =	sfence  }
0xb9: {  	s30 =	sld [smem:$0x0];
	_ =	sdelay $0x2  }
0xba: {  	s31 =	sshll.u32 s1, $0xD;
	s1 =	sshrl.u32 s1, $0x2  }
0xbb: {  	s3 =	sand.u32 $0x4000, s31;
	s1 =	sadd.s32 s1, s30  }
0xbc: {  	s0 =	sor.u32 s3, s0;
	s1 =	sshll.u32 s1, $0x11  }
0xbd: {  	s0 =	sor.u32 s1, s0  }
0xbe: {  	s0 =	sadd.s32 $0x8F2B, s0  }
0xbf: {  	[sflag:s0] =	ssyncadd.remote.s32 $0x1  }
0xc0: {  	_ =	sfence.sel $0xFFFF  }
0xc1: {  	[dreg:$0x0] =	wrdreg $0xFFFFFFFF;
	(pc) =	sbr.abs _section_cstart, $3  }
0xc2: {  	[dreg:$0x1] =	wrdreg $0xFFFFFFFF  }
0xc3: {  	_ =	task.clear_ibuf [dreg:s6], $0x2FFFF;
	_ =	strace $0x9FFFFFFF  }
0xc4: {  	(tm) =	ssettm $0x7FFFFFFF  }
0xc5: {  	_ =	shalt  }
tec
execute0_lowered:
.L_overlay_start_1:
0x0: {  	(tag) =	ssettag $0x1  }
0x1: {  	s0 =	rddreg [dreg:$0x0]  }
0x2: {  	s2 =	rddreg [dreg:$0x1];
	_ =	strace $0x8000004A;
	s1 =	simm.s32 $0x1  }
0x3: {  	s9 =	simm.s32 $0x108;
	v0 =	vimm.s32 $0x0;
	[sflag:s1] =	ssyncpa.u1 $0x0  }
0x4: {  	[tilespmem:s9+$0x70] =	vst v0  }
0x5: {  	[tilespmem:s9+$0x60] =	vst v0  }
0x6: {  	[tilespmem:s9+$0x50] =	vst v0  }
0x7: {  	[tilespmem:s9+$0x40] =	vst v0  }
0x8: {  	[tilespmem:s9+$0x30] =	vst v0  }
0x9: {  	s1 =	sadd.s32 $0x1B8C00, s0;
	s15 =	sadd.s32 $0x2BE00, s0;
	s6 =	sadd.s32 $0x32200, s0;
	[tilespmem:s9+$0x20] =	vst v0  }
0xa: {  	s14 =	sadd.s32 $0x2F000, s0;
	s5 =	sand.u32 $0x1, s2;
	s0 =	simm.s32 $0x40;
	[tilespmem:s9+$0x10] =	vst v0  }
.LBB2_1:
0xb: {  	s0 =	sadd.s32 $0x40, s0;
	[tilespmem:s9+$0x0] =	vst v0;
	s9 =	sadd.s32 $0x80, s9  }
0xc: {  	p0 =	slt.u32 s0, $0x3C40;
	[tilespmem:s9+$0x70] =	vst v0  }
0xd: {  	[tilespmem:s9+$0x60] =	vst v0  }
.Ltmp0:
0xe: {  	[tilespmem:s9+$0x50] =	vst v0;
	(pc) =	sbr.rel @p0 .LBB2_1-.Ltmp0, $4  }
0xf: {  	[tilespmem:s9+$0x40] =	vst v0  }
0x10: {  	[tilespmem:s9+$0x30] =	vst v0  }
0x11: {  	[tilespmem:s9+$0x20] =	vst v0  }
0x12: {  	[tilespmem:s9+$0x10] =	vst v0  }
0x13: {  	s16 =	stileid.u32  }
0x14: {  	s0 =	simm.s32 $0x1;
	p0 =	sne.s32 s16, $0x0;
	s2 =	smul.u32 $0xD, s16  }
0x15: {  	s0 =	simm.s32 @!p0 $0x0  }
0x16: {  	s0 =	sadd.s32 s0, s2  }
0x17: {  	p1 =	seq.s32 s16, $0x0;
	s7 =	smul.u32 $0xF0, s0;
	s0 =	simm.s32 $0xD20  }
0x18: {  	s0 =	simm.s32 @!p1 $0xC30  }
0x19: {  	s0 =	sadd.s32 s0, s7  }
0x1a: {  	s8 =	smin.u32 s0, $0xC350  }
0x1b: {  	s0 =	ssub.s32 s8, s7  }
0x1c: {  	p1 =	sgt.s32 s0, $0x0  }
0x1d: {  	s3 =	simm.s32 $0x2;
	s10 =	simm.s32 $0x9;
	s0 =	simm.s32 @!p1 $0x0  }
0x1e: {  	s4 =	simm.s32 $0xA;
	s11 =	simm.s32 $0xB;
	s29 =	smul.u32 $0x8889, s0  }
0x1f: {  	[dreg:$0x4] =	wrdreg s5;
	s31 =	smul.u32 $0x186A, s5;
	s12 =	simm.s32 $0x1  }
0x20: {  	s22 =	simm.s32 $0x0;
	s18 =	simm.s32 $0xC;
	s2 =	sshrl.u32 s29, $0x17  }
0x21: {  	s20 =	simm.s32 $0x0;
	s21 =	simm.s32 $0x0;
	s30 =	smul.u32 $0xF0, s2  }
.Ltmp1:
0x22: {  	[tilespmem:s9+$0x0] =	vst v0;
	v0 =	vimm.s32 $0xFFFFFFFF;
	[sflag:s3] =	ssyncpa.u1 $0x0;
	s16 =	sshll.u32 s16, $0x8;
	(pc) =	sbr.rel .LBB2_3-.Ltmp1, $4  }
0x23: {  	[tilespmem:$0xF208] =	vst v0;
	[sflag:s10] =	ssyncpa.u1 $0x0;
	p1 =	sne.s32 s0, s30;
	s0 =	simm.s32 $0x1  }
0x24: {  	s14 =	sadd.s32 s31, s14;
	[sflag:s4] =	ssyncpa.u1 $0x0;
	s0 =	simm.s32 @!p1 $0x0  }
0x25: {  	s15 =	sadd.s32 s31, s15;
	[sflag:s11] =	ssyncpa.u1 $0x0;
	s13 =	sadd.s32 s2, s0  }
0x26: {  	v0 =	vlaneseq.u32;
	s19 =	smov.u32 s7;
	p1 =	por $0x0, $0x0;
	s17 =	sadd.s32 $0x1, s13  }
.LBB2_18:
0x27: {  	s0 =	sshrl.u32 s31, $0x2  }
.LBB2_20:
0x28: {  	_ =	swait.ge [sflag:s18], s0  }
0x29: {  	s31 =	ssub.s32 $0x0, s0;
	v1 =	vmov s24;
	vm0 =	veq.s32 v0, $0x0;
	[sflag:s18] =	ssyncset.done $0x0  }
0x2a: {  	vm15 =	veq.s32 v0, $0x2;
	v1 =	vsel vm0, s30, v1;
	[sflag:s18] =	ssyncadd.s32 s31  }
0x2b: {  	v1 =	vsel vm15, s22, v1;
	[sflag:s18] =	ssyncpa.u1 $0x1  }
0x2c: {  	[tilespmem:$0xF208] =	vst v1  }
.LBB2_21:
0x2d: {  	s0 =	sadd.s32 $0xF0, s19  }
0x2e: {  	s2 =	smov.u32 s7;
	p2 =	slt.s32 s0, s8  }
0x2f: {  	s2 =	smov.u32 @p2 s0;
	p2 =	sne.s32 s21, s17  }
.Ltmp2:
0x30: {  	_ = 	snop;
	(pc) =	sbr.rel @!p2 .LBB2_22-.Ltmp2, $3  }
0x31: {  	_ =	sdelay $0x1  }
0x32: {  	s22 =	smov.u32 s20;
	s31 =	sadd.s32 $0x1, s21;
	s20 =	smov.u32 s19  }
0x33: {  	p1 =	por !p1, !p1;
	s21 =	smov.u32 s31;
	s19 =	smov.u32 s2  }
.LBB2_3:
0x34: {  	p2 =	sge.u32 s21, s13  }
0x35: {  	s0 =	smulhi.u32 @!p2 $0xAAAAAAAB, s21  }
0x36: {  	s2 =	smov.u32 s19;
	p3 =	sgt.s32 @!p2 s19, $0xC260  }
0x37: {  	s3 =	sshra.s32 @!p2 s19, $0x1F;
	p3 =	por !p3, p2;
	s0 =	sshrl.u32 @!p2 s0, $0x1  }
0x38: {  	s3 =	sand.u32 @!p2 s3, s19;
	s2 =	simm.s32 @p3 $0xC260;
	s0 =	smul.u32 @!p2 $0x3, s0  }
0x39: {  	s2 =	ssub.s32 @!p2 s2, s3  }
0x3a: {  	s2 =	sadd.s32 @!p2 $0xFFFF3DA0, s2;
	s0 =	ssub.s32 @!p2 s21, s0  }
0x3b: {  	s3 =	sshll.u32 @!p2 s2, $0x2;
	p3 =	sgt.s32 @!p2 s2, $0xEF;
	s0 =	smul.u32 @!p2 $0x3C0, s0  }
0x3c: {  	s4 =	sand.u32 @!p2 $0x7, s19;
	s2 =	ssub.s32 @!p2 $0x3C0, s3;
	p3 =	por !p3, p2  }
0x3d: {  	s3 =	sshrl.u32 @!p2 s19, $0x3;
	s2 =	sshrl.u32 @!p2 s2, $0x2;
	s0 =	sshrl.u32 @!p2 s0, $0x2  }
0x3e: {  	s3 =	sadd.s32 @!p2 s3, s14;
	s2 =	simm.s32 @!p3 $0x0;
	s0 =	sadd.s32 @!p2 $0x10248, s0  }
0x3f: {  	[tilespmem:s0], [sflag:$0xA] =	stream.linear.gather @!p2 [hbm4b:s3+s4], s2, $0x38;
	[tilespmem:$0x1F6F8] =	vst v63  }
0x40: {  	s0 =	sadd.s32 $0xFFFFFFFF, s21  }
0x41: {  	p2 =	sge.u32 s0, s13  }
0x42: {  	p3 =	sgt.s32 @!p2 s20, $0xC260  }
0x43: {  	s2 =	smov.u32 s20;
	s3 =	sshra.s32 @!p2 s20, $0x1F;
	p3 =	por !p3, p2  }
0x44: {  	s3 =	sand.u32 @!p2 s3, s20;
	s2 =	simm.s32 @p3 $0xC260  }
0x45: {  	s2 =	ssub.s32 @!p2 s2, s3  }
0x46: {  	s2 =	sadd.s32 @!p2 $0xFFFF3DA0, s2  }
0x47: {  	s4 =	sand.u32 @!p2 $0x1, s0;
	s3 =	sshll.u32 @!p2 s2, $0x2  }
0x48: {  	p3 =	sgt.s32 @!p2 s2, $0xEF;
	s2 =	ssub.s32 @!p2 $0x3C0, s3;
	s3 =	smulhi.u32 @!p2 $0xAAAAAAAB, s0  }
0x49: {  	s23 =	smul.u32 @!p2 $0x3C0, s4;
	p3 =	por !p3, p2;
	s2 =	sshrl.u32 @!p2 s2, $0x2  }
0x4a: {  	s5 =	simm.s32 @!p2 $0xA;
	s2 =	simm.s32 @!p3 $0x0;
	s3 =	sshrl.u32 @!p2 s3, $0x1  }
0x4b: {  	s23 =	sshrl.u32 @!p2 s23, $0x2;
	_ =	swait.ge @!p2 [sflag:s5], s2;
	s3 =	smul.u32 @!p2 $0x3, s3  }
0x4c: {  	s23 =	sadd.s32 @!p2 $0x10518, s23;
	s24 =	ssub.s32 @!p2 $0x0, s2;
	[sflag:s5] =	ssyncset.done @!p2 $0x0  }
0x4d: {  	[sflag:s5] =	ssyncadd.s32 @!p2 s24;
	s5 =	sshrl.u32 @!p2 s20, $0x3;
	s0 =	ssub.s32 @!p2 s0, s3  }
0x4e: {  	s24 =	sand.u32 @!p2 $0x7, s20;
	s5 =	sadd.s32 @!p2 s5, s15;
	s0 =	smul.u32 @!p2 $0x3C0, s0  }
0x4f: {  	[tilespmem:s23], [sflag:$0xB] =	stream.linear.gather @!p2 [hbm4b:s5+s24], s2, $0x38;
	[tilespmem:$0x1F6F8] =	vst v63  }
0x50: {  	s3 =	ssub.s32 @!p2 $0xC350, s20;
	s2 =	smul.u32 @!p2 $0x1E000, s4  }
0x51: {  	p3 =	slt.s32 @!p2 s3, $0xF0  }
0x52: {  	p3 =	por !p3, p2;
	s0 =	sshrl.u32 @!p2 s0, $0x2;
	s2 =	sshrl.u32 @!p2 s2, $0x2  }
0x53: {  	s3 =	simm.s32 @p3 $0xF0;
	s0 =	sadd.s32 @!p2 $0x10248, s0;
	s2 =	sor.u32 @!p2 $0x106F8, s2  }
0x54: {  	[tilespmem:s2], [sflag:$0x9] =	stream.indirect.gather @!p2 [hbm4b:s6+s3], $0x80, s0, s3, $0xb8;
	[tilespmem:$0x1F6F8] =	vst v63  }
0x55: {  	p2 =	slt.u32 s21, $0x2  }
.Ltmp3:
0x56: {  	_ = 	snop;
	(pc) =	sbr.rel @p2 .LBB2_21-.Ltmp3, $1  }
0x57: {  	_ =	sdelay $0x3  }
0x58: {  	p2 =	sgt.s32 s22, $0xC260  }
0x59: {  	s0 =	smov.u32 s22;
	s2 =	sshra.s32 s22, $0x1F;
	s3 =	ssub.s32 $0xC350, s22  }
0x5a: {  	s0 =	simm.s32 @!p2 $0xC260;
	s2 =	sand.u32 s2, s22;
	p2 =	slt.s32 s3, $0xF0  }
0x5b: {  	s0 =	ssub.s32 s0, s2;
	s3 =	simm.s32 @!p2 $0xF0  }
0x5c: {  	s0 =	sadd.s32 $0xFFFF3DA0, s0;
	s25 =	sshll.u32 s3, $0x7  }
0x5d: {  	s26 =	sshll.u32 s0, $0x2;
	s2 =	sand.u32 $0x3FFFFF80, s25  }
0x5e: {  	p2 =	sgt.s32 s0, $0xEF;
	s29 =	ssub.s32 $0x3C0, s26;
	_ =	swait.ge [sflag:s10], s2  }
0x5f: {  	s2 =	ssub.s32 $0x0, s2;
	[sflag:s10] =	ssyncset.done $0x0;
	s0 =	sshrl.u32 s29, $0x2  }
0x60: {  	[sflag:s10] =	ssyncadd.s32 s2;
	s0 =	simm.s32 @p2 $0x0  }
0x61: {  	_ =	swait.ge [sflag:s11], s0  }
0x62: {  	s0 =	ssub.s32 $0x0, s0;
	[sflag:s11] =	ssyncset.done $0x0  }
0x63: {  	[sflag:s11] =	ssyncadd.s32 s0  }
0x64: {  	v1 =	vld [tilespmem:$0xF208];
	_ =	sdelay $0x4  }
0x65: {  	(v2sf) =	vpush v1, $0x0  }
0x66: {  	(v2sf) =	vpush v1, $0x1  }
0x67: {  	(v2sf) =	vpush v1, $0x2;
	_ =	sdelay $0x3  }
0x68: {  	s0 =	sadd.s32 $0xF0, s22  }
0x69: {  	s2 =	ssub.s32 $0x186A0, s22;
	p2 =	slt.s32 s8, s0  }
0x6a: {  	s0 =	smov.u32 @p2 s8;
	p2 =	sgt.s32 s2, $0x0  }
0x6b: {  	s26 =	ssub.s32 s0, s22;
	s2 =	simm.s32 @!p2 $0x0  }
0x6c: {  	p2 =	slt.s32 s2, s26  }
0x6d: {  	s26 =	smov.u32 @p2 s2  }
0x6e: {  	s25 =	simm.s32 $0x1;
	p2 =	slt.s32 s26, $0x1  }
.Ltmp4:
0x6f: {  	s25 =	simm.s32 @!p1 $0x0;
	(pc) =	sbr.rel @p2 .LBB2_8-.Ltmp4, $4  }
0x70: {  	s31 =	smul.u32 $0x3C0, s25  }
0x71: {  	s28 =	spop (v2sf)  }
0x72: {  	s0 =	sshrl.u32 s31, $0x2;
	s30 =	spop (v2sf)  }
0x73: {  	s23 =	sadd.s32 $0x10518, s0;
	s22 =	spop (v2sf)  }
0x74: {  	s0 =	smin.u32 s26, $0x10  }
0x75: {  	v1 =	vmov s0  }
0x76: {  	p3 =	sgt.s32 s26, $0x10;
	vm1 =	vgt.u32 v1, v0  }
.Ltmp5:
0x77: {  	_ = 	snop;
	(pc) =	sbr.rel @!p3 .LBB2_7-.Ltmp5, $2  }
0x78: {  	_ =	sdelay $0x2  }
0x79: {  	s4 =	simm.s32 $0x10;
	s24 =	sadd.s32 $0xFFFFFFF0, s26;
	s0 =	smov.u32 s23;
	vm0 =	vmmov vm1  }
.LBB2_6:
0x7a: {  	s2 =	smin.u32 s24, $0x10;
	s4 =	sadd.s32 $0x10, s4;
	v1 =	vld.msk [tilespmem:s0+$0x0 ss:$0x1], vm1  }
0x7b: {  	v2 =	vmov s2;
	p3 =	slt.s32 s4, s26  }
0x7c: {  	vm1 =	vgt.u32 v2, v0  }
.Ltmp6:
0x7d: {  	(pc) =	sbr.rel @p3 .LBB2_6-.Ltmp6, $3  }
0x7e: {  	_ =	sdelay $0x1  }
0x7f: {  	v1 =	vshll.u32 v1, $0x4  }
0x80: {  	s24 =	sadd.s32 $0xFFFFFFF0, s24;
	[tilespmem:s0+$0x0] =	vst.msk vm0, v1;
	s0 =	sadd.s32 $0x10, s0;
	vm0 =	vmmov vm1  }
.LBB2_7:
0x81: {  	_ =	sdelay $0x4  }
0x82: {  	v1 =	vld.msk [tilespmem:s0+$0x0 ss:$0x1], vm1;
	_ =	sdelay $0x4  }
0x83: {  	v1 =	vshll.u32 v1, $0x4  }
0x84: {  	[tilespmem:s0+$0x0] =	vst.msk vm0, v1  }
.LBB2_8:
0x85: {  	s0 =	sand.u32 $0x1, s21  }
0x86: {  	s2 =	smul.u32 $0x7800, s0  }
0x87: {  	p3 =	sne.s32 s30, $0xFFFFFFFF  }
0x88: {  	v1 =	vld @!p3 [tilespmem:s2+$0x106F8];
	_ =	sdelay $0x2  }
0x89: {  	s0 =	smul.u32 $0xF0, s0;
	_ =	sdelay $0x1  }
0x8a: {  	v2 =	vld.msk @!p3 [tilespmem:s0+$0x10518], $0x1;
	[tilespmem:$0x108] =	vst @!p3 v1  }
0x8b: {  	v1 =	vld @!p3 [tilespmem:s2+$0x10708];
	_ =	sdelay $0x4  }
0x8c: {  	[tilespmem:$0x118] =	vst @!p3 v1  }
0x8d: {  	v1 =	vld @!p3 [tilespmem:s2+$0x10718];
	_ =	sdelay $0x4  }
0x8e: {  	[tilespmem:$0x128] =	vst @!p3 v1  }
0x8f: {  	v1 =	vld @!p3 [tilespmem:s2+$0x10728];
	_ =	sdelay $0x4  }
0x90: {  	[tilespmem:$0x138] =	vst @!p3 v1  }
0x91: {  	v1 =	vld @!p3 [tilespmem:s2+$0x10738];
	_ =	sdelay $0x4  }
0x92: {  	[tilespmem:$0x148] =	vst @!p3 v1  }
0x93: {  	(v2sf) =	vpush @!p3 v2, $0x0;
	v1 =	vld @!p3 [tilespmem:s2+$0x10748];
	_ =	sdelay $0x4  }
0x94: {  	[tilespmem:$0x158] =	vst @!p3 v1  }
0x95: {  	v1 =	vld @!p3 [tilespmem:s2+$0x10758];
	_ =	sdelay $0x4  }
0x96: {  	[tilespmem:$0x168] =	vst @!p3 v1  }
0x97: {  	v1 =	vld @!p3 [tilespmem:s2+$0x10768]  }
.Ltmp7:
0x98: {  	_ = 	snop;
	(pc) =	sbr.rel @p2 .LBB2_19-.Ltmp7, $4  }
0x99: {  	_ = 	snop  }
0x9a: {  	s29 =	spop @!p3 (v2sf)  }
0x9b: {  	s22 =	simm.s32 @!p3 $0x0;
	s24 =	smov.u32 s29  }
0x9c: {  	s29 =	smov.u32 @p3 s28;
	s24 =	smov.u32 @p3 s30;
	[tilespmem:$0x178] =	vst @!p3 v1;
	[sflag:s18] =	ssyncpa.u1 $0x0  }
0x9d: {  	v1 =	vld.msk [tilespmem:s23+$0x0], $0x1;
	_ =	sdelay $0x4  }
0x9e: {  	(v2sf) =	vpush v1, $0x0;
	_ =	sdelay $0xe  }
0x9f: {  	s2 =	smul.u32 $0x1E000, s25;
	s0 =	spop (v2sf)  }
0xa0: {  	s26 =	ssub.s32 $0x0, s26;
	p2 =	seq.s32 s29, s0  }
0xa1: {  	s30 =	sadd.s32 $0x1, s26;
	s2 =	sshrl.u32 s2, $0x2;
	p3 =	sgt.s32 @!p2 s29, $0x0  }
0xa2: {  	s25 =	sor.u32 $0x10738, s2;
	s2 =	smov.u32 s29;
	p3 =	por !p3, p2  }
0xa3: {  	s2 =	simm.s32 @p3 $0x0;
	p3 =	seq.s32 s30, $0x0  }
.Ltmp8:
0xa4: {  	_ = 	snop;
	(pc) =	sbr.rel @p3 .LBB2_11-.Ltmp8, $4  }
0xa5: {  	_ = 	snop  }
0xa6: {  	s28 =	simm.s32 $0x0;
	s31 =	sadd.s32 $0x1, s23;
	s2 =	smin.u32 @!p2 s2, $0x270F0  }
0xa7: {  	s4 =	simm.s32 @!p2 $0x1;
	s5 =	simm.s32 @!p2 $0x7988;
	s3 =	sand.u32 @!p2 $0x3FFF8, s2  }
0xa8: {  	s4 =	smov.u32 @p2 s28;
	s2 =	sand.u32 @!p2 $0x7, s2;
	s3 =	sadd.s32 @!p2 s1, s3  }
.LBB2_10:
0xa9: {  	s9 =	smov.u32 s4  }
0xaa: {  	[tilespmem:s5], [sflag:$0x2] =	stream.linear.gather @!p2 [hbm4b:s3+s2], $0x80, $0x38;
	[tilespmem:$0x1F6F8] =	vst v63  }
0xab: {  	s30 =	sadd.s32 $0x1, s30;
	s2 =	smov.u32 s0;
	v1 =	vld.msk [tilespmem:s31+$0x0], $0x1  }
0xac: {  	p3 =	seq.s32 s30, $0x0;
	_ =	sdelay $0x3  }
0xad: {  	(v2sf) =	vpush v1, $0x0;
	_ =	sdelay $0xe  }
0xae: {  	s0 =	spop (v2sf)  }
0xaf: {  	p2 =	seq.s32 s2, s0  }
0xb0: {  	p4 =	sgt.s32 @!p2 s2, $0x0;
	s3 =	sshll.u32 @!p2 s4, $0x9;
	s4 =	sadd.s32 @!p2 $0x1, s4  }
.Ltmp9:
0xb1: {  	p4 =	por !p4, p2;
	s3 =	sshra.s32 @!p2 s3, $0x2;
	(pc) =	sbr.rel @!p3 .LBB2_10-.Ltmp9, $4  }
0xb2: {  	s4 =	smov.u32 @p2 s9;
	s2 =	simm.s32 @p4 $0x0;
	s5 =	sadd.s32 @!p2 $0x7988, s3  }
0xb3: {  	s2 =	smin.u32 @!p2 s2, $0x270F0  }
0xb4: {  	s3 =	sand.u32 @!p2 $0x3FFF8, s2;
	s2 =	sand.u32 @!p2 $0x7, s2  }
0xb5: {  	s31 =	sadd.s32 $0x1, s31;
	s3 =	sadd.s32 @!p2 s1, s3  }
.LBB2_11:
0xb6: {  	[tilespmem:s5], [sflag:$0x2] =	stream.linear.gather @!p2 [hbm4b:s3+s2], $0x80, $0x38;
	[tilespmem:$0x1F6F8] =	vst v63  }
.Ltmp10:
0xb7: {  	s0 =	sshll.u32 s4, $0x7;
	(pc) =	sbr.rel .LBB2_12-.Ltmp10, $4  }
0xb8: {  	s30 =	simm.s32 $0x2;
	s0 =	sand.u32 $0x3FFFFF80, s0  }
0xb9: {  	_ =	swait.ge [sflag:s30], s0  }
0xba: {  	s0 =	ssub.s32 $0x0, s0;
	[sflag:s30] =	ssyncset.done $0x0  }
0xbb: {  	s31 =	simm.s32 $0x0;
	[sflag:s30] =	ssyncadd.s32 s0  }
.LBB2_13:
0xbc: {  	s0 =	sshra.s32 s0, $0x2;
	v1 =	vld [tilespmem:s25+$0xFFFFFFC0]  }
0xbd: {  	v2 =	vld [tilespmem:s0+$0x108];
	_ =	sdelay $0x4  }
0xbe: {  	v1 =	vmax.f32 v1, v2  }
0xbf: {  	v2 =	vld [tilespmem:s0+$0x118];
	[tilespmem:s0+$0x108] =	vst v1  }
0xc0: {  	v1 =	vld [tilespmem:s25+$0xFFFFFFD0];
	_ =	sdelay $0x4  }
0xc1: {  	v1 =	vmax.f32 v1, v2  }
0xc2: {  	v2 =	vld [tilespmem:s0+$0x128];
	[tilespmem:s0+$0x118] =	vst v1  }
0xc3: {  	v1 =	vld [tilespmem:s25+$0xFFFFFFE0];
	_ =	sdelay $0x4  }
0xc4: {  	v1 =	vmax.f32 v1, v2  }
0xc5: {  	v2 =	vld [tilespmem:s0+$0x138];
	[tilespmem:s0+$0x128] =	vst v1  }
0xc6: {  	v1 =	vld [tilespmem:s25+$0xFFFFFFF0];
	_ =	sdelay $0x4  }
0xc7: {  	v1 =	vmax.f32 v1, v2  }
0xc8: {  	v2 =	vld [tilespmem:s0+$0x148];
	[tilespmem:s0+$0x138] =	vst v1  }
0xc9: {  	v1 =	vld [tilespmem:s25+$0x0];
	_ =	sdelay $0x4  }
0xca: {  	v1 =	vmax.f32 v1, v2  }
0xcb: {  	v2 =	vld [tilespmem:s0+$0x158];
	[tilespmem:s0+$0x148] =	vst v1  }
0xcc: {  	v1 =	vld [tilespmem:s25+$0x10];
	_ =	sdelay $0x4  }
0xcd: {  	v1 =	vmax.f32 v1, v2  }
0xce: {  	v2 =	vld [tilespmem:s0+$0x168];
	[tilespmem:s0+$0x158] =	vst v1  }
0xcf: {  	v1 =	vld [tilespmem:s25+$0x20];
	_ =	sdelay $0x4  }
0xd0: {  	v1 =	vmax.f32 v1, v2  }
0xd1: {  	v2 =	vld [tilespmem:s0+$0x178];
	[tilespmem:s0+$0x168] =	vst v1  }
0xd2: {  	v1 =	vld [tilespmem:s25+$0x30];
	_ =	sdelay $0x4  }
0xd3: {  	v1 =	vmax.f32 v1, v2  }
0xd4: {  	[tilespmem:s0+$0x178] =	vst v1  }
.LBB2_17:
0xd5: {  	s26 =	sadd.s32 $0x1, s26  }
0xd6: {  	p2 =	seq.s32 s26, $0x0  }
.Ltmp11:
0xd7: {  	_ = 	snop;
	(pc) =	sbr.rel @p2 .LBB2_18-.Ltmp11, $2  }
0xd8: {  	_ =	sdelay $0x2  }
0xd9: {  	s23 =	sadd.s32 $0x1, s23;
	s25 =	sadd.s32 $0x80, s25;
	s29 =	smov.u32 s30  }
.LBB2_12:
0xda: {  	v1 =	vld.msk [tilespmem:s23+$0x0], $0x1;
	_ =	sdelay $0x4  }
0xdb: {  	(v2sf) =	vpush v1, $0x0;
	_ =	sdelay $0xe  }
0xdc: {  	s30 =	spop (v2sf)  }
0xdd: {  	p2 =	sne.s32 s29, s30  }
.Ltmp12:
0xde: {  	_ = 	snop;
	(pc) =	sbr.rel @!p2 .LBB2_13-.Ltmp12, $2  }
0xdf: {  	_ =	sdelay $0x2  }
0xe0: {  	s0 =	sshll.u32 s22, $0x9  }
0xe1: {  	p2 =	seq.s32 s29, s24  }
.Ltmp13:
0xe2: {  	_ = 	snop;
	(pc) =	sbr.rel @!p2 .LBB2_15-.Ltmp13, $1  }
0xe3: {  	_ =	sdelay $0x3  }
0xe4: {  	s0 =	sshra.s32 s0, $0x2  }
.Ltmp14:
0xe5: {  	s0 =	sadd.s32 $0x108, s0;
	(pc) =	sbr.rel .LBB2_16-.Ltmp14, $4  }
0xe6: {  	[spmem:s16] =	stream.linear.scatter [tilespmem:s0], [sflag:$0x1], $0x80, $0x38;
	[tilespmem:$0x1F6F8] =	vst v63  }
0xe7: {  	_ =	swait.ge [sflag:s12], $0x80  }
0xe8: {  	[sflag:s12] =	ssyncset.done $0x0  }
0xe9: {  	[sflag:s12] =	ssyncadd.s32 $0xFFFFFF80  }
.LBB2_15:
0xea: {  	s2 =	sshll.u32 s28, $0x9;
	s0 =	sshra.s32 s0, $0x2  }
0xeb: {  	s2 =	sshra.s32 s2, $0x2;
	v2 =	vld [tilespmem:s0+$0x108]  }
0xec: {  	v1 =	vld [tilespmem:s2+$0x7988];
	_ =	sdelay $0x4  }
0xed: {  	v1 =	vmax.f32 v1, v2  }
0xee: {  	v2 =	vld [tilespmem:s0+$0x118];
	[tilespmem:s0+$0x108] =	vst v1  }
0xef: {  	v1 =	vld [tilespmem:s2+$0x7998];
	_ =	sdelay $0x4  }
0xf0: {  	v1 =	vmax.f32 v1, v2  }
0xf1: {  	v2 =	vld [tilespmem:s0+$0x128];
	[tilespmem:s0+$0x118] =	vst v1  }
0xf2: {  	v1 =	vld [tilespmem:s2+$0x79A8];
	_ =	sdelay $0x4  }
0xf3: {  	v1 =	vmax.f32 v1, v2  }
0xf4: {  	v2 =	vld [tilespmem:s0+$0x138];
	[tilespmem:s0+$0x128] =	vst v1  }
0xf5: {  	v1 =	vld [tilespmem:s2+$0x79B8];
	_ =	sdelay $0x4  }
0xf6: {  	v1 =	vmax.f32 v1, v2  }
0xf7: {  	v2 =	vld [tilespmem:s0+$0x148];
	[tilespmem:s0+$0x138] =	vst v1  }
0xf8: {  	v1 =	vld [tilespmem:s2+$0x79C8];
	_ =	sdelay $0x4  }
0xf9: {  	v1 =	vmax.f32 v1, v2  }
0xfa: {  	v2 =	vld [tilespmem:s0+$0x158];
	[tilespmem:s0+$0x148] =	vst v1  }
0xfb: {  	v1 =	vld [tilespmem:s2+$0x79D8];
	_ =	sdelay $0x4  }
0xfc: {  	v1 =	vmax.f32 v1, v2  }
0xfd: {  	v2 =	vld [tilespmem:s0+$0x168];
	[tilespmem:s0+$0x158] =	vst v1  }
0xfe: {  	v1 =	vld [tilespmem:s2+$0x79E8];
	_ =	sdelay $0x4  }
0xff: {  	v1 =	vmax.f32 v1, v2  }
0x100: {  	v2 =	vld [tilespmem:s0+$0x178];
	[tilespmem:s0+$0x168] =	vst v1  }
0x101: {  	v1 =	vld [tilespmem:s2+$0x79F8];
	_ =	sdelay $0x3  }
0x102: {  	p2 =	sgt.u32 s29, $0x270F0  }
0x103: {  	s2 =	sand.u32 @!p2 $0x3FFF8, s29;
	v1 =	vmax.f32 v1, v2  }
0x104: {  	s3 =	sadd.s32 $0x108, s0;
	[tilespmem:s0+$0x178] =	vst v1;
	s0 =	sadd.s32 @!p2 s1, s2;
	s2 =	sand.u32 @!p2 $0x7, s29  }
0x105: {  	[hbm4b:s0+s2] =	stream.linear.scatter @!p2 [tilespmem:s3], [sflag:$0xC], $0x80, $0x38;
	[tilespmem:$0x1F6F8] =	vst v63  }
0x106: {  	s0 =	simm.s32 $0x0  }
0x107: {  	s0 =	simm.s32 @!p2 $0x200  }
0x108: {  	s31 =	sadd.s32 s0, s31  }
.LBB2_16:
0x109: {  	s0 =	sadd.s32 $0x1, s22  }
0x10a: {  	s2 =	smulhi.u32 $0x88888889, s0;
	_ =	sdelay $0x1  }
0x10b: {  	v1 =	vld [tilespmem:s25+$0xFFFFFFC0];
	s2 =	sshrl.u32 s2, $0x7  }
0x10c: {  	s2 =	smul.u32 $0xF0, s2;
	_ =	sdelay $0x1  }
0x10d: {  	s22 =	ssub.s32 s0, s2  }
0x10e: {  	s0 =	sshll.u32 s22, $0x7  }
0x10f: {  	[tilespmem:s0+$0x108] =	vst v1  }
0x110: {  	v1 =	vld [tilespmem:s25+$0xFFFFFFD0];
	_ =	sdelay $0x4  }
0x111: {  	[tilespmem:s0+$0x118] =	vst v1  }
0x112: {  	v1 =	vld [tilespmem:s25+$0xFFFFFFE0];
	_ =	sdelay $0x4  }
0x113: {  	[tilespmem:s0+$0x128] =	vst v1  }
0x114: {  	v1 =	vld [tilespmem:s25+$0xFFFFFFF0];
	_ =	sdelay $0x4  }
0x115: {  	[tilespmem:s0+$0x138] =	vst v1  }
0x116: {  	v1 =	vld [tilespmem:s25+$0x0];
	_ =	sdelay $0x4  }
0x117: {  	[tilespmem:s0+$0x148] =	vst v1  }
0x118: {  	v1 =	vld [tilespmem:s25+$0x10];
	_ =	sdelay $0x4  }
0x119: {  	[tilespmem:s0+$0x158] =	vst v1  }
0x11a: {  	v1 =	vld [tilespmem:s25+$0x20];
	_ =	sdelay $0x4  }
0x11b: {  	[tilespmem:s0+$0x168] =	vst v1  }
0x11c: {  	v1 =	vld [tilespmem:s25+$0x30]  }
.Ltmp15:
0x11d: {  	_ = 	snop;
	(pc) =	sbr.rel .LBB2_17-.Ltmp15, $2  }
0x11e: {  	_ =	sdelay $0x2  }
0x11f: {  	s28 =	sadd.s32 $0x1, s28;
	[tilespmem:s0+$0x178] =	vst v1  }
.LBB2_19:
.Ltmp16:
0x120: {  	(pc) =	sbr.rel .LBB2_20-.Ltmp16, $4  }
0x121: {  	_ = 	snop  }
0x122: {  	s0 =	simm.s32 $0x2  }
0x123: {  	_ =	swait.ge [sflag:s0], $0x0  }
0x124: {  	s30 =	smov.u32 s29;
	[sflag:s0] =	ssyncset.done $0x0;
	s0 =	simm.s32 $0x0  }
.LBB2_22:
0x125: {  	_ =	sfence.sel $0x180000  }
0x126: {  	s0 =	simm.s32 $0x9;
	[bflag:$0x0] =	sbarrier.arrive $0xFFFF  }
0x127: {  	s24 =	simm.s32 $0xA;
	[sflag:s0] =	ssyncpa.u1 $0x1  }
0x128: {  	s25 =	simm.s32 $0xB;
	[sflag:s24] =	ssyncpa.u1 $0x1  }
0x129: {  	s26 =	simm.s32 $0x2;
	[sflag:s25] =	ssyncpa.u1 $0x1  }
0x12a: {  	[sflag:s26] =	ssyncpa.u1 $0x1  }
0x12b: {  	v0 =	vld [tilespmem:$0xF208];
	_ =	sdelay $0x4  }
0x12c: {  	(v2sf) =	vpush v0, $0x0  }
0x12d: {  	(v2sf) =	vpush v0, $0x1;
	_ =	sdelay $0x1  }
0x12e: {  	(v2sf) =	vpush v0, $0x2;
	_ =	sdelay $0xb  }
0x12f: {  	s0 =	spop (v2sf)  }
0x130: {  	s2 =	spop (v2sf)  }
0x131: {  	s3 =	smov.u32 s0;
	p1 =	sne.s32 s0, s2  }
0x132: {  	s4 =	spop (v2sf);
	s3 =	simm.s32 @!p1 $0xFFFFFFFF  }
0x133: {  	v2 =	vimm.s32 $0x1;
	v3 =	vlaneseq.u32;
	p1 =	seq.s32 s4, $0xFFFFFFFF;
	v1 =	vmov s3  }
0x134: {  	s16 =	stileid.u32;
	v0 =	vperm.xlane v0, v2;
	p2 =	sne.s32 @!p1 s0, s2;
	v1 =	vperm.xlane v1, v3  }
0x135: {  	vm0 =	vcmask $0x3F04;
	s6 =	simm.s32 $0xF208;
	s0 =	simm.s32 @!p1 $0x1;
	p2 =	por !p2, p1  }
0x136: {  	s3 =	sshll.u32 s16, $0x1;
	s2 =	sshll.u32 @!p1 s4, $0x9;
	s0 =	simm.s32 @p2 $0x0;
	v0 =	vsel vm0, v1, v0  }
0x137: {  	s5 =	sor.u32 $0x1000, s3;
	s2 =	sshra.s32 @!p1 s2, $0x2;
	s0 =	sor.u32 @!p1 s0, s3;
	[tilespmem:$0xF208] =	vst v0  }
0x138: {  	[spmem:s5] =	stream.linear.scatter [tilespmem:s6], [sflag:$0x1], $0x2, $0x38;
	[tilespmem:$0x1F6F8] =	vst v63  }
0x139: {  	s2 =	sadd.s32 @!p1 $0x108, s2;
	s0 =	sshll.u32 @!p1 s0, $0x7  }
0x13a: {  	[spmem:s0] =	stream.linear.scatter @!p1 [tilespmem:s2], [sflag:$0x1], $0x80, $0x38;
	[tilespmem:$0x1F6F8] =	vst v63  }
0x13b: {  	s0 =	simm.s32 @!p1 $0x82  }
0x13c: {  	s28 =	simm.s32 $0x1;
	s0 =	simm.s32 @p1 $0x2  }
0x13d: {  	_ =	swait.ge [sflag:s28], s0  }
0x13e: {  	s0 =	ssub.s32 $0x0, s0;
	[sflag:s28] =	ssyncset.done $0x0  }
0x13f: {  	[sflag:s28] =	ssyncadd.s32 s0  }
.Ltmp17:
0x140: {  	_ =	sfence.stream.spmem;
	(pc) =	sbr.rel @p0 .LBB2_39-.Ltmp17, $4  }
0x141: {  	s29 =	simm.s32 $0x3;
	[bflag:$0x0] =	sbarrier.arrive $0xFFFF  }
0x142: {  	s30 =	simm.s32 $0x4;
	[sflag:s29] =	ssyncpa.u1 $0x1  }
0x143: {  	s31 =	simm.s32 $0x3C;
	[sflag:s30] =	ssyncpa.u1 $0x1  }
0x144: {  	s15 =	rddreg [dreg:$0x4];
	[sflag:s31] =	ssyncpa.u1 $0x1  }
0x145: {  	_ =	sfence.stream.spmem;
	s0 =	simm.s32 $0x5  }
0x146: {  	s2 =	simm.s32 $0x1000;
	s3 =	simm.s32 $0xF218;
	[sflag:s0] =	ssyncpa.u1 $0x0  }
0x147: {  	[tilespmem:s3], [sflag:$0x5] =	stream.linear.gather [spmem:s2], $0x20, $0x38;
	[tilespmem:$0x1F6F8] =	vst v63  }
0x148: {  	s26 =	simm.s32 $0x0;
	s28 =	simm.s32 $0xF238  }
0x149: {  	[tilespmem:s28], [sflag:$0x5] =	stream.linear.gather [spmem:s26], $0x1000, $0x38;
	[tilespmem:$0x1F6F8] =	vst v63  }
0x14a: {  	_ =	swait.ge [sflag:s0], $0x1020  }
0x14b: {  	[sflag:s0] =	ssyncset.done $0x0  }
0x14c: {  	s29 =	simm.s32 $0x0;
	[sflag:s0] =	ssyncadd.s32 $0xFFFFEFE0  }
0x14d: {  	v0 =	vld.msk [tilespmem:s29+$0xF218], $0x1;
	_ =	sdelay $0x1  }
0x14e: {  	s30 =	simm.s32 $0x1  }
0x14f: {  	v1 =	vld.msk [tilespmem:s30+$0xF218], $0x1;
	_ =	sdelay $0x1  }
0x150: {  	(v2sf) =	vpush v0, $0x0;
	_ =	sdelay $0x2  }
0x151: {  	(v2sf) =	vpush v1, $0x0;
	_ =	sdelay $0x2  }
0x152: {  	s31 =	simm.s32 $0x2  }
0x153: {  	v0 =	vld.msk [tilespmem:s31+$0xF218], $0x1;
	_ =	sdelay $0x2  }
0x154: {  	s4 =	simm.s32 $0xFFFFFFFF;
	s5 =	simm.s32 $0xFFFFFFFF;
	s0 =	simm.s32 $0xC  }
.LBB2_24:
0x155: {  	s2 =	smov.u32 s5;
	s3 =	smov.u32 s4  }
0x156: {  	s4 =	sshra.s32 s0, $0x2;
	p1 =	sne.s32 s0, $0x7C;
	s0 =	sadd.s32 $0x4, s0;
	(v2sf) =	vpush v0, $0x0  }
0x157: {  	v0 =	vld.msk [tilespmem:s4+$0xF218], $0x1  }
.Ltmp18:
0x158: {  	(pc) =	sbr.rel @p1 .LBB2_24-.Ltmp18, $4  }
0x159: {  	s5 =	spop (v2sf)  }
0x15a: {  	p2 =	sne.s32 s3, $0xFFFFFFFF;
	s4 =	smov.u32 s5  }
0x15b: {  	p3 =	seq.s32 s5, $0xFFFFFFFF;
	s4 =	smov.u32 @p2 s3  }
0x15c: {  	s5 =	smov.u32 @p3 s2;
	s4 =	smov.u32 @p3 s3  }
0x15d: {  	(v2sf) =	vpush v0, $0x0;
	_ =	sdelay $0x8  }
0x15e: {  	s0 =	spop (v2sf)  }
0x15f: {  	p1 =	sne.s32 s4, $0xFFFFFFFF;
	s2 =	smov.u32 s0  }
0x160: {  	s9 =	simm.s32 $0x6;
	p2 =	seq.s32 s0, $0xFFFFFFFF;
	s2 =	smov.u32 @p1 s4  }
0x161: {  	s6 =	simm.s32 $0x0;
	s2 =	smov.u32 @p2 s4;
	s3 =	spop (v2sf)  }
0x162: {  	s0 =	smov.u32 @p2 s5;
	p1 =	sne.s32 s2, $0xFFFFFFFF;
	s4 =	smov.u32 s3  }
.Ltmp19:
0x163: {  	p2 =	seq.s32 s3, $0xFFFFFFFF;
	s4 =	smov.u32 @p1 s2;
	(pc) =	sbr.rel .LBB2_26-.Ltmp19, $4  }
0x164: {  	s10 =	simm.s32 $0xF188;
	s4 =	smov.u32 @p2 s2;
	s7 =	spop (v2sf)  }
0x165: {  	s11 =	simm.s32 $0x0;
	p1 =	sne.s32 s4, $0xFFFFFFFF;
	s8 =	smov.u32 s7  }
0x166: {  	s3 =	smov.u32 @p2 s0;
	p2 =	seq.s32 s7, $0xFFFFFFFF;
	s8 =	smov.u32 @p1 s4  }
0x167: {  	[sflag:s9] =	ssyncpa.u1 $0x0;
	s7 =	smov.u32 @p2 s3;
	s8 =	smov.u32 @p2 s4  }
.LBB2_32:
0x168: {  	p1 =	sgt.u32 s12, $0x270F0  }
0x169: {  	p2 =	seq.s32 @!p1 s12, s8  }
0x16a: {  	p1 =	por p1, p2  }
0x16b: {  	p2 =	sne.s32 @!p1 s12, s7  }
0x16c: {  	p1 =	por p1, !p2  }
0x16d: {  	s0 =	sshll.u32 @p1 s11, $0x9  }
0x16e: {  	s0 =	sand.u32 @!p1 $0x3FFF8, s12  }
0x16f: {  	s2 =	sand.u32 @!p1 $0x7, s12;
	s0 =	sadd.s32 @!p1 s1, s0  }
0x170: {  	[tilespmem:s10], [sflag:$0x6] =	stream.linear.gather @!p1 [hbm4b:s0+s2], $0x80, $0x38;
	[tilespmem:$0x1F6F8] =	vst v63  }
0x171: {  	_ =	swait.ge @!p1 [sflag:s9], $0x80  }
0x172: {  	[sflag:s9] =	ssyncset.done @!p1 $0x0  }
0x173: {  	s0 =	sshll.u32 @!p1 s11, $0x9;
	[sflag:s9] =	ssyncadd.s32 @!p1 $0xFFFFFF80  }
0x174: {  	s2 =	sshrl.u32 @!p1 s0, $0x2;
	v1 =	vld @!p1 [tilespmem:$0xF188]  }
0x175: {  	v2 =	vld @!p1 [tilespmem:s2+$0xF238];
	_ =	sdelay $0x4  }
0x176: {  	v1 =	vmax.f32 @!p1 v1, v2  }
0x177: {  	v2 =	vld @!p1 [tilespmem:s2+$0xF248];
	[tilespmem:s2+$0xF238] =	vst @!p1 v1  }
0x178: {  	v1 =	vld @!p1 [tilespmem:$0xF198];
	_ =	sdelay $0x4  }
0x179: {  	v1 =	vmax.f32 @!p1 v1, v2  }
0x17a: {  	v2 =	vld @!p1 [tilespmem:s2+$0xF258];
	[tilespmem:s2+$0xF248] =	vst @!p1 v1  }
0x17b: {  	v1 =	vld @!p1 [tilespmem:$0xF1A8];
	_ =	sdelay $0x4  }
0x17c: {  	v1 =	vmax.f32 @!p1 v1, v2  }
0x17d: {  	v2 =	vld @!p1 [tilespmem:s2+$0xF268];
	[tilespmem:s2+$0xF258] =	vst @!p1 v1  }
0x17e: {  	v1 =	vld @!p1 [tilespmem:$0xF1B8];
	_ =	sdelay $0x4  }
0x17f: {  	v1 =	vmax.f32 @!p1 v1, v2  }
0x180: {  	v2 =	vld @!p1 [tilespmem:s2+$0xF278];
	[tilespmem:s2+$0xF268] =	vst @!p1 v1  }
0x181: {  	v1 =	vld @!p1 [tilespmem:$0xF1C8];
	_ =	sdelay $0x4  }
0x182: {  	v1 =	vmax.f32 @!p1 v1, v2  }
0x183: {  	v2 =	vld @!p1 [tilespmem:s2+$0xF288];
	[tilespmem:s2+$0xF278] =	vst @!p1 v1  }
0x184: {  	v1 =	vld @!p1 [tilespmem:$0xF1D8];
	_ =	sdelay $0x4  }
0x185: {  	v1 =	vmax.f32 @!p1 v1, v2  }
0x186: {  	v2 =	vld @!p1 [tilespmem:s2+$0xF298];
	[tilespmem:s2+$0xF288] =	vst @!p1 v1  }
0x187: {  	v1 =	vld @!p1 [tilespmem:$0xF1E8];
	_ =	sdelay $0x4  }
0x188: {  	v1 =	vmax.f32 @!p1 v1, v2  }
0x189: {  	v2 =	vld @!p1 [tilespmem:s2+$0xF2A8];
	[tilespmem:s2+$0xF298] =	vst @!p1 v1  }
0x18a: {  	v1 =	vld @!p1 [tilespmem:$0xF1F8];
	_ =	sdelay $0x4  }
0x18b: {  	v1 =	vmax.f32 @!p1 v1, v2  }
0x18c: {  	[tilespmem:s2+$0xF2A8] =	vst @!p1 v1  }
0x18d: {  	s0 =	sshrl.u32 s0, $0x2;
	[tilespmem:s6+$0xF218] =	vst.msk $0x1, v0  }
0x18e: {  	v0 =	vld [tilespmem:s0+$0xF238];
	_ =	sdelay $0x2  }
0x18f: {  	s31 =	sshll.u32 s6, $0x9  }
0x190: {  	s2 =	sshra.s32 s31, $0x2  }
0x191: {  	[tilespmem:s2+$0xF238] =	vst v0  }
0x192: {  	v0 =	vld [tilespmem:s0+$0xF248];
	_ =	sdelay $0x4  }
0x193: {  	[tilespmem:s2+$0xF248] =	vst v0  }
0x194: {  	v0 =	vld [tilespmem:s0+$0xF258];
	_ =	sdelay $0x4  }
0x195: {  	[tilespmem:s2+$0xF258] =	vst v0  }
0x196: {  	v0 =	vld [tilespmem:s0+$0xF268];
	_ =	sdelay $0x4  }
0x197: {  	[tilespmem:s2+$0xF268] =	vst v0  }
0x198: {  	v0 =	vld [tilespmem:s0+$0xF278];
	_ =	sdelay $0x4  }
0x199: {  	[tilespmem:s2+$0xF278] =	vst v0  }
0x19a: {  	v0 =	vld [tilespmem:s0+$0xF288];
	_ =	sdelay $0x4  }
0x19b: {  	[tilespmem:s2+$0xF288] =	vst v0  }
0x19c: {  	v0 =	vld [tilespmem:s0+$0xF298];
	_ =	sdelay $0x4  }
0x19d: {  	[tilespmem:s2+$0xF298] =	vst v0  }
0x19e: {  	v0 =	vld [tilespmem:s0+$0xF2A8];
	_ =	sdelay $0x4  }
0x19f: {  	s6 =	sadd.s32 $0x1, s6;
	[tilespmem:s2+$0xF2A8] =	vst v0  }
.LBB2_33:
0x1a0: {  	s11 =	sadd.s32 $0x1, s11  }
0x1a1: {  	p1 =	sne.s32 s11, $0x20  }
.Ltmp20:
0x1a2: {  	_ = 	snop;
	(pc) =	sbr.rel @!p1 .LBB2_34-.Ltmp20, $1  }
0x1a3: {  	_ =	sdelay $0x3  }
.LBB2_26:
0x1a4: {  	v0 =	vld.msk [tilespmem:s11+$0xF218], $0x1;
	_ =	sdelay $0x4  }
0x1a5: {  	(v2sf) =	vpush v0, $0x0;
	_ =	sdelay $0xe  }
0x1a6: {  	s12 =	spop (v2sf)  }
0x1a7: {  	p1 =	seq.s32 s12, $0xFFFFFFFF  }
.Ltmp21:
0x1a8: {  	_ = 	snop;
	(pc) =	sbr.rel @p1 .LBB2_33-.Ltmp21, $1  }
0x1a9: {  	_ =	sdelay $0x3  }
0x1aa: {  	p1 =	slt.s32 s6, $0x1  }
.Ltmp22:
0x1ab: {  	_ = 	snop;
	(pc) =	sbr.rel @p1 .LBB2_32-.Ltmp22, $1  }
0x1ac: {  	_ =	sdelay $0x3  }
0x1ad: {  	s13 =	simm.s32 $0xF218;
	p1 =	por $0x0, $0x0  }
0x1ae: {  	v1 =	vld.msk @!p1 [tilespmem:s13+$0x0], $0x1;
	_ =	sdelay $0x4  }
0x1af: {  	(v2sf) =	vpush @!p1 v1, $0x0;
	_ =	sdelay $0xd  }
0x1b0: {  	p3 =	sne.s32 s6, $0x1  }
.Ltmp23:
0x1b1: {  	s0 =	spop @!p1 (v2sf);
	(pc) =	sbr.rel @!p3 .LBB2_30-.Ltmp23, $4  }
0x1b2: {  	p2 =	seq.s32 @!p1 s12, s0  }
0x1b3: {  	s14 =	simm.s32 $0x0;
	p2 =	por !p2, p1  }
0x1b4: {  	s2 =	simm.s32 $0xFFFFFFFF;
	s14 =	simm.s32 @p2 $0xFFFFFFFF  }
0x1b5: {  	s0 =	simm.s32 $0x1;
	s14 =	smov.u32 @p1 s2  }
.LBB2_29:
0x1b6: {  	s2 =	smov.u32 s14;
	p1 =	sne.s32 s14, $0xFFFFFFFF  }
0x1b7: {  	s13 =	sadd.s32 $0x1, s13;
	s14 =	smov.u32 s0;
	s0 =	sadd.s32 $0x1, s0  }
0x1b8: {  	p2 =	sne.s32 s6, s0;
	v1 =	vld.msk @!p1 [tilespmem:s13+$0x0], $0x1;
	_ =	sdelay $0x4  }
0x1b9: {  	(v2sf) =	vpush @!p1 v1, $0x0;
	_ =	sdelay $0xe  }
.Ltmp24:
0x1ba: {  	s3 =	spop @!p1 (v2sf);
	(pc) =	sbr.rel @p2 .LBB2_29-.Ltmp24, $4  }
0x1bb: {  	p3 =	seq.s32 @!p1 s12, s3  }
0x1bc: {  	p3 =	por !p3, p1  }
0x1bd: {  	s14 =	simm.s32 @p3 $0xFFFFFFFF  }
0x1be: {  	s14 =	smov.u32 @p1 s2  }
.LBB2_30:
0x1bf: {  	p1 =	seq.s32 s14, $0xFFFFFFFF  }
.Ltmp25:
0x1c0: {  	_ = 	snop;
	(pc) =	sbr.rel @p1 .LBB2_32-.Ltmp25, $1  }
0x1c1: {  	_ =	sdelay $0x3  }
0x1c2: {  	s0 =	sshll.u32 s11, $0x7  }
0x1c3: {  	s2 =	sshll.u32 s14, $0x9;
	s0 =	sand.u32 $0x3FFFFF80, s0  }
0x1c4: {  	s2 =	sshra.s32 s2, $0x2;
	v0 =	vld [tilespmem:s0+$0xF238]  }
0x1c5: {  	v1 =	vld [tilespmem:s2+$0xF238];
	_ =	sdelay $0x4  }
0x1c6: {  	v0 =	vmax.f32 v0, v1  }
0x1c7: {  	v57 =	vld [tilespmem:s2+$0xF248];
	[tilespmem:s2+$0xF238] =	vst v0  }
0x1c8: {  	v0 =	vld [tilespmem:s0+$0xF248];
	_ =	sdelay $0x4  }
0x1c9: {  	v0 =	vmax.f32 v0, v57  }
0x1ca: {  	v58 =	vld [tilespmem:s2+$0xF258];
	[tilespmem:s2+$0xF248] =	vst v0  }
0x1cb: {  	v0 =	vld [tilespmem:s0+$0xF258];
	_ =	sdelay $0x4  }
0x1cc: {  	v0 =	vmax.f32 v0, v58  }
0x1cd: {  	v59 =	vld [tilespmem:s2+$0xF268];
	[tilespmem:s2+$0xF258] =	vst v0  }
0x1ce: {  	v0 =	vld [tilespmem:s0+$0xF268];
	_ =	sdelay $0x4  }
0x1cf: {  	v0 =	vmax.f32 v0, v59  }
0x1d0: {  	v60 =	vld [tilespmem:s2+$0xF278];
	[tilespmem:s2+$0xF268] =	vst v0  }
0x1d1: {  	v0 =	vld [tilespmem:s0+$0xF278];
	_ =	sdelay $0x4  }
0x1d2: {  	v0 =	vmax.f32 v0, v60  }
0x1d3: {  	v61 =	vld [tilespmem:s2+$0xF288];
	[tilespmem:s2+$0xF278] =	vst v0  }
0x1d4: {  	v0 =	vld [tilespmem:s0+$0xF288];
	_ =	sdelay $0x4  }
0x1d5: {  	v0 =	vmax.f32 v0, v61  }
0x1d6: {  	v62 =	vld [tilespmem:s2+$0xF298];
	[tilespmem:s2+$0xF288] =	vst v0  }
0x1d7: {  	v0 =	vld [tilespmem:s0+$0xF298];
	_ =	sdelay $0x4  }
0x1d8: {  	v0 =	vmax.f32 v0, v62  }
0x1d9: {  	v63 =	vld [tilespmem:s2+$0xF2A8];
	[tilespmem:s2+$0xF298] =	vst v0  }
0x1da: {  	v0 =	vld [tilespmem:s0+$0xF2A8];
	_ =	sdelay $0x1  }
.Ltmp26:
0x1db: {  	_ = 	snop;
	(pc) =	sbr.rel .LBB2_33-.Ltmp26, $3  }
0x1dc: {  	_ =	sdelay $0x1  }
0x1dd: {  	v0 =	vmax.f32 v0, v63  }
0x1de: {  	[tilespmem:s2+$0xF2A8] =	vst v0  }
.LBB2_34:
0x1df: {  	s0 =	simm.s32 $0x6;
	p1 =	seq.s32 s6, $0x0  }
0x1e0: {  	[sflag:s0] =	ssyncpa.u1 $0x1;
	v0 =	vimm.s32 @p1 $0xFFFFFFFF  }
0x1e1: {  	s9 =	sadd.s32 $0xFFFFFFFF, s6;
	[tilespmem:$0x10238] =	vst @p1 v0  }
0x1e2: {  	v0 =	vld.msk @!p1 [tilespmem:s9+$0xF218], $0x1;
	_ =	sdelay $0x1  }
0x1e3: {  	v1 =	vld.msk @!p1 [tilespmem:$0xF218], $0x1;
	_ =	sdelay $0x2  }
0x1e4: {  	p2 =	seq.s32 @!p1 s9, $0x0;
	v0 =	vbroadcast @!p1 v0, $0x0  }
0x1e5: {  	vm0 =	vmmov @!p1 $0x1;
	p2 =	por !p2, p1  }
0x1e6: {  	v1 =	vnsel @!p1 vm0, $0xFFFFFFFF, v1;
	vm0 =	vcmask @!p1 $0x308;
	v0 =	vpsel !p2, $0xFFFFFFFF, v0  }
0x1e7: {  	p2 =	sne.s32 @!p1 s8, s7;
	v0 =	vsel @!p1 vm0, v1, v0  }
0x1e8: {  	s0 =	simm.s32 @!p1 $0xF238;
	s2 =	simm.s32 @!p1 $0x0;
	p3 =	por !p2, p1;
	[tilespmem:$0x10238] =	vst @!p1 v0  }
0x1e9: {  	[spmem:s2] =	stream.linear.scatter @!p1 [tilespmem:s0], [sflag:$0x1], $0x80, $0x38;
	[tilespmem:$0x1F6F8] =	vst v63  }
0x1ea: {  	s0 =	sshll.u32 @!p3 s9, $0x9  }
0x1eb: {  	s0 =	sshra.s32 @!p3 s0, $0x2  }
0x1ec: {  	s2 =	simm.s32 @!p3 $0x80;
	s0 =	sadd.s32 @!p3 $0xF238, s0  }
0x1ed: {  	[spmem:s2] =	stream.linear.scatter @!p3 [tilespmem:s0], [sflag:$0x1], $0x80, $0x38;
	[tilespmem:$0x1F6F8] =	vst v63  }
0x1ee: {  	s0 =	simm.s32 @!p3 $0x1  }
0x1ef: {  	_ =	swait.ge @!p3 [sflag:s0], $0x100  }
0x1f0: {  	p1 =	por p2, p1;
	[sflag:s0] =	ssyncset.done @!p3 $0x0  }
0x1f1: {  	[sflag:s0] =	ssyncadd.s32 @!p3 $0xFFFFFF00;
	s0 =	simm.s32 @!p1 $0x1  }
0x1f2: {  	_ =	swait.ge @!p1 [sflag:s0], $0x80  }
0x1f3: {  	s29 =	simm.s32 $0x10238;
	[sflag:s0] =	ssyncset.done @!p1 $0x0  }
0x1f4: {  	s30 =	simm.s32 $0x1000;
	s31 =	simm.s32 $0x1;
	[sflag:s0] =	ssyncadd.s32 @!p1 $0xFFFFFF80  }
0x1f5: {  	[spmem:s30] =	stream.linear.scatter [tilespmem:s29], [sflag:$0x1], $0x10, $0x38;
	[tilespmem:$0x1F6F8] =	vst v63  }
0x1f6: {  	_ =	swait.ge [sflag:s31], $0x10  }
0x1f7: {  	[sflag:s31] =	ssyncset.done $0x0  }
0x1f8: {  	p1 =	seq.s32 s15, $0x0;
	s8 =	rddreg [dreg:$0x1];
	[sflag:s31] =	ssyncadd.s32 $0xFFFFFFF0  }
0x1f9: {  	s2 =	sshll.u32 @p1 s8, $0xE;
	s7 =	rddreg [dreg:$0x2]  }
0x1fa: {  	s0 =	sadd.s32 @p1 $0x15C3C, s2;
	s2 =	sshll.u32 @p1 s7, $0x11  }
0x1fb: {  	_ =	sfence.stream.spmem;
	s0 =	sor.u32 @p1 s2, s0  }
0x1fc: {  	[sflag:s0] =	ssyncadd.remote.s32 @p1 $0x1;
	s0 =	simm.s32 @p1 $0x4  }
0x1fd: {  	s3 =	simm.s32 @!p1 $0x3C;
	s2 =	sand.u32 $0xFFFFFFFE, s8;
	_ =	swait.ge @p1 [sflag:s0], $0x22  }
0x1fe: {  	s4 =	simm.s32 @!p1 $0x0;
	s2 =	sadd.s32 @!p1 $0x4, s2;
	[sflag:s0] =	ssyncset.done @p1 $0x0  }
0x1ff: {  	s5 =	simm.s32 @!p1 $0x100;
	[sflag:s0] =	ssyncadd.s32 @p1 $0xFFFFFFDE;
	s0 =	sshll.u32 @!p1 s2, $0x1A  }
0x200: {  	s2 =	sshll.u32 @!p1 s2, $0xD;
	s0 =	sor.u32 @!p1 s0, s7;
	_ =	swait.eq @!p1 [sflag:s3], $0x1  }
0x201: {  	s2 =	sor.u32 @!p1 $0x1C04, s2;
	s3 =	simm.s32 @!p1 $0x1C03;
	s0 =	sor.u32 @!p1 $0x80004000, s0  }
0x202: {  	[spmem:s5], [sflag:s2] =	dma.general @!p1 [spmem:s4], [sflag:s3], length:$0x20, [dreg:$0x0], stride_count:$0x0, ici_dest:s0, dma_misc:DstOpCode:WRITE  }
0x203: {  	p2 =	slt.s32 s9, $0x2;
	s4 =	simm.s32 @!p1 $0x200;
	s5 =	simm.s32 @!p1 $0x202  }
0x204: {  	[spmem:s5], [sflag:s2] =	dma.general @!p1 [spmem:s4], [sflag:s3], length:$0x2, [dreg:$0x0], stride_count:$0x0, ici_dest:s0, dma_misc:DstOpCode:WRITE  }
.Ltmp27:
0x205: {  	s0 =	simm.s32 @!p1 $0x3;
	(pc) =	sbr.rel @p2 .LBB2_38-.Ltmp27, $4  }
0x206: {  	s2 =	sshll.u32 @!p1 s8, $0xE;
	_ =	swait.ge @!p1 [sflag:s0], $0x22  }
0x207: {  	s3 =	sshll.u32 @!p1 s7, $0x11;
	s2 =	sadd.s32 @!p1 $0x11C3C, s2;
	[sflag:s0] =	ssyncset.done @!p1 $0x0  }
0x208: {  	[sflag:s0] =	ssyncadd.s32 @!p1 $0xFFFFFFDE;
	s0 =	sor.u32 @!p1 s3, s2  }
0x209: {  	[sflag:s0] =	ssyncadd.remote.s32 @!p1 $0xFFFFFFFF;
	s0 =	simm.s32 $0x0  }
0x20a: {  	s0 =	simm.s32 $0xF219  }
0x20b: {  	v0 =	vld.msk [tilespmem:s0+$0x0], $0x1;
	_ =	sdelay $0x4  }
0x20c: {  	(v2sf) =	vpush v0, $0x0;
	_ =	sdelay $0xb  }
0x20d: {  	s31 =	sadd.s32 $0xFFFFFFFE, s6  }
0x20e: {  	s0 =	sadd.s32 $0xFFFFFFFF, s31  }
0x20f: {  	p2 =	sne.s32 s0, $0x0  }
.Ltmp28:
0x210: {  	s2 =	spop (v2sf);
	(pc) =	sbr.rel @!p2 .LBB2_37-.Ltmp28, $4  }
0x211: {  	s4 =	simm.s32 $0xF2B8;
	s7 =	simm.s32 $0x0;
	p1 =	sgt.u32 s2, $0x270F0  }
0x212: {  	s5 =	simm.s32 $0x0;
	s6 =	simm.s32 $0xF21A;
	s3 =	sand.u32 @!p1 $0x3FFF8, s2  }
0x213: {  	s2 =	sand.u32 @!p1 $0x7, s2;
	s7 =	simm.s32 @!p1 $0x200;
	s3 =	sadd.s32 @!p1 s1, s3  }
0x214: {  	[hbm4b:s3+s2] =	stream.linear.scatter @!p1 [tilespmem:s4], [sflag:$0x5], $0x80, $0x38;
	[tilespmem:$0x1F6F8] =	vst v63  }
.LBB2_36:
0x215: {  	v0 =	vld.msk [tilespmem:s6+$0x0], $0x1;
	s0 =	sadd.s32 $0xFFFFFFFF, s0;
	s5 =	sadd.s32 s5, s7  }
0x216: {  	p1 =	sne.s32 s0, $0x0;
	_ =	sdelay $0x3  }
0x217: {  	(v2sf) =	vpush v0, $0x0;
	_ =	sdelay $0xe  }
.Ltmp29:
0x218: {  	s2 =	spop (v2sf);
	(pc) =	sbr.rel @p1 .LBB2_36-.Ltmp29, $4  }
0x219: {  	s7 =	simm.s32 $0x0;
	p2 =	sgt.u32 s2, $0x270F0  }
0x21a: {  	s4 =	sadd.s32 $0x80, s4;
	s7 =	simm.s32 @!p2 $0x200;
	s3 =	sand.u32 @!p2 $0x3FFF8, s2  }
0x21b: {  	s6 =	sadd.s32 $0x1, s6;
	s2 =	sand.u32 @!p2 $0x7, s2;
	s3 =	sadd.s32 @!p2 s1, s3  }
0x21c: {  	[hbm4b:s3+s2] =	stream.linear.scatter @!p2 [tilespmem:s4], [sflag:$0x5], $0x80, $0x38;
	[tilespmem:$0x1F6F8] =	vst v63  }
.LBB2_37:
0x21d: {  	s0 =	sadd.s32 s5, s7  }
0x21e: {  	s0 =	sshrl.u32 s0, $0x2  }
.LBB2_38:
0x21f: {  	s2 =	simm.s32 $0x5  }
0x220: {  	_ =	swait.ge [sflag:s2], s0  }
0x221: {  	s31 =	ssub.s32 $0x0, s0;
	[sflag:s2] =	ssyncset.done $0x0  }
0x222: {  	[sflag:s2] =	ssyncadd.s32 s31  }
0x223: {  	[sflag:s2] =	ssyncpa.u1 $0x1  }
.LBB2_39:
0x224: {  	s0 =	sor.u32 s15, s16  }
0x225: {  	p1 =	sne.s32 s0, $0x0  }
.Ltmp30:
0x226: {  	_ = 	snop;
	(pc) =	sbr.rel @p1 .LBB2_54-.Ltmp30, $3  }
0x227: {  	_ =	sdelay $0x1  }
0x228: {  	[bflag:$0x0] =	sbarrier.arrive $0xFFFF  }
0x229: {  	_ =	sfence  }
0x22a: {  	s0 =	simm.s32 $0x7  }
0x22b: {  	s2 =	simm.s32 $0x1000;
	s3 =	simm.s32 $0xF218;
	[sflag:s0] =	ssyncpa.u1 $0x0  }
0x22c: {  	[tilespmem:s3], [sflag:$0x7] =	stream.linear.gather [spmem:s2], $0x20, $0x38;
	[tilespmem:$0x1F6F8] =	vst v63  }
0x22d: {  	s30 =	simm.s32 $0xF238;
	s2 =	simm.s32 $0x0  }
0x22e: {  	[tilespmem:s30], [sflag:$0x7] =	stream.linear.gather [spmem:s2], $0x1000, $0x38;
	[tilespmem:$0x1F6F8] =	vst v63  }
.Ltmp31:
0x22f: {  	_ = 	snop;
	(pc) =	sbr.rel .LBB2_41-.Ltmp31, $4  }
0x230: {  	_ =	swait.ge [sflag:s0], $0x1020  }
0x231: {  	[sflag:s0] =	ssyncset.done $0x0  }
0x232: {  	s31 =	simm.s32 $0x8;
	[sflag:s0] =	ssyncadd.s32 $0xFFFFEFE0  }
0x233: {  	s3 =	simm.s32 $0x0;
	[sflag:s31] =	ssyncpa.u1 $0x0  }
.LBB2_47:
0x234: {  	p1 =	slt.u32 s4, $0x270F1  }
0x235: {  	s0 =	sand.u32 @p1 $0x3FFF8, s4  }
0x236: {  	s4 =	sand.u32 @p1 $0x7, s4;
	s5 =	simm.s32 @p1 $0xF188;
	s0 =	sadd.s32 @p1 s1, s0  }
0x237: {  	[tilespmem:s5], [sflag:$0x8] =	stream.linear.gather @p1 [hbm4b:s0+s4], $0x80, $0x38;
	[tilespmem:$0x1F6F8] =	vst v63  }
0x238: {  	s0 =	simm.s32 @p1 $0x8  }
0x239: {  	_ =	swait.ge @p1 [sflag:s0], $0x80  }
0x23a: {  	[sflag:s0] =	ssyncset.done @p1 $0x0  }
0x23b: {  	[sflag:s0] =	ssyncadd.s32 @p1 $0xFFFFFF80;
	s0 =	sshll.u32 @p1 s3, $0x9  }
0x23c: {  	s4 =	sshrl.u32 @p1 s0, $0x2;
	v1 =	vld @p1 [tilespmem:$0xF188]  }
0x23d: {  	v2 =	vld @p1 [tilespmem:s4+$0xF238];
	_ =	sdelay $0x4  }
0x23e: {  	v1 =	vmax.f32 @p1 v1, v2  }
0x23f: {  	v2 =	vld @p1 [tilespmem:s4+$0xF248];
	[tilespmem:s4+$0xF238] =	vst @p1 v1  }
0x240: {  	v1 =	vld @p1 [tilespmem:$0xF198];
	_ =	sdelay $0x4  }
0x241: {  	v1 =	vmax.f32 @p1 v1, v2  }
0x242: {  	v2 =	vld @p1 [tilespmem:s4+$0xF258];
	[tilespmem:s4+$0xF248] =	vst @p1 v1  }
0x243: {  	v1 =	vld @p1 [tilespmem:$0xF1A8];
	_ =	sdelay $0x4  }
0x244: {  	v1 =	vmax.f32 @p1 v1, v2  }
0x245: {  	v2 =	vld @p1 [tilespmem:s4+$0xF268];
	[tilespmem:s4+$0xF258] =	vst @p1 v1  }
0x246: {  	v1 =	vld @p1 [tilespmem:$0xF1B8];
	_ =	sdelay $0x4  }
0x247: {  	v1 =	vmax.f32 @p1 v1, v2  }
0x248: {  	v2 =	vld @p1 [tilespmem:s4+$0xF278];
	[tilespmem:s4+$0xF268] =	vst @p1 v1  }
0x249: {  	v1 =	vld @p1 [tilespmem:$0xF1C8];
	_ =	sdelay $0x4  }
0x24a: {  	v1 =	vmax.f32 @p1 v1, v2  }
0x24b: {  	v2 =	vld @p1 [tilespmem:s4+$0xF288];
	[tilespmem:s4+$0xF278] =	vst @p1 v1  }
0x24c: {  	v1 =	vld @p1 [tilespmem:$0xF1D8];
	_ =	sdelay $0x4  }
0x24d: {  	v1 =	vmax.f32 @p1 v1, v2  }
0x24e: {  	v2 =	vld @p1 [tilespmem:s4+$0xF298];
	[tilespmem:s4+$0xF288] =	vst @p1 v1  }
0x24f: {  	v1 =	vld @p1 [tilespmem:$0xF1E8];
	_ =	sdelay $0x4  }
0x250: {  	v1 =	vmax.f32 @p1 v1, v2  }
0x251: {  	v2 =	vld @p1 [tilespmem:s4+$0xF2A8];
	[tilespmem:s4+$0xF298] =	vst @p1 v1  }
0x252: {  	v1 =	vld @p1 [tilespmem:$0xF1F8];
	_ =	sdelay $0x4  }
0x253: {  	s5 =	sshll.u32 @!p1 s3, $0x9;
	v1 =	vmax.f32 @p1 v1, v2  }
0x254: {  	s5 =	smov.u32 @p1 s0;
	[tilespmem:s4+$0xF2A8] =	vst @p1 v1  }
0x255: {  	s0 =	sshrl.u32 s5, $0x2;
	[tilespmem:s2+$0xF218] =	vst.msk $0x1, v0  }
0x256: {  	v0 =	vld [tilespmem:s0+$0xF238];
	_ =	sdelay $0x2  }
0x257: {  	s31 =	sshll.u32 s2, $0x9  }
0x258: {  	s4 =	sshra.s32 s31, $0x2  }
0x259: {  	[tilespmem:s4+$0xF238] =	vst v0  }
0x25a: {  	v0 =	vld [tilespmem:s0+$0xF248];
	_ =	sdelay $0x4  }
0x25b: {  	[tilespmem:s4+$0xF248] =	vst v0  }
0x25c: {  	v0 =	vld [tilespmem:s0+$0xF258];
	_ =	sdelay $0x4  }
0x25d: {  	[tilespmem:s4+$0xF258] =	vst v0  }
0x25e: {  	v0 =	vld [tilespmem:s0+$0xF268];
	_ =	sdelay $0x4  }
0x25f: {  	[tilespmem:s4+$0xF268] =	vst v0  }
0x260: {  	v0 =	vld [tilespmem:s0+$0xF278];
	_ =	sdelay $0x4  }
0x261: {  	[tilespmem:s4+$0xF278] =	vst v0  }
0x262: {  	v0 =	vld [tilespmem:s0+$0xF288];
	_ =	sdelay $0x4  }
0x263: {  	[tilespmem:s4+$0xF288] =	vst v0  }
0x264: {  	v0 =	vld [tilespmem:s0+$0xF298];
	_ =	sdelay $0x4  }
0x265: {  	[tilespmem:s4+$0xF298] =	vst v0  }
0x266: {  	v0 =	vld [tilespmem:s0+$0xF2A8];
	_ =	sdelay $0x4  }
0x267: {  	s2 =	sadd.s32 $0x1, s2;
	[tilespmem:s4+$0xF2A8] =	vst v0  }
.LBB2_48:
0x268: {  	s3 =	sadd.s32 $0x1, s3  }
0x269: {  	p1 =	sne.s32 s3, $0x20  }
.Ltmp32:
0x26a: {  	_ = 	snop;
	(pc) =	sbr.rel @!p1 .LBB2_49-.Ltmp32, $1  }
0x26b: {  	_ =	sdelay $0x3  }
.LBB2_41:
0x26c: {  	v0 =	vld.msk [tilespmem:s3+$0xF218], $0x1;
	_ =	sdelay $0x4  }
0x26d: {  	(v2sf) =	vpush v0, $0x0;
	_ =	sdelay $0xe  }
0x26e: {  	s4 =	spop (v2sf)  }
0x26f: {  	p1 =	seq.s32 s4, $0xFFFFFFFF  }
.Ltmp33:
0x270: {  	_ = 	snop;
	(pc) =	sbr.rel @p1 .LBB2_48-.Ltmp33, $1  }
0x271: {  	_ =	sdelay $0x3  }
0x272: {  	p1 =	slt.s32 s2, $0x1  }
.Ltmp34:
0x273: {  	_ = 	snop;
	(pc) =	sbr.rel @p1 .LBB2_47-.Ltmp34, $1  }
0x274: {  	_ =	sdelay $0x3  }
0x275: {  	s5 =	simm.s32 $0xF218;
	p1 =	por $0x0, $0x0  }
0x276: {  	v1 =	vld.msk @!p1 [tilespmem:s5+$0x0], $0x1;
	_ =	sdelay $0x4  }
0x277: {  	(v2sf) =	vpush @!p1 v1, $0x0;
	_ =	sdelay $0xd  }
0x278: {  	p3 =	sne.s32 s2, $0x1  }
.Ltmp35:
0x279: {  	s0 =	spop @!p1 (v2sf);
	(pc) =	sbr.rel @!p3 .LBB2_45-.Ltmp35, $4  }
0x27a: {  	p2 =	seq.s32 @!p1 s4, s0  }
0x27b: {  	s6 =	simm.s32 $0x0;
	p2 =	por !p2, p1  }
0x27c: {  	s7 =	simm.s32 $0xFFFFFFFF;
	s6 =	simm.s32 @p2 $0xFFFFFFFF  }
0x27d: {  	s0 =	simm.s32 $0x1;
	s6 =	smov.u32 @p1 s7  }
.LBB2_44:
0x27e: {  	s7 =	smov.u32 s6;
	p1 =	sne.s32 s6, $0xFFFFFFFF  }
0x27f: {  	s5 =	sadd.s32 $0x1, s5;
	s6 =	smov.u32 s0;
	s0 =	sadd.s32 $0x1, s0  }
0x280: {  	p2 =	sne.s32 s2, s0;
	v1 =	vld.msk @!p1 [tilespmem:s5+$0x0], $0x1;
	_ =	sdelay $0x4  }
0x281: {  	(v2sf) =	vpush @!p1 v1, $0x0;
	_ =	sdelay $0xe  }
.Ltmp36:
0x282: {  	s8 =	spop @!p1 (v2sf);
	(pc) =	sbr.rel @p2 .LBB2_44-.Ltmp36, $4  }
0x283: {  	p3 =	seq.s32 @!p1 s4, s8  }
0x284: {  	p3 =	por !p3, p1  }
0x285: {  	s6 =	simm.s32 @p3 $0xFFFFFFFF  }
0x286: {  	s6 =	smov.u32 @p1 s7  }
.LBB2_45:
0x287: {  	p1 =	seq.s32 s6, $0xFFFFFFFF  }
.Ltmp37:
0x288: {  	_ = 	snop;
	(pc) =	sbr.rel @p1 .LBB2_47-.Ltmp37, $1  }
0x289: {  	_ =	sdelay $0x3  }
0x28a: {  	s0 =	sshll.u32 s3, $0x7  }
0x28b: {  	s4 =	sshll.u32 s6, $0x9;
	s0 =	sand.u32 $0x3FFFFF80, s0  }
0x28c: {  	s4 =	sshra.s32 s4, $0x2;
	v0 =	vld [tilespmem:s0+$0xF238]  }
0x28d: {  	v1 =	vld [tilespmem:s4+$0xF238];
	_ =	sdelay $0x4  }
0x28e: {  	v0 =	vmax.f32 v0, v1  }
0x28f: {  	v57 =	vld [tilespmem:s4+$0xF248];
	[tilespmem:s4+$0xF238] =	vst v0  }
0x290: {  	v0 =	vld [tilespmem:s0+$0xF248];
	_ =	sdelay $0x4  }
0x291: {  	v0 =	vmax.f32 v0, v57  }
0x292: {  	v58 =	vld [tilespmem:s4+$0xF258];
	[tilespmem:s4+$0xF248] =	vst v0  }
0x293: {  	v0 =	vld [tilespmem:s0+$0xF258];
	_ =	sdelay $0x4  }
0x294: {  	v0 =	vmax.f32 v0, v58  }
0x295: {  	v59 =	vld [tilespmem:s4+$0xF268];
	[tilespmem:s4+$0xF258] =	vst v0  }
0x296: {  	v0 =	vld [tilespmem:s0+$0xF268];
	_ =	sdelay $0x4  }
0x297: {  	v0 =	vmax.f32 v0, v59  }
0x298: {  	v60 =	vld [tilespmem:s4+$0xF278];
	[tilespmem:s4+$0xF268] =	vst v0  }
0x299: {  	v0 =	vld [tilespmem:s0+$0xF278];
	_ =	sdelay $0x4  }
0x29a: {  	v0 =	vmax.f32 v0, v60  }
0x29b: {  	v61 =	vld [tilespmem:s4+$0xF288];
	[tilespmem:s4+$0xF278] =	vst v0  }
0x29c: {  	v0 =	vld [tilespmem:s0+$0xF288];
	_ =	sdelay $0x4  }
0x29d: {  	v0 =	vmax.f32 v0, v61  }
0x29e: {  	v62 =	vld [tilespmem:s4+$0xF298];
	[tilespmem:s4+$0xF288] =	vst v0  }
0x29f: {  	v0 =	vld [tilespmem:s0+$0xF298];
	_ =	sdelay $0x4  }
0x2a0: {  	v0 =	vmax.f32 v0, v62  }
0x2a1: {  	v63 =	vld [tilespmem:s4+$0xF2A8];
	[tilespmem:s4+$0xF298] =	vst v0  }
0x2a2: {  	v0 =	vld [tilespmem:s0+$0xF2A8];
	_ =	sdelay $0x1  }
.Ltmp38:
0x2a3: {  	_ = 	snop;
	(pc) =	sbr.rel .LBB2_48-.Ltmp38, $3  }
0x2a4: {  	_ =	sdelay $0x1  }
0x2a5: {  	v0 =	vmax.f32 v0, v63  }
0x2a6: {  	[tilespmem:s4+$0xF2A8] =	vst v0  }
.LBB2_49:
0x2a7: {  	p1 =	slt.s32 s2, $0x1  }
.Ltmp39:
0x2a8: {  	_ = 	snop;
	(pc) =	sbr.rel @p1 .LBB2_53-.Ltmp39, $3  }
0x2a9: {  	_ =	sdelay $0x1  }
0x2aa: {  	s0 =	simm.s32 $0x8  }
0x2ab: {  	s3 =	simm.s32 $0x0;
	[sflag:s0] =	ssyncpa.u1 $0x1  }
0x2ac: {  	s0 =	simm.s32 $0xF218  }
0x2ad: {  	v0 =	vld.msk [tilespmem:s0+$0x0], $0x1;
	_ =	sdelay $0x4  }
0x2ae: {  	(v2sf) =	vpush v0, $0x0;
	_ =	sdelay $0xe  }
0x2af: {  	s0 =	sadd.s32 $0xFFFFFFFF, s2;
	s5 =	spop (v2sf)  }
0x2b0: {  	p2 =	sne.s32 s0, $0x0;
	p1 =	sgt.u32 s5, $0x270F0  }
.Ltmp40:
0x2b1: {  	s6 =	sand.u32 @!p1 $0x3FFF8, s5;
	(pc) =	sbr.rel @!p2 .LBB2_52-.Ltmp40, $4  }
0x2b2: {  	s4 =	simm.s32 $0xF238;
	s5 =	sand.u32 @!p1 $0x7, s5;
	s2 =	sadd.s32 @!p1 s1, s6  }
0x2b3: {  	[hbm4b:s2+s5] =	stream.linear.scatter @!p1 [tilespmem:s4], [sflag:$0x7], $0x80, $0x38;
	[tilespmem:$0x1F6F8] =	vst v63  }
0x2b4: {  	s5 =	simm.s32 $0x0  }
0x2b5: {  	s2 =	simm.s32 $0xF219;
	s5 =	simm.s32 @!p1 $0x200  }
.LBB2_51:
0x2b6: {  	v0 =	vld.msk [tilespmem:s2+$0x0], $0x1;
	s0 =	sadd.s32 $0xFFFFFFFF, s0;
	s3 =	sadd.s32 s3, s5  }
0x2b7: {  	p1 =	sne.s32 s0, $0x0;
	_ =	sdelay $0x3  }
0x2b8: {  	(v2sf) =	vpush v0, $0x0;
	_ =	sdelay $0xe  }
.Ltmp41:
0x2b9: {  	s6 =	spop (v2sf);
	(pc) =	sbr.rel @p1 .LBB2_51-.Ltmp41, $4  }
0x2ba: {  	s5 =	simm.s32 $0x0;
	p2 =	sgt.u32 s6, $0x270F0  }
0x2bb: {  	s4 =	sadd.s32 $0x80, s4;
	s5 =	simm.s32 @!p2 $0x200;
	s7 =	sand.u32 @!p2 $0x3FFF8, s6  }
0x2bc: {  	s2 =	sadd.s32 $0x1, s2;
	s6 =	sand.u32 @!p2 $0x7, s6;
	s7 =	sadd.s32 @!p2 s1, s7  }
0x2bd: {  	[hbm4b:s7+s6] =	stream.linear.scatter @!p2 [tilespmem:s4], [sflag:$0x7], $0x80, $0x38;
	[tilespmem:$0x1F6F8] =	vst v63  }
.LBB2_52:
0x2be: {  	s0 =	sadd.s32 s3, s5  }
0x2bf: {  	s3 =	sshrl.u32 s0, $0x2  }
.LBB2_53:
0x2c0: {  	s0 =	simm.s32 $0x7  }
0x2c1: {  	_ =	swait.ge [sflag:s0], s3  }
0x2c2: {  	s1 =	ssub.s32 $0x0, s3;
	[sflag:s0] =	ssyncset.done $0x0  }
0x2c3: {  	[sflag:s0] =	ssyncadd.s32 s1  }
0x2c4: {  	[sflag:s0] =	ssyncpa.u1 $0x1  }
.LBB2_54:
0x2c5: {  	_ =	sfence;
	s0 =	simm.s32 $0x1  }
0x2c6: {  	[sflag:s0] =	ssyncpa.u1 $0x1  }
0x2c7: {  	_ =	strace $0x9000004A  }
0x2c8: {  	[bflag:$0x2] =	sbarrier.arrive $0xFFFF  }
0x2c9: {  	s0 =	rddreg [dreg:$0x3]  }
0x2ca: {  	s0 =	sadd.s32 @!p0 $0x100000, s0  }
0x2cb: {  	[sflag:s0] =	ssyncadd.tile.s32 @!p0 $0x1;
	_ =	shalt  }
.Lfunc_end2:
_tile_overlayer_lowered:
.L_overlay_start_2:
0x2cc: {  	(tag) =	ssettag $0x2  }
0x2cd: {  	s0 =	rddreg [dreg:$0x0];
	s2 =	stileid.u32  }
0x2ce: {  	s1 =	rddreg [dreg:$0x1];
	p0 =	sne.s32 s2, $0x0  }
0x2cf: {  	s3 =	rddreg [dreg:$0x2];
	[bflag:$0x3] =	sbarrier.arrive $0xFFFF;
	s2 =	simm.s32 @!p0 $0x1C01  }
0x2d0: {  	[timem:s3], [sflag:s2] =	dma.local @!p0 [hbm:s0], s1  }
0x2d1: {  	s0 =	simm.s32 @!p0 $0x1  }
0x2d2: {  	_ =	swait.ge @!p0 [sflag:s0], s1  }
0x2d3: {  	s1 =	ssub.s32 @!p0 $0x0, s1;
	[sflag:s0] =	ssyncset.done @!p0 $0x0  }
0x2d4: {  	[sflag:s0] =	ssyncadd.s32 @!p0 s1  }
0x2d5: {  	[bflag:$0x3] =	sbarrier.arrive $0xFFFF  }
0x2d6: {  	_ =	shalt  }

// kernel: scatter_offload_async_start
scs
__scs_entry_jumppad:
0x0: {  	(pc) =	sbr.rel $0x88, $3  }
0x1: {  	(tag) =	ssettag $0x0;
	lr =	simm.s32 $0x1  }
0x2: {  	[smem:$0x3F74] =	sst lr;
	_ =	strace $0xD0000000  }
0x3: {  	_ = 	snop  }
0x4: {  	_ = 	snop  }
0x5: {  	_ = 	snop  }
0x6: {  	_ = 	snop  }
0x7: {  	_ = 	snop  }
__scs_overlays_trampoline_lowered:
0x8: {  	[smem:$0x3F83] =	sst s0  }
0x9: {  	[smem:$0x3F84] =	sst s1  }
0xa: {  	[smem:$0x3F85] =	sst s2  }
0xb: {  	[smem:$0x3F86] =	sst s3  }
0xc: {  	[smem:$0x3F87] =	sst s4  }
0xd: {  	[smem:$0x3F88] =	sst s5  }
0xe: {  	[smem:$0x3F89] =	sst s6  }
0xf: {  	[smem:$0x3F8A] =	sst s7  }
0x10: {  	[smem:$0x3F8B] =	sst s8  }
0x11: {  	[smem:$0x3F8C] =	sst s9;
	s0 =	simm.s32 @!p0 $0x0  }
0x12: {  	s1 =	sld [smem:$0x3F72];
	s0 =	simm.s32 @p0 $0x1  }
0x13: {  	[smem:$0x3F8D] =	sst s0;
	s0 =	simm.s32 @!p1 $0x0  }
0x14: {  	s2 =	sld [smem:$0x3F71];
	s0 =	simm.s32 @p1 $0x1  }
0x15: {  	[smem:$0x3F8E] =	sst s0;
	s0 =	simm.s32 @!p2 $0x0  }
0x16: {  	s3 =	sld [smem:$0x3FDB];
	s0 =	simm.s32 @p2 $0x1  }
0x17: {  	s4 =	simm.s32 $0x1BF5;
	[smem:$0x3F90] =	sst s0  }
0x18: {  	s0 =	sld [smem:$0x3F73];
	_ =	swait.ge [sflag:s4], $0x0  }
0x19: {  	s7 =	sld [smem:$0x3F74]  }
0x1a: {  	s8 =	sadd.s32 $0xFFFFE003, lr  }
0x1b: {  	s9 =	sadd.s32 $0xFFFFFEF7, lr;
	s5 =	simm.s32 $0xFFFFFFFF;
	p2 =	slt.u32 s8, $0xFFFFF086  }
0x1c: {  	p1 =	slt.u32 s9, $0xF7A;
	s5 =	simm.s32 @!p2 $0x0  }
0x1d: {  	s5 =	simm.s32 @p1 $0x1;
	p0 =	seq.s32 s7, s2  }
0x1e: {  	s7 =	smul.u32 @!p0 $0xF7A, s2;
	p2 =	seq.s32 @!p0 s5, $0x0  }
0x1f: {  	s9 =	smul.u32 $0xF7A, s1;
	s8 =	simm.s32 @!p0 $0x1BF5;
	p2 =	por !p2, p0  }
0x20: {  	[sflag:s8] =	ssyncset.s32 @!p0 $0xFFFFF086;
	s6 =	sadd.s32 @!p0 s3, s7;
	s7 =	simm.s32 @!p0 $0x108  }
0x21: {  	s3 =	sadd.s32 s3, s9;
	s6 =	sadd.s32 @!p0 $0x88, s6;
	s7 =	simm.s32 @p2 $0x1082  }
0x22: {  	[simem:s7], [sflag:s8] =	dma.local @!p0 [hbm:s6], $0xF7A  }
0x23: {  	s9 =	sor.u32 $0xD0000000, s2;
	s6 =	simm.s32 $0x108;
	_ =	swait.ge @!p0 [sflag:s8], $0x0  }
0x24: {  	s3 =	sadd.s32 $0x88, s3;
	s6 =	simm.s32 @!p1 $0x1082;
	[sflag:s4] =	ssyncset.s32 $0xFFFFF086  }
0x25: {  	[simem:s6], [sflag:s4] =	dma.local [hbm:s3], $0xF7A  }
0x26: {  	[smem:$0x3F74] =	sst s1;
	(tag) =	ssettag s2;
	_ =	strace s9  }
0x27: {  	s1 =	sld [smem:$0x3F84]  }
0x28: {  	s2 =	sld [smem:$0x3F85]  }
0x29: {  	s4 =	sld [smem:$0x3F87]  }
0x2a: {  	p0 =	seq.s32 s5, $0x0;
	s5 =	sld [smem:$0x3F88]  }
0x2b: {  	s6 =	sld [smem:$0x3F89]  }
0x2c: {  	s7 =	sld [smem:$0x3F8A]  }
0x2d: {  	s3 =	simm.s32 $0x108;
	s8 =	sld [smem:$0x3F8B]  }
0x2e: {  	s3 =	simm.s32 @!p0 $0x1082;
	s9 =	sld [smem:$0x3F8C]  }
0x2f: {  	lr =	sadd.s32 s0, s3;
	s0 =	sld [smem:$0x3F83]  }
0x30: {  	s3 =	sld [smem:$0x3F86]  }
0x31: {  	[smem:$0x3F8F] =	sst s10  }
0x32: {  	s10 =	sld [smem:$0x3F8D];
	_ =	sdelay $0x3  }
0x33: {  	p0 =	seq.s32 s10, $0x1;
	s10 =	sld [smem:$0x3F8F];
	_ =	sdelay $0x3  }
0x34: {  	[smem:$0x3F8F] =	sst s10  }
0x35: {  	s10 =	sld [smem:$0x3F8E];
	_ =	sdelay $0x3  }
0x36: {  	p1 =	seq.s32 s10, $0x1;
	s10 =	sld [smem:$0x3F8F];
	_ =	sdelay $0x3  }
0x37: {  	[smem:$0x3F8F] =	sst s10  }
0x38: {  	s10 =	sld [smem:$0x3F90]  }
0x39: {  	_ = 	snop;
	(pc) =	sbr.ind lr, $3  }
0x3a: {  	_ = 	snop  }
0x3b: {  	_ = 	snop  }
0x3c: {  	p2 =	seq.s32 s10, $0x1;
	s10 =	sld [smem:$0x3F8F]  }
0x3d: {  	_ =	shalt  }
0x3e: {  	_ =	shalt  }
0x3f: {  	_ =	shalt  }
0x40: {  	_ =	shalt  }
0x41: {  	_ =	shalt  }
0x42: {  	_ =	shalt  }
0x43: {  	_ =	shalt  }
0x44: {  	_ =	shalt  }
0x45: {  	_ =	shalt  }
0x46: {  	_ =	shalt  }
0x47: {  	_ =	shalt  }
0x48: {  	_ =	shalt  }
0x49: {  	_ =	shalt  }
0x4a: {  	_ =	shalt  }
0x4b: {  	_ =	shalt  }
0x4c: {  	_ =	shalt  }
0x4d: {  	_ =	shalt  }
0x4e: {  	_ =	shalt  }
0x4f: {  	_ =	shalt  }
0x50: {  	_ =	shalt  }
0x51: {  	_ =	shalt  }
0x52: {  	_ =	shalt  }
0x53: {  	_ =	shalt  }
0x54: {  	_ =	shalt  }
0x55: {  	_ =	shalt  }
0x56: {  	_ =	shalt  }
0x57: {  	_ =	shalt  }
0x58: {  	_ =	shalt  }
0x59: {  	_ =	shalt  }
0x5a: {  	_ =	shalt  }
0x5b: {  	_ =	shalt  }
0x5c: {  	_ =	shalt  }
0x5d: {  	_ =	shalt  }
0x5e: {  	_ =	shalt  }
0x5f: {  	_ =	shalt  }
0x60: {  	_ =	shalt  }
0x61: {  	_ =	shalt  }
0x62: {  	_ =	shalt  }
0x63: {  	_ =	shalt  }
0x64: {  	_ =	shalt  }
0x65: {  	_ =	shalt  }
0x66: {  	_ =	shalt  }
0x67: {  	_ =	shalt  }
0x68: {  	_ =	shalt  }
0x69: {  	_ =	shalt  }
0x6a: {  	_ =	shalt  }
0x6b: {  	_ =	shalt  }
0x6c: {  	_ =	shalt  }
0x6d: {  	_ =	shalt  }
0x6e: {  	_ =	shalt  }
0x6f: {  	_ =	shalt  }
0x70: {  	_ =	shalt  }
0x71: {  	_ =	shalt  }
0x72: {  	_ =	shalt  }
0x73: {  	_ =	shalt  }
0x74: {  	_ =	shalt  }
0x75: {  	_ =	shalt  }
0x76: {  	_ =	shalt  }
0x77: {  	_ =	shalt  }
0x78: {  	_ =	shalt  }
0x79: {  	_ =	shalt  }
0x7a: {  	_ =	shalt  }
0x7b: {  	_ =	shalt  }
0x7c: {  	_ =	shalt  }
0x7d: {  	_ =	shalt  }
0x7e: {  	_ =	shalt  }
0x7f: {  	_ =	shalt  }
0x80: {  	_ =	shalt  }
0x81: {  	_ =	shalt  }
0x82: {  	_ =	shalt  }
0x83: {  	_ =	shalt  }
0x84: {  	_ =	shalt  }
0x85: {  	_ =	shalt  }
0x86: {  	_ =	shalt  }
0x87: {  	_ =	shalt  }
.Lfunc_end0:
.L_simem_size_0:
called_computation_lowered:
.L_overlay_start_0:
0x88: {  	s2 =	sld [smem:$0x3FD9]  }
0x89: {  	s3 =	sld [smem:$0x3FFE];
	_ =	sdelay $0x1  }
0x8a: {  	s1 =	srdreg.scid  }
0x8b: {  	s0 =	sand.u32 $0x1, s1  }
0x8c: {  	s15 =	sshll.u32 s0, $0xA;
	s2 =	sadd.s32 s3, s2  }
0x8d: {  	s2 =	sadd.s32 s2, s15  }
0x8e: {  	[smem:$0x3F9B] =	sst s2  }
0x8f: {  	_ = 	snop  }
0x90: {  	(tm) =	ssettm $0x1  }
0x91: {  	s16 =	sld [smem:$0x3FFB];
	_ =	sdelay $0x3  }
0x92: {  	_ =	strace s16  }
0x93: {  	s2 =	sld [smem:$0x3FFC];
	_ =	sdelay $0x3  }
0x94: {  	_ =	strace s2  }
0x95: {  	s2 =	sld [smem:$0x3FFD];
	_ =	sdelay $0x3  }
0x96: {  	_ =	strace s2  }
0x97: {  	_ =	strace $0x8FFFFFFF  }
0x98: {  	s17 =	sld [smem:$0x3FDB];
	_ =	sdelay $0x1  }
0x99: {  	s18 =	simm.s32 $_scs_section_size  }
0x9a: {  	s4 =	simm.s32 $_size__tile_overlayer_lowered;
	s5 =	simm.s32 $_tile_overlayer_lowered  }
0x9b: {  	s21 =	simm.s32 $0x1BFF;
	s20 =	sshll.u32 s5, $0x1;
	s2 =	sadd.s32 s18, s17  }
0x9c: {  	s6 =	simm.s32 $0x0;
	s19 =	sshll.u32 s4, $0x1;
	s4 =	sadd.s32 s20, s2  }
0x9d: {  	[timem:s6], [sflag:s21] =	dma.local [hbm:s4], s19  }
0x9e: {  	_ =	swait.ge [sflag:s21], s19  }
0x9f: {  	s3 =	ssub.s32 $0x0, s19;
	[sflag:s21] =	ssyncset.done $0x0  }
0xa0: {  	[sflag:s21] =	ssyncadd.s32 s3;
	_ =	sdelay $0x1  }
0xa1: {  	s22 =	simm.s32 $0x1B8B  }
0xa2: {  	_ =	swait.ge [sflag:s22], $0x1  }
0xa3: {  	[sflag:s22] =	ssyncset.done $0x0  }
0xa4: {  	s23 =	sld [smem:$0x3FFE];
	[sflag:s22] =	ssyncadd.s32 $0xFFFFFFFF  }
0xa5: {  	s25 =	simm.s32 $0x1B8E;
	s24 =	sld [smem:$0x0]  }
0xa6: {  	s26 =	simm.s32 $execute0_lowered;
	[smem:$0x3FD2] =	sst s25  }
0xa7: {  	s5 =	sshll.u32 s26, $0x1;
	_ =	strace $0x80000046;
	[dreg:$0x1] =	wrdreg $0xFFFFFFFF  }
0xa8: {  	s28 =	simm.s32 $_size_execute0_lowered;
	s2 =	sadd.s32 s2, s5;
	[dreg:$0x0] =	wrdreg $0x0  }
0xa9: {  	s5 =	sshll.u32 s28, $0x1;
	[dreg:$0x2] =	wrdreg s2  }
0xaa: {  	[dreg:$0x3] =	wrdreg s5  }
0xab: {  	[dreg:$0x4] =	wrdreg $0xC0  }
0xac: {  	_ =	task [dreg:s6], $0x5FFFF  }
0xad: {  	[dreg:$0x1] =	wrdreg $0xFFFFFFFF  }
0xae: {  	[dreg:$0x0] =	wrdreg $0x60  }
0xaf: {  	[dreg:$0x2] =	wrdreg s23  }
0xb0: {  	[dreg:$0x3] =	wrdreg s1  }
0xb1: {  	[dreg:$0x4] =	wrdreg s24  }
0xb2: {  	[dreg:$0x5] =	wrdreg $0x9  }
0xb3: {  	_ =	task.clear_ibuf [dreg:s6], $0x6FFFF;
	_ =	strace $0x90000046  }
0xb4: {  	s29 =	simm.s32 $0x9;
	_ =	strace $0x80000048  }
0xb5: {  	_ =	swait.ge [sflag:s29], $0x1  }
0xb6: {  	[sflag:s29] =	ssyncadd.s32 $0xFFFFFFFF  }
0xb7: {  	_ =	strace $0x90000048  }
0xb8: {  	_ =	sfence  }
0xb9: {  	s30 =	sld [smem:$0x0];
	_ =	sdelay $0x2  }
0xba: {  	s31 =	sshll.u32 s1, $0xD;
	s1 =	sshrl.u32 s1, $0x2  }
0xbb: {  	s3 =	sand.u32 $0x4000, s31;
	s1 =	sadd.s32 s1, s30  }
0xbc: {  	s0 =	sor.u32 s3, s0;
	s1 =	sshll.u32 s1, $0x11  }
0xbd: {  	s0 =	sor.u32 s1, s0  }
0xbe: {  	s0 =	sadd.s32 $0x8F2B, s0  }
0xbf: {  	[sflag:s0] =	ssyncadd.remote.s32 $0x1  }
0xc0: {  	_ =	sfence.sel $0xFFFF  }
0xc1: {  	[dreg:$0x0] =	wrdreg $0xFFFFFFFF;
	(pc) =	sbr.abs _section_cstart, $3  }
0xc2: {  	[dreg:$0x1] =	wrdreg $0xFFFFFFFF  }
0xc3: {  	_ =	task.clear_ibuf [dreg:s6], $0x2FFFF;
	_ =	strace $0x9FFFFFFF  }
0xc4: {  	(tm) =	ssettm $0x7FFFFFFF  }
0xc5: {  	_ =	shalt  }
tec
execute0_lowered:
.L_overlay_start_1:
0x0: {  	(tag) =	ssettag $0x1  }
0x1: {  	s2 =	rddreg [dreg:$0x0]  }
0x2: {  	s3 =	rddreg [dreg:$0x1];
	_ =	strace $0x80000047;
	s0 =	simm.s32 $0x1  }
0x3: {  	s4 =	simm.s32 $0x88;
	v0 =	vimm.s32 $0x0;
	[sflag:s0] =	ssyncpa.u1 $0x0  }
0x4: {  	s1 =	sadd.s32 $0x1ABE00, s2;
	[tilespmem:s4+$0x30] =	vst v0  }
0x5: {  	s0 =	sadd.s32 $0x1A5A00, s2;
	s6 =	sadd.s32 $0x4C00, s2;
	[tilespmem:s4+$0x20] =	vst v0  }
0x6: {  	s14 =	sadd.s32 $0x1A8C00, s2;
	s9 =	sand.u32 $0x1, s3;
	s2 =	simm.s32 $0x40;
	[tilespmem:s4+$0x10] =	vst v0  }
.LBB2_1:
0x7: {  	s2 =	sadd.s32 $0x40, s2  }
0x8: {  	[tilespmem:s4+$0x0] =	vst v0;
	s4 =	sadd.s32 $0x40, s4;
	p0 =	slt.u32 s2, $0x5040  }
.Ltmp0:
0x9: {  	(pc) =	sbr.rel @p0 .LBB2_1-.Ltmp0, $4  }
0xa: {  	_ = 	snop  }
0xb: {  	[tilespmem:s4+$0x30] =	vst v0  }
0xc: {  	[tilespmem:s4+$0x20] =	vst v0  }
0xd: {  	[tilespmem:s4+$0x10] =	vst v0  }
0xe: {  	s10 =	stileid.u32  }
0xf: {  	s2 =	smul.u32 $0x9, s10  }
0x10: {  	s3 =	smin.u32 s10, $0xD  }
0x11: {  	s2 =	sadd.s32 s3, s2  }
0x12: {  	p0 =	slt.u32 s10, $0xD;
	s7 =	smul.u32 $0x140, s2;
	s2 =	simm.s32 $0xC80  }
0x13: {  	s2 =	simm.s32 @!p0 $0xB40  }
0x14: {  	s2 =	sadd.s32 s2, s7  }
0x15: {  	s8 =	smin.u32 s2, $0xC350  }
0x16: {  	s2 =	ssub.s32 s8, s7  }
0x17: {  	s26 =	simm.s32 $0x2;
	s29 =	simm.s32 $0x9;
	p0 =	sgt.s32 s2, $0x0  }
0x18: {  	s30 =	simm.s32 $0xA;
	s31 =	smul.u32 $0x186A, s9;
	s2 =	simm.s32 @!p0 $0x0  }
0x19: {  	s11 =	simm.s32 $0xB;
	[dreg:$0x4] =	wrdreg s9;
	s28 =	smul.u32 $0xCCCD, s2  }
0x1a: {  	s12 =	simm.s32 $0x1;
	s18 =	simm.s32 $0x0;
	p1 =	por $0x0, $0x0  }
0x1b: {  	s19 =	simm.s32 $0xC;
	s23 =	simm.s32 $0x0;
	s3 =	sshrl.u32 s28, $0x18  }
0x1c: {  	s20 =	simm.s32 $0x0;
	s22 =	simm.s32 $0x0;
	s5 =	smul.u32 $0x140, s3  }
.Ltmp1:
0x1d: {  	[tilespmem:s4+$0x0] =	vst v0;
	v0 =	vimm.s32 $0xFFFFFFFF;
	[sflag:s26] =	ssyncpa.u1 $0x0;
	s16 =	sshll.u32 s10, $0x7;
	(pc) =	sbr.rel .LBB2_3-.Ltmp1, $4  }
0x1e: {  	[tilespmem:$0xA108] =	vst v0;
	[sflag:s29] =	ssyncpa.u1 $0x0;
	p0 =	sne.s32 s2, s5;
	s2 =	simm.s32 $0x1  }
0x1f: {  	s14 =	sadd.s32 s31, s14;
	[sflag:s30] =	ssyncpa.u1 $0x0;
	s2 =	simm.s32 @!p0 $0x0  }
0x20: {  	s15 =	sadd.s32 s31, s0;
	[sflag:s11] =	ssyncpa.u1 $0x0;
	s13 =	sadd.s32 s3, s2  }
0x21: {  	v0 =	vlaneseq.u32;
	s21 =	smov.u32 s7;
	p0 =	por $0x1, $0x1;
	s17 =	sadd.s32 $0x1, s13  }
.LBB2_24:
0x22: {  	s0 =	sshrl.u32 s0, $0x2  }
.LBB2_26:
0x23: {  	_ =	swait.ge [sflag:s19], s0  }
0x24: {  	s30 =	ssub.s32 $0x0, s0;
	v1 =	vmov s25;
	vm0 =	veq.s32 v0, $0x0;
	[sflag:s19] =	ssyncset.done $0x0  }
0x25: {  	vm15 =	veq.s32 v0, $0x2;
	v1 =	vsel vm0, s31, v1;
	[sflag:s19] =	ssyncadd.s32 s30  }
0x26: {  	v1 =	vsel vm15, s23, v1;
	[sflag:s19] =	ssyncpa.u1 $0x1  }
0x27: {  	[tilespmem:$0xA108] =	vst v1  }
.LBB2_27:
0x28: {  	s0 =	sadd.s32 $0x140, s21  }
0x29: {  	s2 =	smov.u32 s7;
	p2 =	slt.s32 s0, s8  }
0x2a: {  	s2 =	smov.u32 @p2 s0;
	p2 =	sne.s32 s22, s17  }
.Ltmp2:
0x2b: {  	_ = 	snop;
	(pc) =	sbr.rel @!p2 .LBB2_28-.Ltmp2, $4  }
0x2c: {  	_ = 	snop  }
0x2d: {  	s23 =	smov.u32 s20  }
0x2e: {  	s31 =	sadd.s32 $0x1, s22;
	s20 =	smov.u32 s21;
	p0 =	por !p0, !p0  }
0x2f: {  	p1 =	por !p1, !p1;
	s22 =	smov.u32 s31;
	s21 =	smov.u32 s2  }
.LBB2_3:
0x30: {  	p2 =	sge.u32 s22, s13  }
0x31: {  	s0 =	smulhi.u32 @!p2 $0xAAAAAAAB, s22  }
0x32: {  	s2 =	smov.u32 s21;
	p3 =	sgt.s32 @!p2 s21, $0xC210  }
0x33: {  	s3 =	sshra.s32 @!p2 s21, $0x1F;
	p3 =	por !p3, p2;
	s0 =	sshrl.u32 @!p2 s0, $0x1  }
0x34: {  	s3 =	sand.u32 @!p2 s3, s21;
	s2 =	simm.s32 @p3 $0xC210;
	s0 =	smul.u32 @!p2 $0x3, s0  }
0x35: {  	s2 =	ssub.s32 @!p2 s2, s3  }
0x36: {  	s2 =	sadd.s32 @!p2 $0xFFFF3DF0, s2;
	s0 =	ssub.s32 @!p2 s22, s0  }
0x37: {  	s3 =	sshll.u32 @!p2 s2, $0x2;
	p3 =	sgt.s32 @!p2 s2, $0x13F;
	s0 =	smul.u32 @!p2 $0x500, s0  }
0x38: {  	s4 =	sand.u32 @!p2 $0x7, s21;
	s2 =	ssub.s32 @!p2 $0x500, s3;
	p3 =	por !p3, p2  }
0x39: {  	s3 =	sshrl.u32 @!p2 s21, $0x3;
	s2 =	sshrl.u32 @!p2 s2, $0x2;
	s0 =	sshrl.u32 @!p2 s0, $0x2  }
0x3a: {  	s3 =	sadd.s32 @!p2 s3, s14;
	s2 =	simm.s32 @!p3 $0x0;
	s0 =	sadd.s32 @!p2 $0xA948, s0  }
0x3b: {  	[tilespmem:s0], [sflag:$0xA] =	stream.linear.gather @!p2 [hbm4b:s3+s4], s2, $0x38;
	[tilespmem:$0x1EF88] =	vst v63  }
0x3c: {  	s4 =	sadd.s32 $0xFFFFFFFF, s22  }
0x3d: {  	p2 =	sge.u32 s4, s13  }
0x3e: {  	p3 =	sgt.s32 @!p2 s20, $0xC210  }
0x3f: {  	s0 =	smov.u32 s20;
	s2 =	sshra.s32 @!p2 s20, $0x1F;
	p3 =	por !p3, p2  }
0x40: {  	s2 =	sand.u32 @!p2 s2, s20;
	s0 =	simm.s32 @p3 $0xC210  }
0x41: {  	s0 =	ssub.s32 @!p2 s0, s2  }
0x42: {  	s0 =	sadd.s32 @!p2 $0xFFFF3DF0, s0  }
0x43: {  	s2 =	sshll.u32 @!p2 s0, $0x2  }
0x44: {  	p3 =	sgt.s32 @!p2 s0, $0x13F;
	s0 =	ssub.s32 @!p2 $0x500, s2  }
0x45: {  	p3 =	por !p3, p2;
	s0 =	sshrl.u32 @!p2 s0, $0x2  }
0x46: {  	s3 =	simm.s32 @!p2 $0xA;
	s2 =	sand.u32 @!p2 $0x1, s4;
	s0 =	simm.s32 @!p3 $0x0  }
0x47: {  	s2 =	smul.u32 @!p2 $0x500, s2;
	_ =	swait.ge @!p2 [sflag:s3], s0  }
0x48: {  	s5 =	ssub.s32 @!p2 $0x0, s0;
	[sflag:s3] =	ssyncset.done @!p2 $0x0  }
0x49: {  	s2 =	sshrl.u32 @!p2 s2, $0x2;
	[sflag:s3] =	ssyncadd.s32 @!p2 s5;
	s3 =	sshrl.u32 @!p2 s20, $0x3  }
0x4a: {  	s2 =	sadd.s32 @!p2 $0xAD08, s2;
	s5 =	sand.u32 @!p2 $0x7, s20;
	s3 =	sadd.s32 @!p2 s3, s15  }
0x4b: {  	[tilespmem:s2], [sflag:$0xB] =	stream.linear.gather @!p2 [hbm4b:s3+s5], s0, $0x38;
	[tilespmem:$0x1EF88] =	vst v63  }
0x4c: {  	s0 =	ssub.s32 @!p2 $0xC350, s20  }
0x4d: {  	p3 =	slt.s32 @!p2 s0, $0x1  }
0x4e: {  	p3 =	por p2, p3  }
.Ltmp3:
0x4f: {  	_ = 	snop;
	(pc) =	sbr.rel @p3 .LBB2_9-.Ltmp3, $1  }
0x50: {  	_ =	sdelay $0x3  }
0x51: {  	s2 =	smulhi.u32 $0xAAAAAAAB, s4;
	_ =	sdelay $0x1  }
0x52: {  	s2 =	sshrl.u32 s2, $0x1  }
0x53: {  	s2 =	smul.u32 $0x3, s2;
	_ =	sdelay $0x1  }
0x54: {  	s2 =	ssub.s32 s4, s2  }
0x55: {  	s3 =	simm.s32 $0x1;
	s2 =	smul.u32 $0x500, s2  }
.Ltmp4:
0x56: {  	s3 =	simm.s32 @!p0 $0x0;
	(pc) =	sbr.rel .LBB2_6-.Ltmp4, $4  }
0x57: {  	s3 =	smul.u32 $0x28000, s3  }
0x58: {  	p3 =	slt.s32 @!p2 s0, $0x140;
	s2 =	sshrl.u32 s2, $0x2  }
0x59: {  	p2 =	por !p3, p2;
	s3 =	sshrl.u32 s3, $0x2;
	s2 =	sadd.s32 $0xA948, s2  }
0x5a: {  	s24 =	simm.s32 $0x0;
	s0 =	simm.s32 @p2 $0x140;
	s4 =	sadd.s32 $0xAF88, s3;
	v1 =	vmov s2  }
.LBB2_5:
0x5b: {  	p2 =	sge.s32 s24, s0  }
.Ltmp5:
0x5c: {  	_ = 	snop;
	(pc) =	sbr.rel @p2 .LBB2_9-.Ltmp5, $2  }
0x5d: {  	_ =	sdelay $0x2  }
0x5e: {  	s4 =	sadd.s32 $0x800, s4  }
.LBB2_6:
0x5f: {  	p2 =	sle.s32 s0, s24  }
.Ltmp6:
0x60: {  	_ = 	snop;
	(pc) =	sbr.rel @p2 .LBB2_5-.Ltmp6, $2  }
0x61: {  	_ =	sdelay $0x2  }
0x62: {  	s5 =	smov.u32 s24;
	s24 =	sadd.s32 $0x10, s24  }
0x63: {  	s2 =	ssub.s32 s0, s5  }
0x64: {  	p2 =	slt.s32 s2, $0x10  }
0x65: {  	s2 =	simm.s32 @!p2 $0x10  }
0x66: {  	v2 =	vmov s2  }
0x67: {  	vm0 =	vgt.s32 v2, v0;
	_ =	sdelay $0x5  }
0x68: {  	v2 =	vld.idx.msk [tilespmem:v1+s5+$0x0 ss:$0x1], vm0;
	_ =	sdelay $0x2  }
0x69: {  	p2 =	slt.s32 s24, s0;
	s2 =	smov.u32 s0  }
0x6a: {  	s3 =	smov.u32 s4;
	s25 =	simm.s32 $0x0;
	s2 =	smov.u32 @p2 s24  }
.LBB2_8:
0x6b: {  	(v2sf) =	vpush v2, s25;
	_ =	sdelay $0xc  }
0x6c: {  	s25 =	sadd.s32 $0x1, s25  }
0x6d: {  	s31 =	sadd.s32 s25, s5  }
0x6e: {  	p2 =	slt.s32 s31, s2;
	s9 =	spop (v2sf)  }
.Ltmp7:
0x6f: {  	s9 =	sshll.u32 s9, $0x4;
	(pc) =	sbr.rel @p2 .LBB2_8-.Ltmp7, $4  }
0x70: {  	s9 =	sand.u32 $0x1FFFFFF0, s9  }
0x71: {  	s9 =	sadd.s32 s6, s9  }
0x72: {  	[tilespmem:s3], [sflag:$0x9] =	stream.linear.gather [hbm4b:s9+s18], $0x40, $0x38;
	[tilespmem:$0x1EF88] =	vst v63  }
0x73: {  	s3 =	sadd.s32 $0x80, s3  }
.Ltmp8:
0x74: {  	_ = 	snop;
	(pc) =	sbr.rel .LBB2_5-.Ltmp8, $1  }
0x75: {  	_ =	sdelay $0x3  }
.LBB2_9:
0x76: {  	p2 =	slt.u32 s22, $0x2  }
.Ltmp9:
0x77: {  	_ = 	snop;
	(pc) =	sbr.rel @p2 .LBB2_27-.Ltmp9, $1  }
0x78: {  	_ =	sdelay $0x3  }
0x79: {  	p2 =	sgt.s32 s23, $0xC210  }
0x7a: {  	s0 =	smov.u32 s23;
	s2 =	sshra.s32 s23, $0x1F;
	s3 =	ssub.s32 $0xC350, s23  }
0x7b: {  	s0 =	simm.s32 @!p2 $0xC210;
	s2 =	sand.u32 s2, s23;
	p2 =	slt.s32 s3, $0x140  }
0x7c: {  	s0 =	ssub.s32 s0, s2;
	s3 =	simm.s32 @!p2 $0x140  }
0x7d: {  	s0 =	sadd.s32 $0xFFFF3DF0, s0;
	s10 =	sshll.u32 s3, $0x6  }
0x7e: {  	s26 =	simm.s32 $0x9;
	s24 =	sshll.u32 s0, $0x2;
	s2 =	sand.u32 $0x3FFFFFC0, s10  }
0x7f: {  	p2 =	sgt.s32 s0, $0x13F;
	s25 =	ssub.s32 $0x500, s24;
	_ =	swait.ge [sflag:s26], s2  }
0x80: {  	s2 =	ssub.s32 $0x0, s2;
	[sflag:s26] =	ssyncset.done $0x0;
	s0 =	sshrl.u32 s25, $0x2  }
0x81: {  	[sflag:s26] =	ssyncadd.s32 s2;
	s0 =	simm.s32 @p2 $0x0  }
0x82: {  	_ =	swait.ge [sflag:s11], s0  }
0x83: {  	s0 =	ssub.s32 $0x0, s0;
	[sflag:s11] =	ssyncset.done $0x0  }
0x84: {  	[sflag:s11] =	ssyncadd.s32 s0  }
0x85: {  	v1 =	vld [tilespmem:$0xA108];
	_ =	sdelay $0x4  }
0x86: {  	(v2sf) =	vpush v1, $0x0  }
0x87: {  	(v2sf) =	vpush v1, $0x1  }
0x88: {  	(v2sf) =	vpush v1, $0x2;
	_ =	sdelay $0x3  }
0x89: {  	s0 =	sadd.s32 $0x140, s23  }
0x8a: {  	s2 =	ssub.s32 $0x186A0, s23;
	p2 =	slt.s32 s8, s0  }
0x8b: {  	s0 =	smov.u32 @p2 s8;
	p2 =	sgt.s32 s2, $0x0  }
0x8c: {  	s0 =	ssub.s32 s0, s23;
	s2 =	simm.s32 @!p2 $0x0  }
0x8d: {  	p2 =	slt.s32 s2, s0  }
0x8e: {  	s0 =	smov.u32 @p2 s2  }
0x8f: {  	s26 =	simm.s32 $0x1;
	p2 =	slt.s32 s0, $0x1  }
.Ltmp10:
0x90: {  	s26 =	simm.s32 @!p1 $0x0;
	(pc) =	sbr.rel @p2 .LBB2_14-.Ltmp10, $4  }
0x91: {  	s30 =	smul.u32 $0x500, s26  }
0x92: {  	s28 =	spop (v2sf)  }
0x93: {  	s31 =	sshrl.u32 s30, $0x2;
	s29 =	spop (v2sf)  }
0x94: {  	s24 =	sadd.s32 $0xAD08, s31;
	s23 =	spop (v2sf)  }
0x95: {  	s2 =	smin.u32 s0, $0x10  }
0x96: {  	v1 =	vmov s2  }
0x97: {  	p3 =	sgt.s32 s0, $0x10;
	vm1 =	vgt.u32 v1, v0  }
.Ltmp11:
0x98: {  	_ = 	snop;
	(pc) =	sbr.rel @!p3 .LBB2_13-.Ltmp11, $2  }
0x99: {  	_ =	sdelay $0x2  }
0x9a: {  	s5 =	simm.s32 $0x10;
	s25 =	sadd.s32 $0xFFFFFFF0, s0;
	s4 =	smov.u32 s24;
	vm0 =	vmmov vm1  }
.LBB2_12:
0x9b: {  	s2 =	smin.u32 s25, $0x10;
	s5 =	sadd.s32 $0x10, s5;
	v1 =	vld.msk [tilespmem:s4+$0x0 ss:$0x1], vm1  }
0x9c: {  	v2 =	vmov s2;
	p3 =	slt.s32 s5, s0  }
0x9d: {  	vm1 =	vgt.u32 v2, v0  }
.Ltmp12:
0x9e: {  	(pc) =	sbr.rel @p3 .LBB2_12-.Ltmp12, $3  }
0x9f: {  	_ =	sdelay $0x1  }
0xa0: {  	v1 =	vshll.u32 v1, $0x4  }
0xa1: {  	s25 =	sadd.s32 $0xFFFFFFF0, s25;
	[tilespmem:s4+$0x0] =	vst.msk vm0, v1;
	s4 =	sadd.s32 $0x10, s4;
	vm0 =	vmmov vm1  }
.LBB2_13:
0xa2: {  	_ =	sdelay $0x4  }
0xa3: {  	v1 =	vld.msk [tilespmem:s4+$0x0 ss:$0x1], vm1;
	_ =	sdelay $0x4  }
0xa4: {  	v1 =	vshll.u32 v1, $0x4  }
0xa5: {  	[tilespmem:s4+$0x0] =	vst.msk vm0, v1  }
.LBB2_14:
0xa6: {  	s2 =	sand.u32 $0x1, s22  }
0xa7: {  	s3 =	smul.u32 $0xA000, s2  }
0xa8: {  	p3 =	sne.s32 s29, $0xFFFFFFFF;
	s2 =	smul.u32 $0x140, s2  }
0xa9: {  	v1 =	vld @!p3 [tilespmem:s3+$0xAF88]  }
0xaa: {  	v2 =	vld.msk @!p3 [tilespmem:s2+$0xAD08], $0x1;
	_ =	sdelay $0x3  }
0xab: {  	[tilespmem:$0x88] =	vst @!p3 v1  }
0xac: {  	(v2sf) =	vpush @!p3 v2, $0x0;
	v1 =	vld @!p3 [tilespmem:s3+$0xAF98];
	_ =	sdelay $0x4  }
0xad: {  	[tilespmem:$0x98] =	vst @!p3 v1  }
0xae: {  	v1 =	vld @!p3 [tilespmem:s3+$0xAFA8];
	_ =	sdelay $0x4  }
0xaf: {  	[tilespmem:$0xA8] =	vst @!p3 v1  }
0xb0: {  	v1 =	vld @!p3 [tilespmem:s3+$0xAFB8]  }
.Ltmp13:
0xb1: {  	_ = 	snop;
	(pc) =	sbr.rel @p2 .LBB2_25-.Ltmp13, $4  }
0xb2: {  	_ = 	snop  }
0xb3: {  	s30 =	spop @!p3 (v2sf)  }
0xb4: {  	s23 =	simm.s32 @!p3 $0x0;
	s25 =	smov.u32 s30  }
0xb5: {  	s30 =	smov.u32 @p3 s28;
	s25 =	smov.u32 @p3 s29;
	[tilespmem:$0xB8] =	vst @!p3 v1;
	[sflag:s19] =	ssyncpa.u1 $0x0  }
0xb6: {  	v1 =	vld.msk [tilespmem:s24+$0x0], $0x1;
	_ =	sdelay $0x4  }
0xb7: {  	(v2sf) =	vpush v1, $0x0;
	_ =	sdelay $0xe  }
0xb8: {  	s2 =	smul.u32 $0x28000, s26;
	s4 =	spop (v2sf)  }
0xb9: {  	s28 =	ssub.s32 $0x0, s0;
	p2 =	seq.s32 s30, s4  }
0xba: {  	s0 =	sadd.s32 $0x1, s28;
	s2 =	sshrl.u32 s2, $0x2;
	p3 =	sgt.s32 @!p2 s30, $0x0  }
0xbb: {  	s26 =	sadd.s32 $0xAFA8, s2;
	s2 =	smov.u32 s30;
	p3 =	por !p3, p2  }
0xbc: {  	s2 =	simm.s32 @p3 $0x0;
	p3 =	seq.s32 s0, $0x0  }
.Ltmp14:
0xbd: {  	_ = 	snop;
	(pc) =	sbr.rel @p3 .LBB2_17-.Ltmp14, $4  }
0xbe: {  	_ = 	snop  }
0xbf: {  	s29 =	simm.s32 $0x0;
	s5 =	simm.s32 @!p2 $0x1;
	s3 =	smin.u32 @!p2 s2, $0x270F8  }
0xc0: {  	s31 =	sadd.s32 $0x1, s24;
	s5 =	smov.u32 @p2 s29;
	s9 =	sand.u32 @!p2 $0x3FFF8, s3  }
0xc1: {  	s2 =	simm.s32 @!p2 $0x50C8;
	s3 =	sand.u32 @!p2 $0x7, s3;
	s9 =	sadd.s32 @!p2 s1, s9  }
.LBB2_16:
0xc2: {  	s10 =	smov.u32 s5  }
0xc3: {  	[tilespmem:s2], [sflag:$0x2] =	stream.linear.gather @!p2 [hbm4b:s9+s3], $0x40, $0x38;
	[tilespmem:$0x1EF88] =	vst v63  }
0xc4: {  	s0 =	sadd.s32 $0x1, s0;
	s3 =	smov.u32 s4;
	v1 =	vld.msk [tilespmem:s31+$0x0], $0x1  }
0xc5: {  	p3 =	seq.s32 s0, $0x0;
	_ =	sdelay $0x3  }
0xc6: {  	(v2sf) =	vpush v1, $0x0;
	_ =	sdelay $0xe  }
0xc7: {  	s4 =	spop (v2sf)  }
0xc8: {  	p2 =	seq.s32 s3, s4  }
0xc9: {  	p4 =	sgt.s32 @!p2 s3, $0x0;
	s2 =	sshll.u32 @!p2 s5, $0x8;
	s5 =	sadd.s32 @!p2 $0x1, s5  }
.Ltmp15:
0xca: {  	p4 =	por !p4, p2;
	s2 =	sshra.s32 @!p2 s2, $0x2;
	(pc) =	sbr.rel @!p3 .LBB2_16-.Ltmp15, $4  }
0xcb: {  	s5 =	smov.u32 @p2 s10;
	s3 =	simm.s32 @p4 $0x0;
	s2 =	sadd.s32 @!p2 $0x50C8, s2  }
0xcc: {  	s3 =	smin.u32 @!p2 s3, $0x270F8  }
0xcd: {  	s9 =	sand.u32 @!p2 $0x3FFF8, s3;
	s3 =	sand.u32 @!p2 $0x7, s3  }
0xce: {  	s31 =	sadd.s32 $0x1, s31;
	s9 =	sadd.s32 @!p2 s1, s9  }
.LBB2_17:
0xcf: {  	[tilespmem:s2], [sflag:$0x2] =	stream.linear.gather @!p2 [hbm4b:s9+s3], $0x40, $0x38;
	[tilespmem:$0x1EF88] =	vst v63  }
.Ltmp16:
0xd0: {  	s0 =	sshll.u32 s5, $0x6;
	(pc) =	sbr.rel .LBB2_18-.Ltmp16, $4  }
0xd1: {  	s31 =	simm.s32 $0x2;
	s0 =	sand.u32 $0x3FFFFFC0, s0  }
0xd2: {  	_ =	swait.ge [sflag:s31], s0  }
0xd3: {  	s0 =	ssub.s32 $0x0, s0;
	[sflag:s31] =	ssyncset.done $0x0  }
0xd4: {  	[sflag:s31] =	ssyncadd.s32 s0;
	s0 =	simm.s32 $0x0  }
.LBB2_19:
0xd5: {  	v1 =	vld [tilespmem:s26+$0xFFFFFFE0]  }
0xd6: {  	v2 =	vld [tilespmem:s4+$0x88];
	_ =	sdelay $0x4  }
0xd7: {  	v1 =	vmax.f32 v1, v2  }
0xd8: {  	v2 =	vld [tilespmem:s4+$0x98];
	[tilespmem:s4+$0x88] =	vst v1  }
0xd9: {  	v1 =	vld [tilespmem:s26+$0xFFFFFFF0];
	_ =	sdelay $0x4  }
0xda: {  	v1 =	vmax.f32 v1, v2  }
0xdb: {  	v2 =	vld [tilespmem:s4+$0xA8];
	[tilespmem:s4+$0x98] =	vst v1  }
0xdc: {  	v1 =	vld [tilespmem:s26+$0x0];
	_ =	sdelay $0x4  }
0xdd: {  	v1 =	vmax.f32 v1, v2  }
0xde: {  	v2 =	vld [tilespmem:s4+$0xB8];
	[tilespmem:s4+$0xA8] =	vst v1  }
0xdf: {  	v1 =	vld [tilespmem:s26+$0x10];
	_ =	sdelay $0x4  }
0xe0: {  	v1 =	vmax.f32 v1, v2  }
0xe1: {  	[tilespmem:s4+$0xB8] =	vst v1  }
.LBB2_23:
0xe2: {  	s28 =	sadd.s32 $0x1, s28  }
0xe3: {  	p2 =	seq.s32 s28, $0x0  }
.Ltmp17:
0xe4: {  	_ = 	snop;
	(pc) =	sbr.rel @p2 .LBB2_24-.Ltmp17, $2  }
0xe5: {  	_ =	sdelay $0x2  }
0xe6: {  	s26 =	sadd.s32 $0x80, s26;
	s24 =	sadd.s32 $0x1, s24;
	s30 =	smov.u32 s31  }
.LBB2_18:
0xe7: {  	v1 =	vld.msk [tilespmem:s24+$0x0], $0x1;
	_ =	sdelay $0x4  }
0xe8: {  	(v2sf) =	vpush v1, $0x0;
	_ =	sdelay $0xe  }
0xe9: {  	s31 =	spop (v2sf)  }
0xea: {  	p2 =	sne.s32 s30, s31  }
.Ltmp18:
0xeb: {  	_ = 	snop;
	(pc) =	sbr.rel @!p2 .LBB2_19-.Ltmp18, $3  }
0xec: {  	_ =	sdelay $0x1  }
0xed: {  	s2 =	sshll.u32 s23, $0x8  }
0xee: {  	s4 =	sshra.s32 s2, $0x2  }
0xef: {  	p2 =	seq.s32 s30, s25  }
.Ltmp19:
0xf0: {  	_ = 	snop;
	(pc) =	sbr.rel @!p2 .LBB2_21-.Ltmp19, $1  }
0xf1: {  	_ =	sdelay $0x3  }
.Ltmp20:
0xf2: {  	s2 =	sadd.s32 $0x88, s4;
	(pc) =	sbr.rel .LBB2_22-.Ltmp20, $4  }
0xf3: {  	[spmem:s16] =	stream.linear.scatter [tilespmem:s2], [sflag:$0x1], $0x40, $0x38;
	[tilespmem:$0x1EF88] =	vst v63  }
0xf4: {  	_ =	swait.ge [sflag:s12], $0x40  }
0xf5: {  	[sflag:s12] =	ssyncset.done $0x0  }
0xf6: {  	[sflag:s12] =	ssyncadd.s32 $0xFFFFFFC0  }
.LBB2_21:
0xf7: {  	s2 =	sshll.u32 s29, $0x8  }
0xf8: {  	v2 =	vld [tilespmem:s4+$0x88];
	s2 =	sshra.s32 s2, $0x2  }
0xf9: {  	v1 =	vld [tilespmem:s2+$0x50C8];
	_ =	sdelay $0x4  }
0xfa: {  	v1 =	vmax.f32 v1, v2  }
0xfb: {  	v2 =	vld [tilespmem:s4+$0x98];
	[tilespmem:s4+$0x88] =	vst v1  }
0xfc: {  	v1 =	vld [tilespmem:s2+$0x50D8];
	_ =	sdelay $0x4  }
0xfd: {  	v1 =	vmax.f32 v1, v2  }
0xfe: {  	v2 =	vld [tilespmem:s4+$0xA8];
	[tilespmem:s4+$0x98] =	vst v1  }
0xff: {  	v1 =	vld [tilespmem:s2+$0x50E8];
	_ =	sdelay $0x4  }
0x100: {  	v1 =	vmax.f32 v1, v2  }
0x101: {  	v2 =	vld [tilespmem:s4+$0xB8];
	[tilespmem:s4+$0xA8] =	vst v1  }
0x102: {  	v1 =	vld [tilespmem:s2+$0x50F8];
	_ =	sdelay $0x3  }
0x103: {  	p2 =	sgt.u32 s30, $0x270F8  }
0x104: {  	s2 =	sand.u32 @!p2 $0x3FFF8, s30;
	v1 =	vmax.f32 v1, v2  }
0x105: {  	s3 =	sadd.s32 $0x88, s4;
	s2 =	sadd.s32 @!p2 s1, s2;
	[tilespmem:s4+$0xB8] =	vst v1;
	s4 =	sand.u32 @!p2 $0x7, s30  }
0x106: {  	[hbm4b:s2+s4] =	stream.linear.scatter @!p2 [tilespmem:s3], [sflag:$0xC], $0x40, $0x38;
	[tilespmem:$0x1EF88] =	vst v63  }
0x107: {  	s2 =	simm.s32 $0x0  }
0x108: {  	s2 =	simm.s32 @!p2 $0x100  }
0x109: {  	s0 =	sadd.s32 s2, s0  }
.LBB2_22:
0x10a: {  	s2 =	sadd.s32 $0x1, s23  }
0x10b: {  	s3 =	smulhi.u32 $0xCCCCCCCD, s2;
	_ =	sdelay $0x1  }
0x10c: {  	v1 =	vld [tilespmem:s26+$0xFFFFFFE0];
	s3 =	sshrl.u32 s3, $0x8  }
0x10d: {  	s3 =	smul.u32 $0x140, s3;
	_ =	sdelay $0x1  }
0x10e: {  	s23 =	ssub.s32 s2, s3  }
0x10f: {  	s2 =	sshll.u32 s23, $0x6  }
0x110: {  	[tilespmem:s2+$0x88] =	vst v1  }
0x111: {  	v1 =	vld [tilespmem:s26+$0xFFFFFFF0];
	_ =	sdelay $0x4  }
0x112: {  	[tilespmem:s2+$0x98] =	vst v1  }
0x113: {  	v1 =	vld [tilespmem:s26+$0x0];
	_ =	sdelay $0x4  }
0x114: {  	[tilespmem:s2+$0xA8] =	vst v1  }
0x115: {  	v1 =	vld [tilespmem:s26+$0x10]  }
.Ltmp21:
0x116: {  	_ = 	snop;
	(pc) =	sbr.rel .LBB2_23-.Ltmp21, $2  }
0x117: {  	_ =	sdelay $0x2  }
0x118: {  	s29 =	sadd.s32 $0x1, s29;
	[tilespmem:s2+$0xB8] =	vst v1  }
.LBB2_25:
.Ltmp22:
0x119: {  	(pc) =	sbr.rel .LBB2_26-.Ltmp22, $4  }
0x11a: {  	_ = 	snop  }
0x11b: {  	s0 =	simm.s32 $0x2  }
0x11c: {  	_ =	swait.ge [sflag:s0], $0x0  }
0x11d: {  	s31 =	smov.u32 s30;
	[sflag:s0] =	ssyncset.done $0x0;
	s0 =	simm.s32 $0x0  }
.LBB2_28:
0x11e: {  	_ =	sfence.sel $0x180000  }
0x11f: {  	s0 =	simm.s32 $0x9;
	[bflag:$0x0] =	sbarrier.arrive $0xFFFF  }
0x120: {  	s24 =	simm.s32 $0xA;
	[sflag:s0] =	ssyncpa.u1 $0x1  }
0x121: {  	s25 =	simm.s32 $0xB;
	[sflag:s24] =	ssyncpa.u1 $0x1  }
0x122: {  	s26 =	simm.s32 $0x2;
	[sflag:s25] =	ssyncpa.u1 $0x1  }
0x123: {  	[sflag:s26] =	ssyncpa.u1 $0x1  }
0x124: {  	v0 =	vld [tilespmem:$0xA108];
	_ =	sdelay $0x4  }
0x125: {  	(v2sf) =	vpush v0, $0x0  }
0x126: {  	(v2sf) =	vpush v0, $0x1;
	_ =	sdelay $0x1  }
0x127: {  	(v2sf) =	vpush v0, $0x2;
	_ =	sdelay $0xb  }
0x128: {  	s0 =	spop (v2sf)  }
0x129: {  	s2 =	spop (v2sf)  }
0x12a: {  	s3 =	smov.u32 s0;
	p0 =	sne.s32 s0, s2  }
0x12b: {  	s4 =	spop (v2sf);
	s3 =	simm.s32 @!p0 $0xFFFFFFFF  }
0x12c: {  	v2 =	vimm.s32 $0x1;
	v3 =	vlaneseq.u32;
	p0 =	seq.s32 s4, $0xFFFFFFFF;
	v1 =	vmov s3  }
0x12d: {  	s15 =	stileid.u32;
	v0 =	vperm.xlane v0, v2;
	p1 =	sne.s32 @!p0 s0, s2;
	v1 =	vperm.xlane v1, v3  }
0x12e: {  	vm0 =	vcmask $0x3F04;
	s6 =	simm.s32 $0xA108;
	s0 =	simm.s32 @!p0 $0x1;
	p1 =	por !p1, p0  }
0x12f: {  	s3 =	sshll.u32 s15, $0x1;
	s2 =	sshll.u32 @!p0 s4, $0x8;
	s0 =	simm.s32 @p1 $0x0;
	v0 =	vsel vm0, v1, v0  }
0x130: {  	s5 =	sor.u32 $0x800, s3;
	s2 =	sshra.s32 @!p0 s2, $0x2;
	s0 =	sor.u32 @!p0 s0, s3;
	[tilespmem:$0xA108] =	vst v0  }
0x131: {  	[spmem:s5] =	stream.linear.scatter [tilespmem:s6], [sflag:$0x1], $0x2, $0x38;
	[tilespmem:$0x1EF88] =	vst v63  }
0x132: {  	s2 =	sadd.s32 @!p0 $0x88, s2;
	s0 =	sshll.u32 @!p0 s0, $0x6  }
0x133: {  	[spmem:s0] =	stream.linear.scatter @!p0 [tilespmem:s2], [sflag:$0x1], $0x40, $0x38;
	[tilespmem:$0x1EF88] =	vst v63  }
0x134: {  	s0 =	simm.s32 @!p0 $0x42  }
0x135: {  	s28 =	simm.s32 $0x1;
	s0 =	simm.s32 @p0 $0x2  }
0x136: {  	_ =	swait.ge [sflag:s28], s0  }
0x137: {  	s0 =	ssub.s32 $0x0, s0;
	[sflag:s28] =	ssyncset.done $0x0  }
0x138: {  	p0 =	sne.s32 s15, $0x0;
	[sflag:s28] =	ssyncadd.s32 s0  }
.Ltmp23:
0x139: {  	_ =	sfence.stream.spmem;
	(pc) =	sbr.rel @p0 .LBB2_45-.Ltmp23, $4  }
0x13a: {  	s29 =	simm.s32 $0x3;
	[bflag:$0x0] =	sbarrier.arrive $0xFFFF  }
0x13b: {  	s30 =	simm.s32 $0x4;
	[sflag:s29] =	ssyncpa.u1 $0x1  }
0x13c: {  	s31 =	simm.s32 $0x3C;
	[sflag:s30] =	ssyncpa.u1 $0x1  }
0x13d: {  	s14 =	rddreg [dreg:$0x4];
	[sflag:s31] =	ssyncpa.u1 $0x1  }
0x13e: {  	_ =	sfence.stream.spmem;
	s0 =	simm.s32 $0x5  }
0x13f: {  	s2 =	simm.s32 $0x800;
	s3 =	simm.s32 $0xA118;
	[sflag:s0] =	ssyncpa.u1 $0x0  }
0x140: {  	[tilespmem:s3], [sflag:$0x5] =	stream.linear.gather [spmem:s2], $0x20, $0x38;
	[tilespmem:$0x1EF88] =	vst v63  }
0x141: {  	s26 =	simm.s32 $0x0;
	s28 =	simm.s32 $0xA138  }
0x142: {  	[tilespmem:s28], [sflag:$0x5] =	stream.linear.gather [spmem:s26], $0x800, $0x38;
	[tilespmem:$0x1EF88] =	vst v63  }
0x143: {  	_ =	swait.ge [sflag:s0], $0x820  }
0x144: {  	[sflag:s0] =	ssyncset.done $0x0  }
0x145: {  	s29 =	simm.s32 $0x0;
	[sflag:s0] =	ssyncadd.s32 $0xFFFFF7E0  }
0x146: {  	v0 =	vld.msk [tilespmem:s29+$0xA118], $0x1;
	_ =	sdelay $0x1  }
0x147: {  	s30 =	simm.s32 $0x1  }
0x148: {  	v1 =	vld.msk [tilespmem:s30+$0xA118], $0x1;
	_ =	sdelay $0x1  }
0x149: {  	(v2sf) =	vpush v0, $0x0;
	_ =	sdelay $0x2  }
0x14a: {  	(v2sf) =	vpush v1, $0x0;
	_ =	sdelay $0x2  }
0x14b: {  	s31 =	simm.s32 $0x2  }
0x14c: {  	v0 =	vld.msk [tilespmem:s31+$0xA118], $0x1;
	_ =	sdelay $0x2  }
0x14d: {  	s4 =	simm.s32 $0xFFFFFFFF;
	s2 =	simm.s32 $0xFFFFFFFF;
	s0 =	simm.s32 $0xC  }
.LBB2_30:
0x14e: {  	s3 =	smov.u32 s4;
	s5 =	smov.u32 s2  }
0x14f: {  	s2 =	sshra.s32 s0, $0x2;
	p1 =	sne.s32 s0, $0x7C;
	s0 =	sadd.s32 $0x4, s0;
	(v2sf) =	vpush v0, $0x0  }
0x150: {  	v0 =	vld.msk [tilespmem:s2+$0xA118], $0x1  }
.Ltmp24:
0x151: {  	(pc) =	sbr.rel @p1 .LBB2_30-.Ltmp24, $4  }
0x152: {  	s4 =	spop (v2sf)  }
0x153: {  	p2 =	sne.s32 s5, $0xFFFFFFFF;
	s2 =	smov.u32 s4  }
0x154: {  	p3 =	seq.s32 s4, $0xFFFFFFFF;
	s2 =	smov.u32 @p2 s5  }
0x155: {  	s4 =	smov.u32 @p3 s3;
	s2 =	smov.u32 @p3 s5  }
0x156: {  	(v2sf) =	vpush v0, $0x0;
	_ =	sdelay $0x8  }
0x157: {  	s0 =	spop (v2sf)  }
0x158: {  	p1 =	sne.s32 s2, $0xFFFFFFFF;
	s3 =	smov.u32 s0  }
0x159: {  	s9 =	simm.s32 $0x6;
	p2 =	seq.s32 s0, $0xFFFFFFFF;
	s3 =	smov.u32 @p1 s2  }
0x15a: {  	s6 =	simm.s32 $0x0;
	s3 =	smov.u32 @p2 s2;
	s2 =	spop (v2sf)  }
0x15b: {  	s0 =	smov.u32 @p2 s4;
	p1 =	sne.s32 s3, $0xFFFFFFFF;
	s5 =	smov.u32 s2  }
.Ltmp25:
0x15c: {  	p2 =	seq.s32 s2, $0xFFFFFFFF;
	s5 =	smov.u32 @p1 s3;
	(pc) =	sbr.rel .LBB2_32-.Ltmp25, $4  }
0x15d: {  	s10 =	simm.s32 $0xA0C8;
	s5 =	smov.u32 @p2 s3;
	s7 =	spop (v2sf)  }
0x15e: {  	s11 =	simm.s32 $0x0;
	p1 =	sne.s32 s5, $0xFFFFFFFF;
	s8 =	smov.u32 s7  }
0x15f: {  	s2 =	smov.u32 @p2 s0;
	p2 =	seq.s32 s7, $0xFFFFFFFF;
	s8 =	smov.u32 @p1 s5  }
0x160: {  	[sflag:s9] =	ssyncpa.u1 $0x0;
	s7 =	smov.u32 @p2 s2;
	s8 =	smov.u32 @p2 s5  }
.LBB2_38:
0x161: {  	p1 =	sgt.u32 s0, $0x270F8  }
0x162: {  	p2 =	seq.s32 @!p1 s0, s8  }
0x163: {  	p1 =	por p1, p2  }
0x164: {  	p2 =	sne.s32 @!p1 s0, s7  }
0x165: {  	p1 =	por p1, !p2  }
0x166: {  	s0 =	sshll.u32 @p1 s11, $0x8  }
0x167: {  	s2 =	sand.u32 @!p1 $0x3FFF8, s0  }
0x168: {  	s0 =	sand.u32 @!p1 $0x7, s0;
	s2 =	sadd.s32 @!p1 s1, s2  }
0x169: {  	[tilespmem:s10], [sflag:$0x6] =	stream.linear.gather @!p1 [hbm4b:s2+s0], $0x40, $0x38;
	[tilespmem:$0x1EF88] =	vst v63  }
0x16a: {  	_ =	swait.ge @!p1 [sflag:s9], $0x40  }
0x16b: {  	[sflag:s9] =	ssyncset.done @!p1 $0x0  }
0x16c: {  	s0 =	sshll.u32 @!p1 s11, $0x8;
	[sflag:s9] =	ssyncadd.s32 @!p1 $0xFFFFFFC0  }
0x16d: {  	s2 =	sshrl.u32 @!p1 s0, $0x2;
	v1 =	vld @!p1 [tilespmem:$0xA0C8]  }
0x16e: {  	v2 =	vld @!p1 [tilespmem:s2+$0xA138];
	_ =	sdelay $0x4  }
0x16f: {  	v1 =	vmax.f32 @!p1 v1, v2  }
0x170: {  	v2 =	vld @!p1 [tilespmem:s2+$0xA148];
	[tilespmem:s2+$0xA138] =	vst @!p1 v1  }
0x171: {  	v1 =	vld @!p1 [tilespmem:$0xA0D8];
	_ =	sdelay $0x4  }
0x172: {  	v1 =	vmax.f32 @!p1 v1, v2  }
0x173: {  	v2 =	vld @!p1 [tilespmem:s2+$0xA158];
	[tilespmem:s2+$0xA148] =	vst @!p1 v1  }
0x174: {  	v1 =	vld @!p1 [tilespmem:$0xA0E8];
	_ =	sdelay $0x4  }
0x175: {  	v1 =	vmax.f32 @!p1 v1, v2  }
0x176: {  	v2 =	vld @!p1 [tilespmem:s2+$0xA168];
	[tilespmem:s2+$0xA158] =	vst @!p1 v1  }
0x177: {  	v1 =	vld @!p1 [tilespmem:$0xA0F8];
	_ =	sdelay $0x4  }
0x178: {  	v1 =	vmax.f32 @!p1 v1, v2  }
0x179: {  	[tilespmem:s2+$0xA168] =	vst @!p1 v1  }
0x17a: {  	s0 =	sshrl.u32 s0, $0x2;
	[tilespmem:s6+$0xA118] =	vst.msk $0x1, v0  }
0x17b: {  	v0 =	vld [tilespmem:s0+$0xA138];
	_ =	sdelay $0x2  }
0x17c: {  	s31 =	sshll.u32 s6, $0x8  }
0x17d: {  	s2 =	sshra.s32 s31, $0x2  }
0x17e: {  	[tilespmem:s2+$0xA138] =	vst v0  }
0x17f: {  	v0 =	vld [tilespmem:s0+$0xA148];
	_ =	sdelay $0x4  }
0x180: {  	[tilespmem:s2+$0xA148] =	vst v0  }
0x181: {  	v0 =	vld [tilespmem:s0+$0xA158];
	_ =	sdelay $0x4  }
0x182: {  	[tilespmem:s2+$0xA158] =	vst v0  }
0x183: {  	v0 =	vld [tilespmem:s0+$0xA168];
	_ =	sdelay $0x4  }
0x184: {  	s6 =	sadd.s32 $0x1, s6;
	[tilespmem:s2+$0xA168] =	vst v0  }
.LBB2_39:
0x185: {  	s11 =	sadd.s32 $0x1, s11  }
0x186: {  	p1 =	sne.s32 s11, $0x20  }
.Ltmp26:
0x187: {  	_ = 	snop;
	(pc) =	sbr.rel @!p1 .LBB2_40-.Ltmp26, $1  }
0x188: {  	_ =	sdelay $0x3  }
.LBB2_32:
0x189: {  	v0 =	vld.msk [tilespmem:s11+$0xA118], $0x1;
	_ =	sdelay $0x4  }
0x18a: {  	(v2sf) =	vpush v0, $0x0;
	_ =	sdelay $0xe  }
0x18b: {  	s0 =	spop (v2sf)  }
0x18c: {  	p1 =	seq.s32 s0, $0xFFFFFFFF  }
.Ltmp27:
0x18d: {  	_ = 	snop;
	(pc) =	sbr.rel @p1 .LBB2_39-.Ltmp27, $1  }
0x18e: {  	_ =	sdelay $0x3  }
0x18f: {  	p1 =	slt.s32 s6, $0x1  }
.Ltmp28:
0x190: {  	_ = 	snop;
	(pc) =	sbr.rel @p1 .LBB2_38-.Ltmp28, $1  }
0x191: {  	_ =	sdelay $0x3  }
0x192: {  	s12 =	simm.s32 $0xA118;
	p1 =	por $0x0, $0x0  }
0x193: {  	v1 =	vld.msk @!p1 [tilespmem:s12+$0x0], $0x1;
	_ =	sdelay $0x4  }
0x194: {  	(v2sf) =	vpush @!p1 v1, $0x0;
	_ =	sdelay $0xd  }
0x195: {  	p3 =	sne.s32 s6, $0x1  }
.Ltmp29:
0x196: {  	s2 =	spop @!p1 (v2sf);
	(pc) =	sbr.rel @!p3 .LBB2_36-.Ltmp29, $4  }
0x197: {  	p2 =	seq.s32 @!p1 s0, s2  }
0x198: {  	s13 =	simm.s32 $0x0;
	p2 =	por !p2, p1  }
0x199: {  	s2 =	simm.s32 $0xFFFFFFFF;
	s13 =	simm.s32 @p2 $0xFFFFFFFF  }
0x19a: {  	s4 =	simm.s32 $0x1;
	s13 =	smov.u32 @p1 s2  }
.LBB2_35:
0x19b: {  	s2 =	smov.u32 s13;
	p1 =	sne.s32 s13, $0xFFFFFFFF  }
0x19c: {  	s12 =	sadd.s32 $0x1, s12;
	s13 =	smov.u32 s4;
	s4 =	sadd.s32 $0x1, s4  }
0x19d: {  	p2 =	sne.s32 s6, s4;
	v1 =	vld.msk @!p1 [tilespmem:s12+$0x0], $0x1;
	_ =	sdelay $0x4  }
0x19e: {  	(v2sf) =	vpush @!p1 v1, $0x0;
	_ =	sdelay $0xe  }
.Ltmp30:
0x19f: {  	s3 =	spop @!p1 (v2sf);
	(pc) =	sbr.rel @p2 .LBB2_35-.Ltmp30, $4  }
0x1a0: {  	p3 =	seq.s32 @!p1 s0, s3  }
0x1a1: {  	p3 =	por !p3, p1  }
0x1a2: {  	s13 =	simm.s32 @p3 $0xFFFFFFFF  }
0x1a3: {  	s13 =	smov.u32 @p1 s2  }
.LBB2_36:
0x1a4: {  	p1 =	seq.s32 s13, $0xFFFFFFFF  }
.Ltmp31:
0x1a5: {  	_ = 	snop;
	(pc) =	sbr.rel @p1 .LBB2_38-.Ltmp31, $1  }
0x1a6: {  	_ =	sdelay $0x3  }
0x1a7: {  	s0 =	sshll.u32 s11, $0x6  }
0x1a8: {  	s2 =	sshll.u32 s13, $0x8;
	s0 =	sand.u32 $0x3FFFFFC0, s0  }
0x1a9: {  	s2 =	sshra.s32 s2, $0x2;
	v0 =	vld [tilespmem:s0+$0xA138]  }
0x1aa: {  	v1 =	vld [tilespmem:s2+$0xA138];
	_ =	sdelay $0x4  }
0x1ab: {  	v0 =	vmax.f32 v0, v1  }
0x1ac: {  	v61 =	vld [tilespmem:s2+$0xA148];
	[tilespmem:s2+$0xA138] =	vst v0  }
0x1ad: {  	v0 =	vld [tilespmem:s0+$0xA148];
	_ =	sdelay $0x4  }
0x1ae: {  	v0 =	vmax.f32 v0, v61  }
0x1af: {  	v62 =	vld [tilespmem:s2+$0xA158];
	[tilespmem:s2+$0xA148] =	vst v0  }
0x1b0: {  	v0 =	vld [tilespmem:s0+$0xA158];
	_ =	sdelay $0x4  }
0x1b1: {  	v0 =	vmax.f32 v0, v62  }
0x1b2: {  	v63 =	vld [tilespmem:s2+$0xA168];
	[tilespmem:s2+$0xA158] =	vst v0  }
0x1b3: {  	v0 =	vld [tilespmem:s0+$0xA168];
	_ =	sdelay $0x1  }
.Ltmp32:
0x1b4: {  	_ = 	snop;
	(pc) =	sbr.rel .LBB2_39-.Ltmp32, $3  }
0x1b5: {  	_ =	sdelay $0x1  }
0x1b6: {  	v0 =	vmax.f32 v0, v63  }
0x1b7: {  	[tilespmem:s2+$0xA168] =	vst v0  }
.LBB2_40:
0x1b8: {  	s0 =	simm.s32 $0x6;
	p1 =	seq.s32 s6, $0x0  }
0x1b9: {  	[sflag:s0] =	ssyncpa.u1 $0x1;
	v0 =	vimm.s32 @p1 $0xFFFFFFFF  }
0x1ba: {  	s0 =	sadd.s32 $0xFFFFFFFF, s6;
	[tilespmem:$0xA938] =	vst @p1 v0  }
0x1bb: {  	v0 =	vld.msk @!p1 [tilespmem:s0+$0xA118], $0x1;
	_ =	sdelay $0x1  }
0x1bc: {  	v1 =	vld.msk @!p1 [tilespmem:$0xA118], $0x1;
	_ =	sdelay $0x2  }
0x1bd: {  	p2 =	seq.s32 @!p1 s0, $0x0;
	v0 =	vbroadcast @!p1 v0, $0x0  }
0x1be: {  	vm0 =	vmmov @!p1 $0x1;
	p2 =	por !p2, p1  }
0x1bf: {  	v1 =	vnsel @!p1 vm0, $0xFFFFFFFF, v1;
	vm0 =	vcmask @!p1 $0x308;
	v0 =	vpsel !p2, $0xFFFFFFFF, v0  }
0x1c0: {  	p2 =	sne.s32 @!p1 s8, s7;
	v0 =	vsel @!p1 vm0, v1, v0  }
0x1c1: {  	s2 =	simm.s32 @!p1 $0xA138;
	s3 =	simm.s32 @!p1 $0x0;
	p3 =	por !p2, p1;
	[tilespmem:$0xA938] =	vst @!p1 v0  }
0x1c2: {  	[spmem:s3] =	stream.linear.scatter @!p1 [tilespmem:s2], [sflag:$0x1], $0x40, $0x38;
	[tilespmem:$0x1EF88] =	vst v63  }
0x1c3: {  	s2 =	sshll.u32 @!p3 s0, $0x8  }
0x1c4: {  	s2 =	sshra.s32 @!p3 s2, $0x2  }
0x1c5: {  	s3 =	simm.s32 @!p3 $0x40;
	s2 =	sadd.s32 @!p3 $0xA138, s2  }
0x1c6: {  	[spmem:s3] =	stream.linear.scatter @!p3 [tilespmem:s2], [sflag:$0x1], $0x40, $0x38;
	[tilespmem:$0x1EF88] =	vst v63  }
0x1c7: {  	s2 =	simm.s32 @!p3 $0x1  }
0x1c8: {  	_ =	swait.ge @!p3 [sflag:s2], $0x80  }
0x1c9: {  	p1 =	por p2, p1;
	[sflag:s2] =	ssyncset.done @!p3 $0x0  }
0x1ca: {  	[sflag:s2] =	ssyncadd.s32 @!p3 $0xFFFFFF80;
	s2 =	simm.s32 @!p1 $0x1  }
0x1cb: {  	_ =	swait.ge @!p1 [sflag:s2], $0x40  }
0x1cc: {  	s29 =	simm.s32 $0xA938;
	[sflag:s2] =	ssyncset.done @!p1 $0x0  }
0x1cd: {  	s30 =	simm.s32 $0x800;
	s31 =	simm.s32 $0x1;
	[sflag:s2] =	ssyncadd.s32 @!p1 $0xFFFFFFC0  }
0x1ce: {  	[spmem:s30] =	stream.linear.scatter [tilespmem:s29], [sflag:$0x1], $0x10, $0x38;
	[tilespmem:$0x1EF88] =	vst v63  }
0x1cf: {  	_ =	swait.ge [sflag:s31], $0x10  }
0x1d0: {  	[sflag:s31] =	ssyncset.done $0x0  }
0x1d1: {  	p1 =	seq.s32 s14, $0x0;
	s9 =	rddreg [dreg:$0x1];
	[sflag:s31] =	ssyncadd.s32 $0xFFFFFFF0  }
0x1d2: {  	s3 =	sshll.u32 @p1 s9, $0xE;
	s8 =	rddreg [dreg:$0x2]  }
0x1d3: {  	s2 =	sadd.s32 @p1 $0x15C3C, s3;
	s3 =	sshll.u32 @p1 s8, $0x11  }
0x1d4: {  	_ =	sfence.stream.spmem;
	s2 =	sor.u32 @p1 s3, s2  }
0x1d5: {  	[sflag:s2] =	ssyncadd.remote.s32 @p1 $0x1;
	s2 =	simm.s32 @p1 $0x4  }
0x1d6: {  	s4 =	simm.s32 @!p1 $0x3C;
	s3 =	sand.u32 $0xFFFFFFFE, s9;
	_ =	swait.ge @p1 [sflag:s2], $0x12  }
0x1d7: {  	s5 =	simm.s32 @!p1 $0x0;
	s3 =	sadd.s32 @!p1 $0x4, s3;
	[sflag:s2] =	ssyncset.done @p1 $0x0  }
0x1d8: {  	s7 =	simm.s32 @!p1 $0x80;
	[sflag:s2] =	ssyncadd.s32 @p1 $0xFFFFFFEE;
	s2 =	sshll.u32 @!p1 s3, $0x1A  }
0x1d9: {  	s3 =	sshll.u32 @!p1 s3, $0xD;
	s2 =	sor.u32 @!p1 s2, s8;
	_ =	swait.eq @!p1 [sflag:s4], $0x1  }
0x1da: {  	s3 =	sor.u32 @!p1 $0x1C04, s3;
	s4 =	simm.s32 @!p1 $0x1C03;
	s2 =	sor.u32 @!p1 $0x80004000, s2  }
0x1db: {  	[spmem:s7], [sflag:s3] =	dma.general @!p1 [spmem:s5], [sflag:s4], length:$0x10, [dreg:$0x0], stride_count:$0x0, ici_dest:s2, dma_misc:DstOpCode:WRITE  }
0x1dc: {  	p2 =	slt.s32 s0, $0x2;
	s5 =	simm.s32 @!p1 $0x100;
	s7 =	simm.s32 @!p1 $0x102  }
0x1dd: {  	[spmem:s7], [sflag:s3] =	dma.general @!p1 [spmem:s5], [sflag:s4], length:$0x2, [dreg:$0x0], stride_count:$0x0, ici_dest:s2, dma_misc:DstOpCode:WRITE  }
.Ltmp33:
0x1de: {  	s2 =	simm.s32 @!p1 $0x3;
	(pc) =	sbr.rel @p2 .LBB2_44-.Ltmp33, $4  }
0x1df: {  	s3 =	sshll.u32 @!p1 s9, $0xE;
	_ =	swait.ge @!p1 [sflag:s2], $0x12  }
0x1e0: {  	s4 =	sshll.u32 @!p1 s8, $0x11;
	s3 =	sadd.s32 @!p1 $0x11C3C, s3;
	[sflag:s2] =	ssyncset.done @!p1 $0x0  }
0x1e1: {  	[sflag:s2] =	ssyncadd.s32 @!p1 $0xFFFFFFEE;
	s2 =	sor.u32 @!p1 s4, s3  }
0x1e2: {  	s0 =	simm.s32 $0x0;
	[sflag:s2] =	ssyncadd.remote.s32 @!p1 $0xFFFFFFFF  }
0x1e3: {  	s0 =	simm.s32 $0xA119  }
0x1e4: {  	v0 =	vld.msk [tilespmem:s0+$0x0], $0x1;
	_ =	sdelay $0x4  }
0x1e5: {  	(v2sf) =	vpush v0, $0x0;
	_ =	sdelay $0xd  }
0x1e6: {  	s3 =	sadd.s32 $0xFFFFFFFE, s6  }
0x1e7: {  	s4 =	sadd.s32 $0xFFFFFFFF, s3;
	s2 =	spop (v2sf)  }
0x1e8: {  	p2 =	sne.s32 s4, $0x0;
	p1 =	sgt.u32 s2, $0x270F8  }
.Ltmp34:
0x1e9: {  	s5 =	sand.u32 @!p1 $0x3FFF8, s2;
	(pc) =	sbr.rel @!p2 .LBB2_43-.Ltmp34, $4  }
0x1ea: {  	s0 =	simm.s32 $0xA178;
	s2 =	sand.u32 @!p1 $0x7, s2;
	s3 =	sadd.s32 @!p1 s1, s5  }
0x1eb: {  	[hbm4b:s3+s2] =	stream.linear.scatter @!p1 [tilespmem:s0], [sflag:$0x5], $0x40, $0x38;
	[tilespmem:$0x1EF88] =	vst v63  }
0x1ec: {  	s2 =	simm.s32 $0x0  }
0x1ed: {  	s6 =	simm.s32 $0xA11A;
	s5 =	simm.s32 $0x0;
	s2 =	simm.s32 @!p1 $0x100  }
.LBB2_42:
0x1ee: {  	v0 =	vld.msk [tilespmem:s6+$0x0], $0x1;
	s4 =	sadd.s32 $0xFFFFFFFF, s4;
	s5 =	sadd.s32 s5, s2  }
0x1ef: {  	p1 =	sne.s32 s4, $0x0;
	_ =	sdelay $0x3  }
0x1f0: {  	(v2sf) =	vpush v0, $0x0;
	_ =	sdelay $0xe  }
.Ltmp35:
0x1f1: {  	s3 =	spop (v2sf);
	(pc) =	sbr.rel @p1 .LBB2_42-.Ltmp35, $4  }
0x1f2: {  	s2 =	simm.s32 $0x0;
	p2 =	sgt.u32 s3, $0x270F8  }
0x1f3: {  	s0 =	sadd.s32 $0x40, s0;
	s2 =	simm.s32 @!p2 $0x100;
	s7 =	sand.u32 @!p2 $0x3FFF8, s3  }
0x1f4: {  	s6 =	sadd.s32 $0x1, s6;
	s3 =	sand.u32 @!p2 $0x7, s3;
	s7 =	sadd.s32 @!p2 s1, s7  }
0x1f5: {  	[hbm4b:s7+s3] =	stream.linear.scatter @!p2 [tilespmem:s0], [sflag:$0x5], $0x40, $0x38;
	[tilespmem:$0x1EF88] =	vst v63  }
.LBB2_43:
0x1f6: {  	s0 =	sadd.s32 s5, s2  }
0x1f7: {  	s0 =	sshrl.u32 s0, $0x2  }
.LBB2_44:
0x1f8: {  	s2 =	simm.s32 $0x5  }
0x1f9: {  	_ =	swait.ge [sflag:s2], s0  }
0x1fa: {  	s31 =	ssub.s32 $0x0, s0;
	[sflag:s2] =	ssyncset.done $0x0  }
0x1fb: {  	[sflag:s2] =	ssyncadd.s32 s31  }
0x1fc: {  	[sflag:s2] =	ssyncpa.u1 $0x1  }
.LBB2_45:
0x1fd: {  	s0 =	sor.u32 s14, s15  }
0x1fe: {  	p1 =	sne.s32 s0, $0x0  }
.Ltmp36:
0x1ff: {  	_ = 	snop;
	(pc) =	sbr.rel @p1 .LBB2_60-.Ltmp36, $3  }
0x200: {  	_ =	sdelay $0x1  }
0x201: {  	[bflag:$0x0] =	sbarrier.arrive $0xFFFF  }
0x202: {  	_ =	sfence  }
0x203: {  	s0 =	simm.s32 $0x7  }
0x204: {  	s2 =	simm.s32 $0x800;
	s3 =	simm.s32 $0xA118;
	[sflag:s0] =	ssyncpa.u1 $0x0  }
0x205: {  	[tilespmem:s3], [sflag:$0x7] =	stream.linear.gather [spmem:s2], $0x20, $0x38;
	[tilespmem:$0x1EF88] =	vst v63  }
0x206: {  	s30 =	simm.s32 $0xA138;
	s2 =	simm.s32 $0x0  }
0x207: {  	[tilespmem:s30], [sflag:$0x7] =	stream.linear.gather [spmem:s2], $0x800, $0x38;
	[tilespmem:$0x1EF88] =	vst v63  }
.Ltmp37:
0x208: {  	_ = 	snop;
	(pc) =	sbr.rel .LBB2_47-.Ltmp37, $4  }
0x209: {  	_ =	swait.ge [sflag:s0], $0x820  }
0x20a: {  	[sflag:s0] =	ssyncset.done $0x0  }
0x20b: {  	s31 =	simm.s32 $0x8;
	[sflag:s0] =	ssyncadd.s32 $0xFFFFF7E0  }
0x20c: {  	s3 =	simm.s32 $0x0;
	[sflag:s31] =	ssyncpa.u1 $0x0  }
.LBB2_53:
0x20d: {  	p1 =	slt.u32 s0, $0x270F9  }
0x20e: {  	s4 =	sand.u32 @p1 $0x3FFF8, s0  }
0x20f: {  	s0 =	sand.u32 @p1 $0x7, s0;
	s5 =	simm.s32 @p1 $0xA0C8;
	s4 =	sadd.s32 @p1 s1, s4  }
0x210: {  	[tilespmem:s5], [sflag:$0x8] =	stream.linear.gather @p1 [hbm4b:s4+s0], $0x40, $0x38;
	[tilespmem:$0x1EF88] =	vst v63  }
0x211: {  	s0 =	simm.s32 @p1 $0x8  }
0x212: {  	_ =	swait.ge @p1 [sflag:s0], $0x40  }
0x213: {  	[sflag:s0] =	ssyncset.done @p1 $0x0  }
0x214: {  	[sflag:s0] =	ssyncadd.s32 @p1 $0xFFFFFFC0;
	s0 =	sshll.u32 @p1 s3, $0x8  }
0x215: {  	s4 =	sshrl.u32 @p1 s0, $0x2;
	v1 =	vld @p1 [tilespmem:$0xA0C8]  }
0x216: {  	v2 =	vld @p1 [tilespmem:s4+$0xA138];
	_ =	sdelay $0x4  }
0x217: {  	v1 =	vmax.f32 @p1 v1, v2  }
0x218: {  	v2 =	vld @p1 [tilespmem:s4+$0xA148];
	[tilespmem:s4+$0xA138] =	vst @p1 v1  }
0x219: {  	v1 =	vld @p1 [tilespmem:$0xA0D8];
	_ =	sdelay $0x4  }
0x21a: {  	v1 =	vmax.f32 @p1 v1, v2  }
0x21b: {  	v2 =	vld @p1 [tilespmem:s4+$0xA158];
	[tilespmem:s4+$0xA148] =	vst @p1 v1  }
0x21c: {  	v1 =	vld @p1 [tilespmem:$0xA0E8];
	_ =	sdelay $0x4  }
0x21d: {  	v1 =	vmax.f32 @p1 v1, v2  }
0x21e: {  	v2 =	vld @p1 [tilespmem:s4+$0xA168];
	[tilespmem:s4+$0xA158] =	vst @p1 v1  }
0x21f: {  	v1 =	vld @p1 [tilespmem:$0xA0F8];
	_ =	sdelay $0x4  }
0x220: {  	s5 =	sshll.u32 @!p1 s3, $0x8;
	v1 =	vmax.f32 @p1 v1, v2  }
0x221: {  	s5 =	smov.u32 @p1 s0;
	[tilespmem:s4+$0xA168] =	vst @p1 v1  }
0x222: {  	s0 =	sshrl.u32 s5, $0x2;
	[tilespmem:s2+$0xA118] =	vst.msk $0x1, v0  }
0x223: {  	v0 =	vld [tilespmem:s0+$0xA138];
	_ =	sdelay $0x2  }
0x224: {  	s31 =	sshll.u32 s2, $0x8  }
0x225: {  	s4 =	sshra.s32 s31, $0x2  }
0x226: {  	[tilespmem:s4+$0xA138] =	vst v0  }
0x227: {  	v0 =	vld [tilespmem:s0+$0xA148];
	_ =	sdelay $0x4  }
0x228: {  	[tilespmem:s4+$0xA148] =	vst v0  }
0x229: {  	v0 =	vld [tilespmem:s0+$0xA158];
	_ =	sdelay $0x4  }
0x22a: {  	[tilespmem:s4+$0xA158] =	vst v0  }
0x22b: {  	v0 =	vld [tilespmem:s0+$0xA168];
	_ =	sdelay $0x4  }
0x22c: {  	s2 =	sadd.s32 $0x1, s2;
	[tilespmem:s4+$0xA168] =	vst v0  }
.LBB2_54:
0x22d: {  	s3 =	sadd.s32 $0x1, s3  }
0x22e: {  	p1 =	sne.s32 s3, $0x20  }
.Ltmp38:
0x22f: {  	_ = 	snop;
	(pc) =	sbr.rel @!p1 .LBB2_55-.Ltmp38, $1  }
0x230: {  	_ =	sdelay $0x3  }
.LBB2_47:
0x231: {  	v0 =	vld.msk [tilespmem:s3+$0xA118], $0x1;
	_ =	sdelay $0x4  }
0x232: {  	(v2sf) =	vpush v0, $0x0;
	_ =	sdelay $0xe  }
0x233: {  	s0 =	spop (v2sf)  }
0x234: {  	p1 =	seq.s32 s0, $0xFFFFFFFF  }
.Ltmp39:
0x235: {  	_ = 	snop;
	(pc) =	sbr.rel @p1 .LBB2_54-.Ltmp39, $1  }
0x236: {  	_ =	sdelay $0x3  }
0x237: {  	p1 =	slt.s32 s2, $0x1  }
.Ltmp40:
0x238: {  	_ = 	snop;
	(pc) =	sbr.rel @p1 .LBB2_53-.Ltmp40, $1  }
0x239: {  	_ =	sdelay $0x3  }
0x23a: {  	s4 =	simm.s32 $0xA118;
	p1 =	por $0x0, $0x0  }
0x23b: {  	v1 =	vld.msk @!p1 [tilespmem:s4+$0x0], $0x1;
	_ =	sdelay $0x4  }
0x23c: {  	(v2sf) =	vpush @!p1 v1, $0x0;
	_ =	sdelay $0xd  }
0x23d: {  	p3 =	sne.s32 s2, $0x1  }
.Ltmp41:
0x23e: {  	s5 =	spop @!p1 (v2sf);
	(pc) =	sbr.rel @!p3 .LBB2_51-.Ltmp41, $4  }
0x23f: {  	p2 =	seq.s32 @!p1 s0, s5  }
0x240: {  	s5 =	simm.s32 $0x0;
	p2 =	por !p2, p1  }
0x241: {  	s7 =	simm.s32 $0xFFFFFFFF;
	s5 =	simm.s32 @p2 $0xFFFFFFFF  }
0x242: {  	s6 =	simm.s32 $0x1;
	s5 =	smov.u32 @p1 s7  }
.LBB2_50:
0x243: {  	s7 =	smov.u32 s5;
	p1 =	sne.s32 s5, $0xFFFFFFFF  }
0x244: {  	s4 =	sadd.s32 $0x1, s4;
	s5 =	smov.u32 s6;
	s6 =	sadd.s32 $0x1, s6  }
0x245: {  	p2 =	sne.s32 s2, s6;
	v1 =	vld.msk @!p1 [tilespmem:s4+$0x0], $0x1;
	_ =	sdelay $0x4  }
0x246: {  	(v2sf) =	vpush @!p1 v1, $0x0;
	_ =	sdelay $0xe  }
.Ltmp42:
0x247: {  	s8 =	spop @!p1 (v2sf);
	(pc) =	sbr.rel @p2 .LBB2_50-.Ltmp42, $4  }
0x248: {  	p3 =	seq.s32 @!p1 s0, s8  }
0x249: {  	p3 =	por !p3, p1  }
0x24a: {  	s5 =	simm.s32 @p3 $0xFFFFFFFF  }
0x24b: {  	s5 =	smov.u32 @p1 s7  }
.LBB2_51:
0x24c: {  	p1 =	seq.s32 s5, $0xFFFFFFFF  }
.Ltmp43:
0x24d: {  	_ = 	snop;
	(pc) =	sbr.rel @p1 .LBB2_53-.Ltmp43, $1  }
0x24e: {  	_ =	sdelay $0x3  }
0x24f: {  	s0 =	sshll.u32 s3, $0x6  }
0x250: {  	s4 =	sshll.u32 s5, $0x8;
	s0 =	sand.u32 $0x3FFFFFC0, s0  }
0x251: {  	s4 =	sshra.s32 s4, $0x2;
	v0 =	vld [tilespmem:s0+$0xA138]  }
0x252: {  	v1 =	vld [tilespmem:s4+$0xA138];
	_ =	sdelay $0x4  }
0x253: {  	v0 =	vmax.f32 v0, v1  }
0x254: {  	v61 =	vld [tilespmem:s4+$0xA148];
	[tilespmem:s4+$0xA138] =	vst v0  }
0x255: {  	v0 =	vld [tilespmem:s0+$0xA148];
	_ =	sdelay $0x4  }
0x256: {  	v0 =	vmax.f32 v0, v61  }
0x257: {  	v62 =	vld [tilespmem:s4+$0xA158];
	[tilespmem:s4+$0xA148] =	vst v0  }
0x258: {  	v0 =	vld [tilespmem:s0+$0xA158];
	_ =	sdelay $0x4  }
0x259: {  	v0 =	vmax.f32 v0, v62  }
0x25a: {  	v63 =	vld [tilespmem:s4+$0xA168];
	[tilespmem:s4+$0xA158] =	vst v0  }
0x25b: {  	v0 =	vld [tilespmem:s0+$0xA168];
	_ =	sdelay $0x1  }
.Ltmp44:
0x25c: {  	_ = 	snop;
	(pc) =	sbr.rel .LBB2_54-.Ltmp44, $3  }
0x25d: {  	_ =	sdelay $0x1  }
0x25e: {  	v0 =	vmax.f32 v0, v63  }
0x25f: {  	[tilespmem:s4+$0xA168] =	vst v0  }
.LBB2_55:
0x260: {  	p1 =	slt.s32 s2, $0x1  }
.Ltmp45:
0x261: {  	_ = 	snop;
	(pc) =	sbr.rel @p1 .LBB2_59-.Ltmp45, $3  }
0x262: {  	_ =	sdelay $0x1  }
0x263: {  	s0 =	simm.s32 $0x8  }
0x264: {  	[sflag:s0] =	ssyncpa.u1 $0x1;
	s0 =	simm.s32 $0x0  }
0x265: {  	s3 =	simm.s32 $0xA118  }
0x266: {  	v0 =	vld.msk [tilespmem:s3+$0x0], $0x1;
	_ =	sdelay $0x4  }
0x267: {  	(v2sf) =	vpush v0, $0x0;
	_ =	sdelay $0xe  }
0x268: {  	s2 =	sadd.s32 $0xFFFFFFFF, s2;
	s4 =	spop (v2sf)  }
0x269: {  	p2 =	sne.s32 s2, $0x0;
	p1 =	sgt.u32 s4, $0x270F8  }
.Ltmp46:
0x26a: {  	s5 =	sand.u32 @!p1 $0x3FFF8, s4;
	(pc) =	sbr.rel @!p2 .LBB2_58-.Ltmp46, $4  }
0x26b: {  	s3 =	simm.s32 $0xA138;
	s4 =	sand.u32 @!p1 $0x7, s4;
	s5 =	sadd.s32 @!p1 s1, s5  }
0x26c: {  	[hbm4b:s5+s4] =	stream.linear.scatter @!p1 [tilespmem:s3], [sflag:$0x7], $0x40, $0x38;
	[tilespmem:$0x1EF88] =	vst v63  }
0x26d: {  	s5 =	simm.s32 $0x0  }
0x26e: {  	s4 =	simm.s32 $0xA119;
	s5 =	simm.s32 @!p1 $0x100  }
.LBB2_57:
0x26f: {  	v0 =	vld.msk [tilespmem:s4+$0x0], $0x1;
	s2 =	sadd.s32 $0xFFFFFFFF, s2;
	s0 =	sadd.s32 s0, s5  }
0x270: {  	p1 =	sne.s32 s2, $0x0;
	_ =	sdelay $0x3  }
0x271: {  	(v2sf) =	vpush v0, $0x0;
	_ =	sdelay $0xe  }
.Ltmp47:
0x272: {  	s6 =	spop (v2sf);
	(pc) =	sbr.rel @p1 .LBB2_57-.Ltmp47, $4  }
0x273: {  	s5 =	simm.s32 $0x0;
	p2 =	sgt.u32 s6, $0x270F8  }
0x274: {  	s3 =	sadd.s32 $0x40, s3;
	s5 =	simm.s32 @!p2 $0x100;
	s7 =	sand.u32 @!p2 $0x3FFF8, s6  }
0x275: {  	s4 =	sadd.s32 $0x1, s4;
	s6 =	sand.u32 @!p2 $0x7, s6;
	s7 =	sadd.s32 @!p2 s1, s7  }
0x276: {  	[hbm4b:s7+s6] =	stream.linear.scatter @!p2 [tilespmem:s3], [sflag:$0x7], $0x40, $0x38;
	[tilespmem:$0x1EF88] =	vst v63  }
.LBB2_58:
0x277: {  	s0 =	sadd.s32 s0, s5  }
0x278: {  	s0 =	sshrl.u32 s0, $0x2  }
.LBB2_59:
0x279: {  	s1 =	simm.s32 $0x7  }
0x27a: {  	_ =	swait.ge [sflag:s1], s0  }
0x27b: {  	s31 =	ssub.s32 $0x0, s0;
	[sflag:s1] =	ssyncset.done $0x0  }
0x27c: {  	[sflag:s1] =	ssyncadd.s32 s31  }
0x27d: {  	[sflag:s1] =	ssyncpa.u1 $0x1  }
.LBB2_60:
0x27e: {  	_ =	sfence;
	s0 =	simm.s32 $0x1  }
0x27f: {  	[sflag:s0] =	ssyncpa.u1 $0x1  }
0x280: {  	_ =	strace $0x90000047  }
0x281: {  	[bflag:$0x2] =	sbarrier.arrive $0xFFFF  }
0x282: {  	s0 =	rddreg [dreg:$0x3]  }
0x283: {  	s0 =	sadd.s32 @!p0 $0x100000, s0  }
0x284: {  	[sflag:s0] =	ssyncadd.tile.s32 @!p0 $0x1;
	_ =	shalt  }
.Lfunc_end2:
_tile_overlayer_lowered:
.L_overlay_start_2:
0x285: {  	(tag) =	ssettag $0x2  }
0x286: {  	s0 =	rddreg [dreg:$0x0];
	s2 =	stileid.u32  }
0x287: {  	s1 =	rddreg [dreg:$0x1];
	p0 =	sne.s32 s2, $0x0  }
0x288: {  	s3 =	rddreg [dreg:$0x2];
	[bflag:$0x3] =	sbarrier.arrive $0xFFFF;
	s2 =	simm.s32 @!p0 $0x1C01  }
0x289: {  	[timem:s3], [sflag:s2] =	dma.local @!p0 [hbm:s0], s1  }
0x28a: {  	s0 =	simm.s32 @!p0 $0x1  }
0x28b: {  	_ =	swait.ge @!p0 [sflag:s0], s1  }
0x28c: {  	s1 =	ssub.s32 @!p0 $0x0, s1;
	[sflag:s0] =	ssyncset.done @!p0 $0x0  }
0x28d: {  	[sflag:s0] =	ssyncadd.s32 @!p0 s1  }
0x28e: {  	[bflag:$0x3] =	sbarrier.arrive $0xFFFF  }
0x28f: {  	_ =	shalt  }

</sc_bundles>
